<compile_context>
chip_gen: v7x
topology: tpu7x:2x2x1
jax: 0.10.2.dev20260603
libtpu: 0.0.44.dev20260713+nightly
codegen_flags: <defaults>
</compile_context>

<pallas_src>
import functools

import jax
import jax.numpy as jnp
from jax import lax
from jax.experimental import pallas as pl
from jax.experimental.pallas import tpu as pltpu
from jax.experimental.pallas import tpu_sc as plsc

_N_TAB = 49
_D = 128
_G = 128
_C = 256
_NBUF = 3
_PREF = 2
_NC = 2
_NS = 16
_NW = _NC * _NS


def _sc_body(nsteps, seq_hbm, idx_hbm, tab_hbm, out_hbm,
             tab_sh, idx_v, seq_v,
             ssems, gsems, osems):
    cid = lax.axis_index("c")
    sid = lax.axis_index("s")
    wid = sid * _NC + cid
    chunk0 = wid * nsteps

    @pl.when(sid == 0)
    def _():
        pltpu.sync_copy(tab_hbm, tab_sh)
    plsc.subcore_barrier()

    pltpu.sync_copy(idx_hbm.at[pl.ds(chunk0 * 2, nsteps * 2)], idx_v)

    def issue_in(g, b):
        pltpu.async_copy(seq_hbm.at[pl.ds((chunk0 + g) * _C, _C)],
                         seq_v.at[b], ssems.at[b])

    def prep_gather(g, b):
        pltpu.make_async_copy(seq_hbm.at[pl.ds(0, _C)], seq_v.at[b],
                              ssems.at[b]).wait()
        for j in range(2):
            for i in range(_G // 16):
                v = idx_v[2 * g + j, pl.ds(i * 16, 16)]
                idx_v[2 * g + j, pl.ds(i * 16, 16)] = jnp.where(
                    v == -1, _N_TAB - 1, v)
            pltpu.async_copy(tab_sh.at[idx_v.at[2 * g + j]],
                             seq_v.at[b, pl.ds(j * _G, _G)],
                             gsems.at[b], add=True)

    def wait_gather(g, b):
        for j in range(2):
            pltpu.make_async_copy(tab_sh.at[idx_v.at[2 * g + j]],
                                  seq_v.at[b, pl.ds(j * _G, _G)],
                                  gsems.at[b]).wait()

    def issue_out(g, b):
        pltpu.async_copy(seq_v.at[b],
                         out_hbm.at[pl.ds((chunk0 + g) * _C, _C)],
                         osems.at[b])

    def wait_out_slot(b):
        pltpu.make_async_copy(seq_v.at[b], out_hbm.at[pl.ds(0, _C)],
                              osems.at[b]).wait()

    for b in range(_PREF):
        issue_in(b, b)
    prep_gather(0, 0)

    def iteration(g, b):
        wait_gather(g, b)
        issue_out(g, b)
        nb1 = (b + 1) % _NBUF

        @pl.when(g + 1 < nsteps)
        def _():
            prep_gather(g + 1, nb1)

        nbr = (b + _PREF) % _NBUF

        @pl.when(g + _PREF < nsteps)
        def _():
            @pl.when(g >= _NBUF - _PREF)
            def _():
                wait_out_slot(nbr)
            issue_in(g + _PREF, nbr)

    def group(grp, carry):
        for b in range(_NBUF):
            iteration(grp * _NBUF + b, b)
        return carry

    ngroups = nsteps // _NBUF
    lax.fori_loop(0, ngroups, group, 0)
    for r in range(nsteps - ngroups * _NBUF):
        iteration(ngroups * _NBUF + r, r)

    for b in range(_NBUF):
        wait_out_slot(b)


def kernel(seq, time_stamp, time_embed):
    B, L, D = seq.shape
    n = B * L
    seq2 = seq.reshape(n, D)
    idx2 = time_stamp.reshape(-1).astype(jnp.int32).reshape(n // _G, _G)
    nsteps = n // (_NW * _C)
    mesh = plsc.VectorSubcoreMesh(core_axis_name="c", subcore_axis_name="s")
    out = pl.kernel(
        functools.partial(_sc_body, nsteps),
        out_type=jax.ShapeDtypeStruct((n, D), jnp.float32),
        mesh=mesh,
        scratch_types=[
            pltpu.VMEM_SHARED((_N_TAB, _D), jnp.float32),
            pltpu.VMEM((2 * n // (_NW * _C), _G), jnp.int32),
            pltpu.VMEM((_NBUF, _C, _D), jnp.float32),
            pltpu.SemaphoreType.DMA((_NBUF,)),
            pltpu.SemaphoreType.DMA((_NBUF,)),
            pltpu.SemaphoreType.DMA((_NBUF,)),
        ],
    )(seq2, idx2, time_embed)
    return out.reshape(B, L, D)

# --- scband reference (transcript-rebuilt; emitter-appended) ---
"""Pipeline reference for scband-time-enc-21406117003329 (READ-ONLY COPY).

The authoritative reference and input builder live on the scoring server;
editing this copy changes nothing except your own understanding.
"""

import jax, jax.numpy as jnp
import numpy as np

D_MODEL = 128
RATE = 1.0
MAX_LEN = 49
B = 4096
L = 200


def setup_inputs(seed: int = 0) -> dict:
    key = jax.random.key(seed)
    k1, k2, k3 = jax.random.split(key, 3)
    seq = jax.random.normal(k1, (B, L, D_MODEL), dtype=jnp.float32)
    time_stamp = jax.random.randint(k2, (B, L), 0, 48, dtype=jnp.int64)
    time_embed = jax.random.normal(k3, (MAX_LEN, D_MODEL), dtype=jnp.float32)
    return {"seq": seq, "time_stamp": time_stamp, "time_embed": time_embed}


def reference(seq, time_stamp, time_embed):
    flat = time_stamp.reshape(-1)
    flat = jnp.where(flat == -1, MAX_LEN - 1, flat)
    emb = jnp.take(time_embed, flat, axis=0)
    emb = emb.reshape(time_stamp.shape[0], time_stamp.shape[1], -1)
    return seq + emb * RATE

if __name__ == "__main__":
    import jax
    _d = setup_inputs()
    print(jax.jit(kernel)(*tuple(_d.values())))

</pallas_src>

<mosaic_0001>
#map = affine_map<(d0, d1) -> (0, 0)>
module attributes {stable_mosaic.version = 14 : i64} {
  func.func @_sc_body(%arg0: i32, %arg1: i32, %arg2: memref<819200x128xf32, #tpu.memory_space<hbm>>, %arg3: memref<6400x128xi32, #tpu.memory_space<hbm>>, %arg4: memref<49x128xf32, #tpu.memory_space<hbm>>, %arg5: memref<819200x128xf32, #tpu.memory_space<hbm>>, %arg6: memref<49x128xf32, #tpu.memory_space<vmem_shared>>, %arg7: memref<200x128xi32, #tpu.memory_space<vmem>>, %arg8: memref<3x256x128xf32, #tpu.memory_space<vmem>>, %arg9: memref<3x!tpu.dma_semaphore, #tpu.memory_space<semaphore_mem>>, %arg10: memref<3x!tpu.dma_semaphore, #tpu.memory_space<semaphore_mem>>, %arg11: memref<3x!tpu.dma_semaphore, #tpu.memory_space<semaphore_mem>>) attributes {dimension_semantics = [#tpu.dimension_semantics<core_parallel>, #tpu.dimension_semantics<subcore_parallel>], iteration_bounds = array<i64: 2, 16>, scalar_prefetch = 0 : i64, scratch_operands = 6 : i64, tpu.core_type = #tpu.core_type<sc_vector_subcore>, window_params = [{transform_indices = #map}, {transform_indices = #map}, {transform_indices = #map}, {transform_indices = #map}]} {
    %mul3A = arith.constant 2 : i32
    %mul3A_0 = arith.muli %arg1, %mul3A : i32
    %add3A = arith.addi %mul3A_0, %arg0 : i32
    %mul3A_1 = arith.constant 100 : i32
    %mul3A_2 = arith.muli %add3A, %mul3A_1 : i32
    %eq3A = arith.constant 0 : i32
    %eq3A_3 = arith.cmpi eq, %arg1, %eq3A : i32
    %convert_element_type3A = arith.extui %eq3A_3 : i1 to i32
    %cond3A = arith.constant 0 : i32
    %cond3A_4 = arith.cmpi ne, %convert_element_type3A, %cond3A : i32
    scf.if %cond3A_4 {
      "tpu.region"() ({
        %run_scoped3A = tpu.sem_alloc : memref<!tpu.dma_semaphore, #tpu.memory_space<semaphore_mem>>
        tpu.enqueue_dma source(%arg4 : memref<49x128xf32, #tpu.memory_space<hbm>>) target(%arg6 : memref<49x128xf32, #tpu.memory_space<vmem_shared>>) target_semaphore(%run_scoped3A : memref<!tpu.dma_semaphore, #tpu.memory_space<semaphore_mem>>)
        tpu.wait_dma2 semaphore(%run_scoped3A : memref<!tpu.dma_semaphore, #tpu.memory_space<semaphore_mem>>) src(%arg4 : memref<49x128xf32, #tpu.memory_space<hbm>>) dst(%arg6 : memref<49x128xf32, #tpu.memory_space<vmem_shared>>)
        tpu.yield
      }) : () -> ()
    } else {
    }
    %barrier3A = arith.constant 0 : index
    tpu.barrier barrier_id(%barrier3A)
    %mul3A_5 = arith.constant 2 : i32
    %mul3A_6 = arith.muli %mul3A_2, %mul3A_5 : i32
    "tpu.region"() ({
      %run_scoped3A = tpu.sem_alloc : memref<!tpu.dma_semaphore, #tpu.memory_space<semaphore_mem>>
      %dma_start3A_469 = arith.constant 0 : i32
      %dma_start3A_470 = tpu.memref_slice %arg3[%mul3A_6, %dma_start3A_469] : memref<6400x128xi32, #tpu.memory_space<hbm>> -> memref<200x128xi32, #tpu.memory_space<hbm>>
      %dma_start3A_471 = arith.constant 0 : i32
      %dma_start3A_472 = tpu.memref_slice %arg3[%mul3A_6, %dma_start3A_471] : memref<6400x128xi32, #tpu.memory_space<hbm>> -> memref<200x128xi32, #tpu.memory_space<hbm>>
      tpu.enqueue_dma source(%dma_start3A_472 : memref<200x128xi32, #tpu.memory_space<hbm>>) target(%arg7 : memref<200x128xi32, #tpu.memory_space<vmem>>) target_semaphore(%run_scoped3A : memref<!tpu.dma_semaphore, #tpu.memory_space<semaphore_mem>>)
      %dma_wait3A_473 = arith.constant 0 : i32
      %dma_wait3A_474 = tpu.memref_slice %arg3[%mul3A_6, %dma_wait3A_473] : memref<6400x128xi32, #tpu.memory_space<hbm>> -> memref<200x128xi32, #tpu.memory_space<hbm>>
      %dma_wait3A_475 = arith.constant 0 : i32
      %dma_wait3A_476 = tpu.memref_slice %arg3[%mul3A_6, %dma_wait3A_475] : memref<6400x128xi32, #tpu.memory_space<hbm>> -> memref<200x128xi32, #tpu.memory_space<hbm>>
      tpu.wait_dma2 semaphore(%run_scoped3A : memref<!tpu.dma_semaphore, #tpu.memory_space<semaphore_mem>>) src(%dma_wait3A_476 : memref<200x128xi32, #tpu.memory_space<hbm>>) dst(%arg7 : memref<200x128xi32, #tpu.memory_space<vmem>>)
      tpu.yield
    }) : () -> ()
    %add3A_7 = arith.constant 0 : i32
    %add3A_8 = arith.addi %mul3A_2, %add3A_7 : i32
    %mul3A_9 = arith.constant 256 : i32
    %mul3A_10 = arith.muli %add3A_8, %mul3A_9 : i32
    %dma_start3A = arith.constant 0 : i32
    %dma_start3A_11 = arith.constant 0 : i32
    %dma_start3A_12 = arith.constant 0 : i32
    %dma_start3A_13 = arith.constant 0 : i32
    %dma_start3A_14 = tpu.memref_slice %arg8[%dma_start3A, %dma_start3A_12, %dma_start3A_13] : memref<3x256x128xf32, #tpu.memory_space<vmem>> -> memref<1x256x128xf32, #tpu.memory_space<vmem>>
    %dma_start3A_15 = tpu.memref_squeeze %dma_start3A_14 : memref<1x256x128xf32, #tpu.memory_space<vmem>> -> memref<256x128xf32, #tpu.memory_space<vmem>>
    %dma_start3A_16 = arith.constant 0 : i32
    %dma_start3A_17 = tpu.memref_slice %arg2[%mul3A_10, %dma_start3A_16] : memref<819200x128xf32, #tpu.memory_space<hbm>> -> memref<256x128xf32, #tpu.memory_space<hbm>>
    %dma_start3A_18 = tpu.memref_slice %arg9[%dma_start3A_11] : memref<3x!tpu.dma_semaphore, #tpu.memory_space<semaphore_mem>> -> memref<1x!tpu.dma_semaphore, #tpu.memory_space<semaphore_mem>>
    %dma_start3A_19 = tpu.memref_squeeze %dma_start3A_18 : memref<1x!tpu.dma_semaphore, #tpu.memory_space<semaphore_mem>> -> memref<!tpu.dma_semaphore, #tpu.memory_space<semaphore_mem>>
    %dma_start3A_20 = arith.constant 0 : i32
    %dma_start3A_21 = arith.constant 0 : i32
    %dma_start3A_22 = tpu.memref_slice %arg8[%dma_start3A, %dma_start3A_20, %dma_start3A_21] : memref<3x256x128xf32, #tpu.memory_space<vmem>> -> memref<1x256x128xf32, #tpu.memory_space<vmem>>
    %dma_start3A_23 = tpu.memref_squeeze %dma_start3A_22 : memref<1x256x128xf32, #tpu.memory_space<vmem>> -> memref<256x128xf32, #tpu.memory_space<vmem>>
    %dma_start3A_24 = arith.constant 0 : i32
    %dma_start3A_25 = tpu.memref_slice %arg2[%mul3A_10, %dma_start3A_24] : memref<819200x128xf32, #tpu.memory_space<hbm>> -> memref<256x128xf32, #tpu.memory_space<hbm>>
    tpu.enqueue_dma source(%dma_start3A_25 : memref<256x128xf32, #tpu.memory_space<hbm>>) target(%dma_start3A_23 : memref<256x128xf32, #tpu.memory_space<vmem>>) target_semaphore(%dma_start3A_19 : memref<!tpu.dma_semaphore, #tpu.memory_space<semaphore_mem>>)
    %add3A_26 = arith.constant 1 : i32
    %add3A_27 = arith.addi %mul3A_2, %add3A_26 : i32
    %mul3A_28 = arith.constant 256 : i32
    %mul3A_29 = arith.muli %add3A_27, %mul3A_28 : i32
    %dma_start3A_30 = arith.constant 1 : i32
    %dma_start3A_31 = arith.constant 1 : i32
    %dma_start3A_32 = arith.constant 0 : i32
    %dma_start3A_33 = arith.constant 0 : i32
    %dma_start3A_34 = tpu.memref_slice %arg8[%dma_start3A_30, %dma_start3A_32, %dma_start3A_33] : memref<3x256x128xf32, #tpu.memory_space<vmem>> -> memref<1x256x128xf32, #tpu.memory_space<vmem>>
    %dma_start3A_35 = tpu.memref_squeeze %dma_start3A_34 : memref<1x256x128xf32, #tpu.memory_space<vmem>> -> memref<256x128xf32, #tpu.memory_space<vmem>>
    %dma_start3A_36 = arith.constant 0 : i32
    %dma_start3A_37 = tpu.memref_slice %arg2[%mul3A_29, %dma_start3A_36] : memref<819200x128xf32, #tpu.memory_space<hbm>> -> memref<256x128xf32, #tpu.memory_space<hbm>>
    %dma_start3A_38 = tpu.memref_slice %arg9[%dma_start3A_31] : memref<3x!tpu.dma_semaphore, #tpu.memory_space<semaphore_mem>> -> memref<1x!tpu.dma_semaphore, #tpu.memory_space<semaphore_mem>>
    %dma_start3A_39 = tpu.memref_squeeze %dma_start3A_38 : memref<1x!tpu.dma_semaphore, #tpu.memory_space<semaphore_mem>> -> memref<!tpu.dma_semaphore, #tpu.memory_space<semaphore_mem>>
    %dma_start3A_40 = arith.constant 0 : i32
    %dma_start3A_41 = arith.constant 0 : i32
    %dma_start3A_42 = tpu.memref_slice %arg8[%dma_start3A_30, %dma_start3A_40, %dma_start3A_41] : memref<3x256x128xf32, #tpu.memory_space<vmem>> -> memref<1x256x128xf32, #tpu.memory_space<vmem>>
    %dma_start3A_43 = tpu.memref_squeeze %dma_start3A_42 : memref<1x256x128xf32, #tpu.memory_space<vmem>> -> memref<256x128xf32, #tpu.memory_space<vmem>>
    %dma_start3A_44 = arith.constant 0 : i32
    %dma_start3A_45 = tpu.memref_slice %arg2[%mul3A_29, %dma_start3A_44] : memref<819200x128xf32, #tpu.memory_space<hbm>> -> memref<256x128xf32, #tpu.memory_space<hbm>>
    tpu.enqueue_dma source(%dma_start3A_45 : memref<256x128xf32, #tpu.memory_space<hbm>>) target(%dma_start3A_43 : memref<256x128xf32, #tpu.memory_space<vmem>>) target_semaphore(%dma_start3A_39 : memref<!tpu.dma_semaphore, #tpu.memory_space<semaphore_mem>>)
    %dma_wait3A = arith.constant 0 : i32
    %dma_wait3A_46 = arith.constant 0 : i32
    %dma_wait3A_47 = arith.constant 0 : i32
    %dma_wait3A_48 = arith.constant 0 : i32
    %dma_wait3A_49 = tpu.memref_slice %arg8[%dma_wait3A, %dma_wait3A_47, %dma_wait3A_48] : memref<3x256x128xf32, #tpu.memory_space<vmem>> -> memref<1x256x128xf32, #tpu.memory_space<vmem>>
    %dma_wait3A_50 = tpu.memref_squeeze %dma_wait3A_49 : memref<1x256x128xf32, #tpu.memory_space<vmem>> -> memref<256x128xf32, #tpu.memory_space<vmem>>
    %dma_wait3A_51 = arith.constant 0 : i32
    %dma_wait3A_52 = arith.constant 0 : i32
    %dma_wait3A_53 = tpu.memref_slice %arg2[%dma_wait3A_51, %dma_wait3A_52] : memref<819200x128xf32, #tpu.memory_space<hbm>> -> memref<256x128xf32, #tpu.memory_space<hbm>>
    %dma_wait3A_54 = tpu.memref_slice %arg9[%dma_wait3A_46] : memref<3x!tpu.dma_semaphore, #tpu.memory_space<semaphore_mem>> -> memref<1x!tpu.dma_semaphore, #tpu.memory_space<semaphore_mem>>
    %dma_wait3A_55 = tpu.memref_squeeze %dma_wait3A_54 : memref<1x!tpu.dma_semaphore, #tpu.memory_space<semaphore_mem>> -> memref<!tpu.dma_semaphore, #tpu.memory_space<semaphore_mem>>
    %dma_wait3A_56 = arith.constant 0 : i32
    %dma_wait3A_57 = arith.constant 0 : i32
    %dma_wait3A_58 = tpu.memref_slice %arg8[%dma_wait3A, %dma_wait3A_56, %dma_wait3A_57] : memref<3x256x128xf32, #tpu.memory_space<vmem>> -> memref<1x256x128xf32, #tpu.memory_space<vmem>>
    %dma_wait3A_59 = tpu.memref_squeeze %dma_wait3A_58 : memref<1x256x128xf32, #tpu.memory_space<vmem>> -> memref<256x128xf32, #tpu.memory_space<vmem>>
    %dma_wait3A_60 = arith.constant 0 : i32
    %dma_wait3A_61 = arith.constant 0 : i32
    %dma_wait3A_62 = tpu.memref_slice %arg2[%dma_wait3A_60, %dma_wait3A_61] : memref<819200x128xf32, #tpu.memory_space<hbm>> -> memref<256x128xf32, #tpu.memory_space<hbm>>
    tpu.wait_dma2 semaphore(%dma_wait3A_55 : memref<!tpu.dma_semaphore, #tpu.memory_space<semaphore_mem>>) src(%dma_wait3A_62 : memref<256x128xf32, #tpu.memory_space<hbm>>) dst(%dma_wait3A_59 : memref<256x128xf32, #tpu.memory_space<vmem>>)
    %get3A = arith.constant 0 : i32
    %get3A_63 = arith.index_cast %get3A : i32 to index
    %get3A_64 = arith.constant 0 : index
    %get3A_65 = tpu.vector_load %arg7[%get3A_63, %get3A_64] {strides = array<i32>} : memref<200x128xi32, #tpu.memory_space<vmem>>, vector<1x16xi32>,
    %get3A_66 = vector.shape_cast %get3A_65 : vector<1x16xi32> to vector<16xi32>
    %eq3A_67 = arith.constant -1 : i32
    %eq3A_68 = vector.broadcast %eq3A_67 : i32 to vector<16xi32>
    %eq3A_69 = arith.cmpi eq, %get3A_66, %eq3A_68 : vector<16xi32>
    %jit3A = arith.constant 48 : i32
    %broadcast_in_dim3A = vector.broadcast %jit3A : i32 to vector<16xi32>
    %select_n3A = arith.select %eq3A_69, %broadcast_in_dim3A, %get3A_66 : vector<16xi1>, vector<16xi32>
    %swap3A = arith.constant 0 : i32
    %swap3A_70 = arith.index_cast %swap3A : i32 to index
    %swap3A_71 = arith.constant 0 : index
    %swap3A_72 = tpu.vector_load %arg7[%swap3A_70, %swap3A_71] {strides = array<i32>} : memref<200x128xi32, #tpu.memory_space<vmem>>, vector<1x16xi32>,
    %swap3A_73 = vector.shape_cast %swap3A_72 : vector<1x16xi32> to vector<16xi32>
    %swap3A_74 = vector.shape_cast %select_n3A : vector<16xi32> to vector<1x16xi32>
    tpu.vector_store %arg7[%swap3A_70, %swap3A_71], %swap3A_74 {strides = array<i32>} : memref<200x128xi32, #tpu.memory_space<vmem>>, vector<1x16xi32>,
    %get3A_75 = arith.constant 0 : i32
    %get3A_76 = arith.index_cast %get3A_75 : i32 to index
    %get3A_77 = arith.constant 16 : index
    %get3A_78 = tpu.vector_load %arg7[%get3A_76, %get3A_77] {strides = array<i32>} : memref<200x128xi32, #tpu.memory_space<vmem>>, vector<1x16xi32>,
    %get3A_79 = vector.shape_cast %get3A_78 : vector<1x16xi32> to vector<16xi32>
    %eq3A_80 = arith.constant -1 : i32
    %eq3A_81 = vector.broadcast %eq3A_80 : i32 to vector<16xi32>
    %eq3A_82 = arith.cmpi eq, %get3A_79, %eq3A_81 : vector<16xi32>
    %jit3A_83 = arith.constant 48 : i32
    %broadcast_in_dim3A_84 = vector.broadcast %jit3A_83 : i32 to vector<16xi32>
    %select_n3A_85 = arith.select %eq3A_82, %broadcast_in_dim3A_84, %get3A_79 : vector<16xi1>, vector<16xi32>
    %swap3A_86 = arith.constant 0 : i32
    %swap3A_87 = arith.index_cast %swap3A_86 : i32 to index
    %swap3A_88 = arith.constant 16 : index
    %swap3A_89 = tpu.vector_load %arg7[%swap3A_87, %swap3A_88] {strides = array<i32>} : memref<200x128xi32, #tpu.memory_space<vmem>>, vector<1x16xi32>,
    %swap3A_90 = vector.shape_cast %swap3A_89 : vector<1x16xi32> to vector<16xi32>
    %swap3A_91 = vector.shape_cast %select_n3A_85 : vector<16xi32> to vector<1x16xi32>
    tpu.vector_store %arg7[%swap3A_87, %swap3A_88], %swap3A_91 {strides = array<i32>} : memref<200x128xi32, #tpu.memory_space<vmem>>, vector<1x16xi32>,
    %get3A_92 = arith.constant 0 : i32
    %get3A_93 = arith.index_cast %get3A_92 : i32 to index
    %get3A_94 = arith.constant 32 : index
    %get3A_95 = tpu.vector_load %arg7[%get3A_93, %get3A_94] {strides = array<i32>} : memref<200x128xi32, #tpu.memory_space<vmem>>, vector<1x16xi32>,
    %get3A_96 = vector.shape_cast %get3A_95 : vector<1x16xi32> to vector<16xi32>
    %eq3A_97 = arith.constant -1 : i32
    %eq3A_98 = vector.broadcast %eq3A_97 : i32 to vector<16xi32>
    %eq3A_99 = arith.cmpi eq, %get3A_96, %eq3A_98 : vector<16xi32>
    %jit3A_100 = arith.constant 48 : i32
    %broadcast_in_dim3A_101 = vector.broadcast %jit3A_100 : i32 to vector<16xi32>
    %select_n3A_102 = arith.select %eq3A_99, %broadcast_in_dim3A_101, %get3A_96 : vector<16xi1>, vector<16xi32>
    %swap3A_103 = arith.constant 0 : i32
    %swap3A_104 = arith.index_cast %swap3A_103 : i32 to index
    %swap3A_105 = arith.constant 32 : index
    %swap3A_106 = tpu.vector_load %arg7[%swap3A_104, %swap3A_105] {strides = array<i32>} : memref<200x128xi32, #tpu.memory_space<vmem>>, vector<1x16xi32>,
    %swap3A_107 = vector.shape_cast %swap3A_106 : vector<1x16xi32> to vector<16xi32>
    %swap3A_108 = vector.shape_cast %select_n3A_102 : vector<16xi32> to vector<1x16xi32>
    tpu.vector_store %arg7[%swap3A_104, %swap3A_105], %swap3A_108 {strides = array<i32>} : memref<200x128xi32, #tpu.memory_space<vmem>>, vector<1x16xi32>,
    %get3A_109 = arith.constant 0 : i32
    %get3A_110 = arith.index_cast %get3A_109 : i32 to index
    %get3A_111 = arith.constant 48 : index
    %get3A_112 = tpu.vector_load %arg7[%get3A_110, %get3A_111] {strides = array<i32>} : memref<200x128xi32, #tpu.memory_space<vmem>>, vector<1x16xi32>,
    %get3A_113 = vector.shape_cast %get3A_112 : vector<1x16xi32> to vector<16xi32>
    %eq3A_114 = arith.constant -1 : i32
    %eq3A_115 = vector.broadcast %eq3A_114 : i32 to vector<16xi32>
    %eq3A_116 = arith.cmpi eq, %get3A_113, %eq3A_115 : vector<16xi32>
    %jit3A_117 = arith.constant 48 : i32
    %broadcast_in_dim3A_118 = vector.broadcast %jit3A_117 : i32 to vector<16xi32>
    %select_n3A_119 = arith.select %eq3A_116, %broadcast_in_dim3A_118, %get3A_113 : vector<16xi1>, vector<16xi32>
    %swap3A_120 = arith.constant 0 : i32
    %swap3A_121 = arith.index_cast %swap3A_120 : i32 to index
    %swap3A_122 = arith.constant 48 : index
    %swap3A_123 = tpu.vector_load %arg7[%swap3A_121, %swap3A_122] {strides = array<i32>} : memref<200x128xi32, #tpu.memory_space<vmem>>, vector<1x16xi32>,
    %swap3A_124 = vector.shape_cast %swap3A_123 : vector<1x16xi32> to vector<16xi32>
    %swap3A_125 = vector.shape_cast %select_n3A_119 : vector<16xi32> to vector<1x16xi32>
    tpu.vector_store %arg7[%swap3A_121, %swap3A_122], %swap3A_125 {strides = array<i32>} : memref<200x128xi32, #tpu.memory_space<vmem>>, vector<1x16xi32>,
    %get3A_126 = arith.constant 0 : i32
    %get3A_127 = arith.index_cast %get3A_126 : i32 to index
    %get3A_128 = arith.constant 64 : index
    %get3A_129 = tpu.vector_load %arg7[%get3A_127, %get3A_128] {strides = array<i32>} : memref<200x128xi32, #tpu.memory_space<vmem>>, vector<1x16xi32>,
    %get3A_130 = vector.shape_cast %get3A_129 : vector<1x16xi32> to vector<16xi32>
    %eq3A_131 = arith.constant -1 : i32
    %eq3A_132 = vector.broadcast %eq3A_131 : i32 to vector<16xi32>
    %eq3A_133 = arith.cmpi eq, %get3A_130, %eq3A_132 : vector<16xi32>
    %jit3A_134 = arith.constant 48 : i32
    %broadcast_in_dim3A_135 = vector.broadcast %jit3A_134 : i32 to vector<16xi32>
    %select_n3A_136 = arith.select %eq3A_133, %broadcast_in_dim3A_135, %get3A_130 : vector<16xi1>, vector<16xi32>
    %swap3A_137 = arith.constant 0 : i32
    %swap3A_138 = arith.index_cast %swap3A_137 : i32 to index
    %swap3A_139 = arith.constant 64 : index
    %swap3A_140 = tpu.vector_load %arg7[%swap3A_138, %swap3A_139] {strides = array<i32>} : memref<200x128xi32, #tpu.memory_space<vmem>>, vector<1x16xi32>,
    %swap3A_141 = vector.shape_cast %swap3A_140 : vector<1x16xi32> to vector<16xi32>
    %swap3A_142 = vector.shape_cast %select_n3A_136 : vector<16xi32> to vector<1x16xi32>
    tpu.vector_store %arg7[%swap3A_138, %swap3A_139], %swap3A_142 {strides = array<i32>} : memref<200x128xi32, #tpu.memory_space<vmem>>, vector<1x16xi32>,
    %get3A_143 = arith.constant 0 : i32
    %get3A_144 = arith.index_cast %get3A_143 : i32 to index
    %get3A_145 = arith.constant 80 : index
    %get3A_146 = tpu.vector_load %arg7[%get3A_144, %get3A_145] {strides = array<i32>} : memref<200x128xi32, #tpu.memory_space<vmem>>, vector<1x16xi32>,
    %get3A_147 = vector.shape_cast %get3A_146 : vector<1x16xi32> to vector<16xi32>
    %eq3A_148 = arith.constant -1 : i32
    %eq3A_149 = vector.broadcast %eq3A_148 : i32 to vector<16xi32>
    %eq3A_150 = arith.cmpi eq, %get3A_147, %eq3A_149 : vector<16xi32>
    %jit3A_151 = arith.constant 48 : i32
    %broadcast_in_dim3A_152 = vector.broadcast %jit3A_151 : i32 to vector<16xi32>
    %select_n3A_153 = arith.select %eq3A_150, %broadcast_in_dim3A_152, %get3A_147 : vector<16xi1>, vector<16xi32>
    %swap3A_154 = arith.constant 0 : i32
    %swap3A_155 = arith.index_cast %swap3A_154 : i32 to index
    %swap3A_156 = arith.constant 80 : index
    %swap3A_157 = tpu.vector_load %arg7[%swap3A_155, %swap3A_156] {strides = array<i32>} : memref<200x128xi32, #tpu.memory_space<vmem>>, vector<1x16xi32>,
    %swap3A_158 = vector.shape_cast %swap3A_157 : vector<1x16xi32> to vector<16xi32>
    %swap3A_159 = vector.shape_cast %select_n3A_153 : vector<16xi32> to vector<1x16xi32>
    tpu.vector_store %arg7[%swap3A_155, %swap3A_156], %swap3A_159 {strides = array<i32>} : memref<200x128xi32, #tpu.memory_space<vmem>>, vector<1x16xi32>,
    %get3A_160 = arith.constant 0 : i32
    %get3A_161 = arith.index_cast %get3A_160 : i32 to index
    %get3A_162 = arith.constant 96 : index
    %get3A_163 = tpu.vector_load %arg7[%get3A_161, %get3A_162] {strides = array<i32>} : memref<200x128xi32, #tpu.memory_space<vmem>>, vector<1x16xi32>,
    %get3A_164 = vector.shape_cast %get3A_163 : vector<1x16xi32> to vector<16xi32>
    %eq3A_165 = arith.constant -1 : i32
    %eq3A_166 = vector.broadcast %eq3A_165 : i32 to vector<16xi32>
    %eq3A_167 = arith.cmpi eq, %get3A_164, %eq3A_166 : vector<16xi32>
    %jit3A_168 = arith.constant 48 : i32
    %broadcast_in_dim3A_169 = vector.broadcast %jit3A_168 : i32 to vector<16xi32>
    %select_n3A_170 = arith.select %eq3A_167, %broadcast_in_dim3A_169, %get3A_164 : vector<16xi1>, vector<16xi32>
    %swap3A_171 = arith.constant 0 : i32
    %swap3A_172 = arith.index_cast %swap3A_171 : i32 to index
    %swap3A_173 = arith.constant 96 : index
    %swap3A_174 = tpu.vector_load %arg7[%swap3A_172, %swap3A_173] {strides = array<i32>} : memref<200x128xi32, #tpu.memory_space<vmem>>, vector<1x16xi32>,
    %swap3A_175 = vector.shape_cast %swap3A_174 : vector<1x16xi32> to vector<16xi32>
    %swap3A_176 = vector.shape_cast %select_n3A_170 : vector<16xi32> to vector<1x16xi32>
    tpu.vector_store %arg7[%swap3A_172, %swap3A_173], %swap3A_176 {strides = array<i32>} : memref<200x128xi32, #tpu.memory_space<vmem>>, vector<1x16xi32>,
    %get3A_177 = arith.constant 0 : i32
    %get3A_178 = arith.index_cast %get3A_177 : i32 to index
    %get3A_179 = arith.constant 112 : index
    %get3A_180 = tpu.vector_load %arg7[%get3A_178, %get3A_179] {strides = array<i32>} : memref<200x128xi32, #tpu.memory_space<vmem>>, vector<1x16xi32>,
    %get3A_181 = vector.shape_cast %get3A_180 : vector<1x16xi32> to vector<16xi32>
    %eq3A_182 = arith.constant -1 : i32
    %eq3A_183 = vector.broadcast %eq3A_182 : i32 to vector<16xi32>
    %eq3A_184 = arith.cmpi eq, %get3A_181, %eq3A_183 : vector<16xi32>
    %jit3A_185 = arith.constant 48 : i32
    %broadcast_in_dim3A_186 = vector.broadcast %jit3A_185 : i32 to vector<16xi32>
    %select_n3A_187 = arith.select %eq3A_184, %broadcast_in_dim3A_186, %get3A_181 : vector<16xi1>, vector<16xi32>
    %swap3A_188 = arith.constant 0 : i32
    %swap3A_189 = arith.index_cast %swap3A_188 : i32 to index
    %swap3A_190 = arith.constant 112 : index
    %swap3A_191 = tpu.vector_load %arg7[%swap3A_189, %swap3A_190] {strides = array<i32>} : memref<200x128xi32, #tpu.memory_space<vmem>>, vector<1x16xi32>,
    %swap3A_192 = vector.shape_cast %swap3A_191 : vector<1x16xi32> to vector<16xi32>
    %swap3A_193 = vector.shape_cast %select_n3A_187 : vector<16xi32> to vector<1x16xi32>
    tpu.vector_store %arg7[%swap3A_189, %swap3A_190], %swap3A_193 {strides = array<i32>} : memref<200x128xi32, #tpu.memory_space<vmem>>, vector<1x16xi32>,
    %dma_start3A_194 = arith.constant 0 : i32
    %dma_start3A_195 = arith.constant 0 : i32
    %dma_start3A_196 = arith.constant 0 : i32
    %dma_start3A_197 = arith.constant 0 : i32
    %dma_start3A_198 = arith.constant 0 : i32
    %dma_start3A_199 = tpu.memref_slice %arg8[%dma_start3A_195, %dma_start3A_197, %dma_start3A_198] : memref<3x256x128xf32, #tpu.memory_space<vmem>> -> memref<1x128x128xf32, #tpu.memory_space<vmem>>
    %dma_start3A_200 = tpu.memref_squeeze %dma_start3A_199 : memref<1x128x128xf32, #tpu.memory_space<vmem>> -> memref<128x128xf32, #tpu.memory_space<vmem>>
    %dma_start3A_201 = arith.constant 0 : i32
    %dma_start3A_202 = tpu.memref_slice %arg7[%dma_start3A_194, %dma_start3A_201] : memref<200x128xi32, #tpu.memory_space<vmem>> -> memref<1x128xi32, #tpu.memory_space<vmem>>
    %dma_start3A_203 = tpu.memref_squeeze %dma_start3A_202 : memref<1x128xi32, #tpu.memory_space<vmem>> -> memref<128xi32, #tpu.memory_space<vmem>>
    %dma_start3A_204 = arith.constant 0 : i32
    %dma_start3A_205 = arith.constant 0 : i32
    %dma_start3A_206 = tpu.memref_slice %arg6[%dma_start3A_204, %dma_start3A_205] : memref<49x128xf32, #tpu.memory_space<vmem_shared>> -> memref<49x128xf32, #tpu.memory_space<vmem_shared>>
    %dma_start3A_207 = tpu.memref_slice %arg10[%dma_start3A_196] : memref<3x!tpu.dma_semaphore, #tpu.memory_space<semaphore_mem>> -> memref<1x!tpu.dma_semaphore, #tpu.memory_space<semaphore_mem>>
    %dma_start3A_208 = tpu.memref_squeeze %dma_start3A_207 : memref<1x!tpu.dma_semaphore, #tpu.memory_space<semaphore_mem>> -> memref<!tpu.dma_semaphore, #tpu.memory_space<semaphore_mem>>
    tpu.enqueue_indirect_dma source(%dma_start3A_206 : memref<49x128xf32, #tpu.memory_space<vmem_shared>>) target(%dma_start3A_200 : memref<128x128xf32, #tpu.memory_space<vmem>>) offsets(%dma_start3A_203 : memref<128xi32, #tpu.memory_space<vmem>>) semaphore(%dma_start3A_208 : memref<!tpu.dma_semaphore, #tpu.memory_space<semaphore_mem>>) {add = true}
    %get3A_209 = arith.constant 1 : i32
    %get3A_210 = arith.index_cast %get3A_209 : i32 to index
    %get3A_211 = arith.constant 0 : index
    %get3A_212 = tpu.vector_load %arg7[%get3A_210, %get3A_211] {strides = array<i32>} : memref<200x128xi32, #tpu.memory_space<vmem>>, vector<1x16xi32>,
    %get3A_213 = vector.shape_cast %get3A_212 : vector<1x16xi32> to vector<16xi32>
    %eq3A_214 = arith.constant -1 : i32
    %eq3A_215 = vector.broadcast %eq3A_214 : i32 to vector<16xi32>
    %eq3A_216 = arith.cmpi eq, %get3A_213, %eq3A_215 : vector<16xi32>
    %jit3A_217 = arith.constant 48 : i32
    %broadcast_in_dim3A_218 = vector.broadcast %jit3A_217 : i32 to vector<16xi32>
    %select_n3A_219 = arith.select %eq3A_216, %broadcast_in_dim3A_218, %get3A_213 : vector<16xi1>, vector<16xi32>
    %swap3A_220 = arith.constant 1 : i32
    %swap3A_221 = arith.index_cast %swap3A_220 : i32 to index
    %swap3A_222 = arith.constant 0 : index
    %swap3A_223 = tpu.vector_load %arg7[%swap3A_221, %swap3A_222] {strides = array<i32>} : memref<200x128xi32, #tpu.memory_space<vmem>>, vector<1x16xi32>,
    %swap3A_224 = vector.shape_cast %swap3A_223 : vector<1x16xi32> to vector<16xi32>
    %swap3A_225 = vector.shape_cast %select_n3A_219 : vector<16xi32> to vector<1x16xi32>
    tpu.vector_store %arg7[%swap3A_221, %swap3A_222], %swap3A_225 {strides = array<i32>} : memref<200x128xi32, #tpu.memory_space<vmem>>, vector<1x16xi32>,
    %get3A_226 = arith.constant 1 : i32
    %get3A_227 = arith.index_cast %get3A_226 : i32 to index
    %get3A_228 = arith.constant 16 : index
    %get3A_229 = tpu.vector_load %arg7[%get3A_227, %get3A_228] {strides = array<i32>} : memref<200x128xi32, #tpu.memory_space<vmem>>, vector<1x16xi32>,
    %get3A_230 = vector.shape_cast %get3A_229 : vector<1x16xi32> to vector<16xi32>
    %eq3A_231 = arith.constant -1 : i32
    %eq3A_232 = vector.broadcast %eq3A_231 : i32 to vector<16xi32>
    %eq3A_233 = arith.cmpi eq, %get3A_230, %eq3A_232 : vector<16xi32>
    %jit3A_234 = arith.constant 48 : i32
    %broadcast_in_dim3A_235 = vector.broadcast %jit3A_234 : i32 to vector<16xi32>
    %select_n3A_236 = arith.select %eq3A_233, %broadcast_in_dim3A_235, %get3A_230 : vector<16xi1>, vector<16xi32>
    %swap3A_237 = arith.constant 1 : i32
    %swap3A_238 = arith.index_cast %swap3A_237 : i32 to index
    %swap3A_239 = arith.constant 16 : index
    %swap3A_240 = tpu.vector_load %arg7[%swap3A_238, %swap3A_239] {strides = array<i32>} : memref<200x128xi32, #tpu.memory_space<vmem>>, vector<1x16xi32>,
    %swap3A_241 = vector.shape_cast %swap3A_240 : vector<1x16xi32> to vector<16xi32>
    %swap3A_242 = vector.shape_cast %select_n3A_236 : vector<16xi32> to vector<1x16xi32>
    tpu.vector_store %arg7[%swap3A_238, %swap3A_239], %swap3A_242 {strides = array<i32>} : memref<200x128xi32, #tpu.memory_space<vmem>>, vector<1x16xi32>,
    %get3A_243 = arith.constant 1 : i32
    %get3A_244 = arith.index_cast %get3A_243 : i32 to index
    %get3A_245 = arith.constant 32 : index
    %get3A_246 = tpu.vector_load %arg7[%get3A_244, %get3A_245] {strides = array<i32>} : memref<200x128xi32, #tpu.memory_space<vmem>>, vector<1x16xi32>,
    %get3A_247 = vector.shape_cast %get3A_246 : vector<1x16xi32> to vector<16xi32>
    %eq3A_248 = arith.constant -1 : i32
    %eq3A_249 = vector.broadcast %eq3A_248 : i32 to vector<16xi32>
    %eq3A_250 = arith.cmpi eq, %get3A_247, %eq3A_249 : vector<16xi32>
    %jit3A_251 = arith.constant 48 : i32
    %broadcast_in_dim3A_252 = vector.broadcast %jit3A_251 : i32 to vector<16xi32>
    %select_n3A_253 = arith.select %eq3A_250, %broadcast_in_dim3A_252, %get3A_247 : vector<16xi1>, vector<16xi32>
    %swap3A_254 = arith.constant 1 : i32
    %swap3A_255 = arith.index_cast %swap3A_254 : i32 to index
    %swap3A_256 = arith.constant 32 : index
    %swap3A_257 = tpu.vector_load %arg7[%swap3A_255, %swap3A_256] {strides = array<i32>} : memref<200x128xi32, #tpu.memory_space<vmem>>, vector<1x16xi32>,
    %swap3A_258 = vector.shape_cast %swap3A_257 : vector<1x16xi32> to vector<16xi32>
    %swap3A_259 = vector.shape_cast %select_n3A_253 : vector<16xi32> to vector<1x16xi32>
    tpu.vector_store %arg7[%swap3A_255, %swap3A_256], %swap3A_259 {strides = array<i32>} : memref<200x128xi32, #tpu.memory_space<vmem>>, vector<1x16xi32>,
    %get3A_260 = arith.constant 1 : i32
    %get3A_261 = arith.index_cast %get3A_260 : i32 to index
    %get3A_262 = arith.constant 48 : index
    %get3A_263 = tpu.vector_load %arg7[%get3A_261, %get3A_262] {strides = array<i32>} : memref<200x128xi32, #tpu.memory_space<vmem>>, vector<1x16xi32>,
    %get3A_264 = vector.shape_cast %get3A_263 : vector<1x16xi32> to vector<16xi32>
    %eq3A_265 = arith.constant -1 : i32
    %eq3A_266 = vector.broadcast %eq3A_265 : i32 to vector<16xi32>
    %eq3A_267 = arith.cmpi eq, %get3A_264, %eq3A_266 : vector<16xi32>
    %jit3A_268 = arith.constant 48 : i32
    %broadcast_in_dim3A_269 = vector.broadcast %jit3A_268 : i32 to vector<16xi32>
    %select_n3A_270 = arith.select %eq3A_267, %broadcast_in_dim3A_269, %get3A_264 : vector<16xi1>, vector<16xi32>
    %swap3A_271 = arith.constant 1 : i32
    %swap3A_272 = arith.index_cast %swap3A_271 : i32 to index
    %swap3A_273 = arith.constant 48 : index
    %swap3A_274 = tpu.vector_load %arg7[%swap3A_272, %swap3A_273] {strides = array<i32>} : memref<200x128xi32, #tpu.memory_space<vmem>>, vector<1x16xi32>,
    %swap3A_275 = vector.shape_cast %swap3A_274 : vector<1x16xi32> to vector<16xi32>
    %swap3A_276 = vector.shape_cast %select_n3A_270 : vector<16xi32> to vector<1x16xi32>
    tpu.vector_store %arg7[%swap3A_272, %swap3A_273], %swap3A_276 {strides = array<i32>} : memref<200x128xi32, #tpu.memory_space<vmem>>, vector<1x16xi32>,
    %get3A_277 = arith.constant 1 : i32
    %get3A_278 = arith.index_cast %get3A_277 : i32 to index
    %get3A_279 = arith.constant 64 : index
    %get3A_280 = tpu.vector_load %arg7[%get3A_278, %get3A_279] {strides = array<i32>} : memref<200x128xi32, #tpu.memory_space<vmem>>, vector<1x16xi32>,
    %get3A_281 = vector.shape_cast %get3A_280 : vector<1x16xi32> to vector<16xi32>
    %eq3A_282 = arith.constant -1 : i32
    %eq3A_283 = vector.broadcast %eq3A_282 : i32 to vector<16xi32>
    %eq3A_284 = arith.cmpi eq, %get3A_281, %eq3A_283 : vector<16xi32>
    %jit3A_285 = arith.constant 48 : i32
    %broadcast_in_dim3A_286 = vector.broadcast %jit3A_285 : i32 to vector<16xi32>
    %select_n3A_287 = arith.select %eq3A_284, %broadcast_in_dim3A_286, %get3A_281 : vector<16xi1>, vector<16xi32>
    %swap3A_288 = arith.constant 1 : i32
    %swap3A_289 = arith.index_cast %swap3A_288 : i32 to index
    %swap3A_290 = arith.constant 64 : index
    %swap3A_291 = tpu.vector_load %arg7[%swap3A_289, %swap3A_290] {strides = array<i32>} : memref<200x128xi32, #tpu.memory_space<vmem>>, vector<1x16xi32>,
    %swap3A_292 = vector.shape_cast %swap3A_291 : vector<1x16xi32> to vector<16xi32>
    %swap3A_293 = vector.shape_cast %select_n3A_287 : vector<16xi32> to vector<1x16xi32>
    tpu.vector_store %arg7[%swap3A_289, %swap3A_290], %swap3A_293 {strides = array<i32>} : memref<200x128xi32, #tpu.memory_space<vmem>>, vector<1x16xi32>,
    %get3A_294 = arith.constant 1 : i32
    %get3A_295 = arith.index_cast %get3A_294 : i32 to index
    %get3A_296 = arith.constant 80 : index
    %get3A_297 = tpu.vector_load %arg7[%get3A_295, %get3A_296] {strides = array<i32>} : memref<200x128xi32, #tpu.memory_space<vmem>>, vector<1x16xi32>,
    %get3A_298 = vector.shape_cast %get3A_297 : vector<1x16xi32> to vector<16xi32>
    %eq3A_299 = arith.constant -1 : i32
    %eq3A_300 = vector.broadcast %eq3A_299 : i32 to vector<16xi32>
    %eq3A_301 = arith.cmpi eq, %get3A_298, %eq3A_300 : vector<16xi32>
    %jit3A_302 = arith.constant 48 : i32
    %broadcast_in_dim3A_303 = vector.broadcast %jit3A_302 : i32 to vector<16xi32>
    %select_n3A_304 = arith.select %eq3A_301, %broadcast_in_dim3A_303, %get3A_298 : vector<16xi1>, vector<16xi32>
    %swap3A_305 = arith.constant 1 : i32
    %swap3A_306 = arith.index_cast %swap3A_305 : i32 to index
    %swap3A_307 = arith.constant 80 : index
    %swap3A_308 = tpu.vector_load %arg7[%swap3A_306, %swap3A_307] {strides = array<i32>} : memref<200x128xi32, #tpu.memory_space<vmem>>, vector<1x16xi32>,
    %swap3A_309 = vector.shape_cast %swap3A_308 : vector<1x16xi32> to vector<16xi32>
    %swap3A_310 = vector.shape_cast %select_n3A_304 : vector<16xi32> to vector<1x16xi32>
    tpu.vector_store %arg7[%swap3A_306, %swap3A_307], %swap3A_310 {strides = array<i32>} : memref<200x128xi32, #tpu.memory_space<vmem>>, vector<1x16xi32>,
    %get3A_311 = arith.constant 1 : i32
    %get3A_312 = arith.index_cast %get3A_311 : i32 to index
    %get3A_313 = arith.constant 96 : index
    %get3A_314 = tpu.vector_load %arg7[%get3A_312, %get3A_313] {strides = array<i32>} : memref<200x128xi32, #tpu.memory_space<vmem>>, vector<1x16xi32>,
    %get3A_315 = vector.shape_cast %get3A_314 : vector<1x16xi32> to vector<16xi32>
    %eq3A_316 = arith.constant -1 : i32
    %eq3A_317 = vector.broadcast %eq3A_316 : i32 to vector<16xi32>
    %eq3A_318 = arith.cmpi eq, %get3A_315, %eq3A_317 : vector<16xi32>
    %jit3A_319 = arith.constant 48 : i32
    %broadcast_in_dim3A_320 = vector.broadcast %jit3A_319 : i32 to vector<16xi32>
    %select_n3A_321 = arith.select %eq3A_318, %broadcast_in_dim3A_320, %get3A_315 : vector<16xi1>, vector<16xi32>
    %swap3A_322 = arith.constant 1 : i32
    %swap3A_323 = arith.index_cast %swap3A_322 : i32 to index
    %swap3A_324 = arith.constant 96 : index
    %swap3A_325 = tpu.vector_load %arg7[%swap3A_323, %swap3A_324] {strides = array<i32>} : memref<200x128xi32, #tpu.memory_space<vmem>>, vector<1x16xi32>,
    %swap3A_326 = vector.shape_cast %swap3A_325 : vector<1x16xi32> to vector<16xi32>
    %swap3A_327 = vector.shape_cast %select_n3A_321 : vector<16xi32> to vector<1x16xi32>
    tpu.vector_store %arg7[%swap3A_323, %swap3A_324], %swap3A_327 {strides = array<i32>} : memref<200x128xi32, #tpu.memory_space<vmem>>, vector<1x16xi32>,
    %get3A_328 = arith.constant 1 : i32
    %get3A_329 = arith.index_cast %get3A_328 : i32 to index
    %get3A_330 = arith.constant 112 : index
    %get3A_331 = tpu.vector_load %arg7[%get3A_329, %get3A_330] {strides = array<i32>} : memref<200x128xi32, #tpu.memory_space<vmem>>, vector<1x16xi32>,
    %get3A_332 = vector.shape_cast %get3A_331 : vector<1x16xi32> to vector<16xi32>
    %eq3A_333 = arith.constant -1 : i32
    %eq3A_334 = vector.broadcast %eq3A_333 : i32 to vector<16xi32>
    %eq3A_335 = arith.cmpi eq, %get3A_332, %eq3A_334 : vector<16xi32>
    %jit3A_336 = arith.constant 48 : i32
    %broadcast_in_dim3A_337 = vector.broadcast %jit3A_336 : i32 to vector<16xi32>
    %select_n3A_338 = arith.select %eq3A_335, %broadcast_in_dim3A_337, %get3A_332 : vector<16xi1>, vector<16xi32>
    %swap3A_339 = arith.constant 1 : i32
    %swap3A_340 = arith.index_cast %swap3A_339 : i32 to index
    %swap3A_341 = arith.constant 112 : index
    %swap3A_342 = tpu.vector_load %arg7[%swap3A_340, %swap3A_341] {strides = array<i32>} : memref<200x128xi32, #tpu.memory_space<vmem>>, vector<1x16xi32>,
    %swap3A_343 = vector.shape_cast %swap3A_342 : vector<1x16xi32> to vector<16xi32>
    %swap3A_344 = vector.shape_cast %select_n3A_338 : vector<16xi32> to vector<1x16xi32>
    tpu.vector_store %arg7[%swap3A_340, %swap3A_341], %swap3A_344 {strides = array<i32>} : memref<200x128xi32, #tpu.memory_space<vmem>>, vector<1x16xi32>,
    %dma_start3A_345 = arith.constant 1 : i32
    %dma_start3A_346 = arith.constant 0 : i32
    %dma_start3A_347 = arith.constant 0 : i32
    %dma_start3A_348 = arith.constant 128 : i32
    %dma_start3A_349 = arith.constant 0 : i32
    %dma_start3A_350 = tpu.memref_slice %arg8[%dma_start3A_346, %dma_start3A_348, %dma_start3A_349] : memref<3x256x128xf32, #tpu.memory_space<vmem>> -> memref<1x128x128xf32, #tpu.memory_space<vmem>>
    %dma_start3A_351 = tpu.memref_squeeze %dma_start3A_350 : memref<1x128x128xf32, #tpu.memory_space<vmem>> -> memref<128x128xf32, #tpu.memory_space<vmem>>
    %dma_start3A_352 = arith.constant 0 : i32
    %dma_start3A_353 = tpu.memref_slice %arg7[%dma_start3A_345, %dma_start3A_352] : memref<200x128xi32, #tpu.memory_space<vmem>> -> memref<1x128xi32, #tpu.memory_space<vmem>>
    %dma_start3A_354 = tpu.memref_squeeze %dma_start3A_353 : memref<1x128xi32, #tpu.memory_space<vmem>> -> memref<128xi32, #tpu.memory_space<vmem>>
    %dma_start3A_355 = arith.constant 0 : i32
    %dma_start3A_356 = arith.constant 0 : i32
    %dma_start3A_357 = tpu.memref_slice %arg6[%dma_start3A_355, %dma_start3A_356] : memref<49x128xf32, #tpu.memory_space<vmem_shared>> -> memref<49x128xf32, #tpu.memory_space<vmem_shared>>
    %dma_start3A_358 = tpu.memref_slice %arg10[%dma_start3A_347] : memref<3x!tpu.dma_semaphore, #tpu.memory_space<semaphore_mem>> -> memref<1x!tpu.dma_semaphore, #tpu.memory_space<semaphore_mem>>
    %dma_start3A_359 = tpu.memref_squeeze %dma_start3A_358 : memref<1x!tpu.dma_semaphore, #tpu.memory_space<semaphore_mem>> -> memref<!tpu.dma_semaphore, #tpu.memory_space<semaphore_mem>>
    tpu.enqueue_indirect_dma source(%dma_start3A_357 : memref<49x128xf32, #tpu.memory_space<vmem_shared>>) target(%dma_start3A_351 : memref<128x128xf32, #tpu.memory_space<vmem>>) offsets(%dma_start3A_354 : memref<128xi32, #tpu.memory_space<vmem>>) semaphore(%dma_start3A_359 : memref<!tpu.dma_semaphore, #tpu.memory_space<semaphore_mem>>) {add = true}
    %scan3A = arith.constant 0 : i32
    %scan3A_360 = arith.constant 0 : i32
    %scan3A_361 = arith.constant 33 : i32
    %scan3A_362 = arith.addi %scan3A_360, %scan3A_361 : i32
    %scan3A_363 = arith.constant 1 : i32
    scf.for %scan3A_469 = %scan3A_360 to %scan3A_362 step %scan3A_363  : i32 {
      %mul3A_470 = arith.constant 3 : i32
      %mul3A_471 = arith.muli %scan3A_469, %mul3A_470 : i32
      %add3A_472 = arith.constant 0 : i32
      %add3A_473 = arith.addi %mul3A_471, %add3A_472 : i32
      %mul3A_474 = arith.constant 2 : i32
      %mul3A_475 = arith.muli %mul3A_474, %add3A_473 : i32
      %add3A_476 = arith.constant 0 : i32
      %add3A_477 = arith.addi %mul3A_475, %add3A_476 : i32
      %dma_wait3A_478 = arith.constant 0 : i32
      %dma_wait3A_479 = arith.constant 0 : i32
      %dma_wait3A_480 = arith.constant 0 : i32
      %dma_wait3A_481 = arith.constant 0 : i32
      %dma_wait3A_482 = tpu.memref_slice %arg8[%dma_wait3A_478, %dma_wait3A_480, %dma_wait3A_481] : memref<3x256x128xf32, #tpu.memory_space<vmem>> -> memref<1x128x128xf32, #tpu.memory_space<vmem>>
      %dma_wait3A_483 = tpu.memref_squeeze %dma_wait3A_482 : memref<1x128x128xf32, #tpu.memory_space<vmem>> -> memref<128x128xf32, #tpu.memory_space<vmem>>
      %dma_wait3A_484 = arith.constant 0 : i32
      %dma_wait3A_485 = tpu.memref_slice %arg7[%add3A_477, %dma_wait3A_484] : memref<200x128xi32, #tpu.memory_space<vmem>> -> memref<1x128xi32, #tpu.memory_space<vmem>>
      %dma_wait3A_486 = tpu.memref_squeeze %dma_wait3A_485 : memref<1x128xi32, #tpu.memory_space<vmem>> -> memref<128xi32, #tpu.memory_space<vmem>>
      %dma_wait3A_487 = arith.constant 0 : i32
      %dma_wait3A_488 = arith.constant 0 : i32
      %dma_wait3A_489 = tpu.memref_slice %arg6[%dma_wait3A_487, %dma_wait3A_488] : memref<49x128xf32, #tpu.memory_space<vmem_shared>> -> memref<49x128xf32, #tpu.memory_space<vmem_shared>>
      %dma_wait3A_490 = tpu.memref_slice %arg10[%dma_wait3A_479] : memref<3x!tpu.dma_semaphore, #tpu.memory_space<semaphore_mem>> -> memref<1x!tpu.dma_semaphore, #tpu.memory_space<semaphore_mem>>
      %dma_wait3A_491 = tpu.memref_squeeze %dma_wait3A_490 : memref<1x!tpu.dma_semaphore, #tpu.memory_space<semaphore_mem>> -> memref<!tpu.dma_semaphore, #tpu.memory_space<semaphore_mem>>
      tpu.wait_indirect_dma semaphore(%dma_wait3A_491 : memref<!tpu.dma_semaphore, #tpu.memory_space<semaphore_mem>>) src(%dma_wait3A_489 : memref<49x128xf32, #tpu.memory_space<vmem_shared>>) dst(%dma_wait3A_483 : memref<128x128xf32, #tpu.memory_space<vmem>>)
      %mul3A_492 = arith.constant 2 : i32
      %mul3A_493 = arith.muli %mul3A_492, %add3A_473 : i32
      %add3A_494 = arith.constant 1 : i32
      %add3A_495 = arith.addi %mul3A_493, %add3A_494 : i32
      %dma_wait3A_496 = arith.constant 0 : i32
      %dma_wait3A_497 = arith.constant 0 : i32
      %dma_wait3A_498 = arith.constant 128 : i32
      %dma_wait3A_499 = arith.constant 0 : i32
      %dma_wait3A_500 = tpu.memref_slice %arg8[%dma_wait3A_496, %dma_wait3A_498, %dma_wait3A_499] : memref<3x256x128xf32, #tpu.memory_space<vmem>> -> memref<1x128x128xf32, #tpu.memory_space<vmem>>
      %dma_wait3A_501 = tpu.memref_squeeze %dma_wait3A_500 : memref<1x128x128xf32, #tpu.memory_space<vmem>> -> memref<128x128xf32, #tpu.memory_space<vmem>>
      %dma_wait3A_502 = arith.constant 0 : i32
      %dma_wait3A_503 = tpu.memref_slice %arg7[%add3A_495, %dma_wait3A_502] : memref<200x128xi32, #tpu.memory_space<vmem>> -> memref<1x128xi32, #tpu.memory_space<vmem>>
      %dma_wait3A_504 = tpu.memref_squeeze %dma_wait3A_503 : memref<1x128xi32, #tpu.memory_space<vmem>> -> memref<128xi32, #tpu.memory_space<vmem>>
      %dma_wait3A_505 = arith.constant 0 : i32
      %dma_wait3A_506 = arith.constant 0 : i32
      %dma_wait3A_507 = tpu.memref_slice %arg6[%dma_wait3A_505, %dma_wait3A_506] : memref<49x128xf32, #tpu.memory_space<vmem_shared>> -> memref<49x128xf32, #tpu.memory_space<vmem_shared>>
      %dma_wait3A_508 = tpu.memref_slice %arg10[%dma_wait3A_497] : memref<3x!tpu.dma_semaphore, #tpu.memory_space<semaphore_mem>> -> memref<1x!tpu.dma_semaphore, #tpu.memory_space<semaphore_mem>>
      %dma_wait3A_509 = tpu.memref_squeeze %dma_wait3A_508 : memref<1x!tpu.dma_semaphore, #tpu.memory_space<semaphore_mem>> -> memref<!tpu.dma_semaphore, #tpu.memory_space<semaphore_mem>>
      tpu.wait_indirect_dma semaphore(%dma_wait3A_509 : memref<!tpu.dma_semaphore, #tpu.memory_space<semaphore_mem>>) src(%dma_wait3A_507 : memref<49x128xf32, #tpu.memory_space<vmem_shared>>) dst(%dma_wait3A_501 : memref<128x128xf32, #tpu.memory_space<vmem>>)
      %add3A_510 = arith.addi %mul3A_2, %add3A_473 : i32
      %mul3A_511 = arith.constant 256 : i32
      %mul3A_512 = arith.muli %add3A_510, %mul3A_511 : i32
      %dma_start3A_513 = arith.constant 0 : i32
      %dma_start3A_514 = arith.constant 0 : i32
      %dma_start3A_515 = arith.constant 0 : i32
      %dma_start3A_516 = arith.constant 0 : i32
      %dma_start3A_517 = tpu.memref_slice %arg8[%dma_start3A_513, %dma_start3A_515, %dma_start3A_516] : memref<3x256x128xf32, #tpu.memory_space<vmem>> -> memref<1x256x128xf32, #tpu.memory_space<vmem>>
      %dma_start3A_518 = tpu.memref_squeeze %dma_start3A_517 : memref<1x256x128xf32, #tpu.memory_space<vmem>> -> memref<256x128xf32, #tpu.memory_space<vmem>>
      %dma_start3A_519 = arith.constant 0 : i32
      %dma_start3A_520 = tpu.memref_slice %arg5[%mul3A_512, %dma_start3A_519] : memref<819200x128xf32, #tpu.memory_space<hbm>> -> memref<256x128xf32, #tpu.memory_space<hbm>>
      %dma_start3A_521 = tpu.memref_slice %arg11[%dma_start3A_514] : memref<3x!tpu.dma_semaphore, #tpu.memory_space<semaphore_mem>> -> memref<1x!tpu.dma_semaphore, #tpu.memory_space<semaphore_mem>>
      %dma_start3A_522 = tpu.memref_squeeze %dma_start3A_521 : memref<1x!tpu.dma_semaphore, #tpu.memory_space<semaphore_mem>> -> memref<!tpu.dma_semaphore, #tpu.memory_space<semaphore_mem>>
      %dma_start3A_523 = arith.constant 0 : i32
      %dma_start3A_524 = tpu.memref_slice %arg5[%mul3A_512, %dma_start3A_523] : memref<819200x128xf32, #tpu.memory_space<hbm>> -> memref<256x128xf32, #tpu.memory_space<hbm>>
      %dma_start3A_525 = arith.constant 0 : i32
      %dma_start3A_526 = arith.constant 0 : i32
      %dma_start3A_527 = tpu.memref_slice %arg8[%dma_start3A_513, %dma_start3A_525, %dma_start3A_526] : memref<3x256x128xf32, #tpu.memory_space<vmem>> -> memref<1x256x128xf32, #tpu.memory_space<vmem>>
      %dma_start3A_528 = tpu.memref_squeeze %dma_start3A_527 : memref<1x256x128xf32, #tpu.memory_space<vmem>> -> memref<256x128xf32, #tpu.memory_space<vmem>>
      tpu.enqueue_dma source(%dma_start3A_528 : memref<256x128xf32, #tpu.memory_space<vmem>>) target(%dma_start3A_524 : memref<256x128xf32, #tpu.memory_space<hbm>>) target_semaphore(%dma_start3A_522 : memref<!tpu.dma_semaphore, #tpu.memory_space<semaphore_mem>>)
      %add3A_529 = arith.constant 1 : i32
      %add3A_530 = arith.addi %add3A_473, %add3A_529 : i32
      %lt3A = arith.constant 100 : i32
      %lt3A_531 = arith.cmpi slt, %add3A_530, %lt3A : i32
      %convert_element_type3A_532 = arith.extui %lt3A_531 : i1 to i32
      %cond3A_533 = arith.constant 0 : i32
      %cond3A_534 = arith.cmpi ne, %convert_element_type3A_532, %cond3A_533 : i32
      scf.if %cond3A_534 {
        %add3A_688 = arith.constant 1 : i32
        %add3A_689 = arith.addi %add3A_473, %add3A_688 : i32
        %dma_wait3A_690 = arith.constant 1 : i32
        %dma_wait3A_691 = arith.constant 1 : i32
        %dma_wait3A_692 = arith.constant 0 : i32
        %dma_wait3A_693 = arith.constant 0 : i32
        %dma_wait3A_694 = tpu.memref_slice %arg8[%dma_wait3A_690, %dma_wait3A_692, %dma_wait3A_693] : memref<3x256x128xf32, #tpu.memory_space<vmem>> -> memref<1x256x128xf32, #tpu.memory_space<vmem>>
        %dma_wait3A_695 = tpu.memref_squeeze %dma_wait3A_694 : memref<1x256x128xf32, #tpu.memory_space<vmem>> -> memref<256x128xf32, #tpu.memory_space<vmem>>
        %dma_wait3A_696 = arith.constant 0 : i32
        %dma_wait3A_697 = arith.constant 0 : i32
        %dma_wait3A_698 = tpu.memref_slice %arg2[%dma_wait3A_696, %dma_wait3A_697] : memref<819200x128xf32, #tpu.memory_space<hbm>> -> memref<256x128xf32, #tpu.memory_space<hbm>>
        %dma_wait3A_699 = tpu.memref_slice %arg9[%dma_wait3A_691] : memref<3x!tpu.dma_semaphore, #tpu.memory_space<semaphore_mem>> -> memref<1x!tpu.dma_semaphore, #tpu.memory_space<semaphore_mem>>
        %dma_wait3A_700 = tpu.memref_squeeze %dma_wait3A_699 : memref<1x!tpu.dma_semaphore, #tpu.memory_space<semaphore_mem>> -> memref<!tpu.dma_semaphore, #tpu.memory_space<semaphore_mem>>
        %dma_wait3A_701 = arith.constant 0 : i32
        %dma_wait3A_702 = arith.constant 0 : i32
        %dma_wait3A_703 = tpu.memref_slice %arg8[%dma_wait3A_690, %dma_wait3A_701, %dma_wait3A_702] : memref<3x256x128xf32, #tpu.memory_space<vmem>> -> memref<1x256x128xf32, #tpu.memory_space<vmem>>
        %dma_wait3A_704 = tpu.memref_squeeze %dma_wait3A_703 : memref<1x256x128xf32, #tpu.memory_space<vmem>> -> memref<256x128xf32, #tpu.memory_space<vmem>>
        %dma_wait3A_705 = arith.constant 0 : i32
        %dma_wait3A_706 = arith.constant 0 : i32
        %dma_wait3A_707 = tpu.memref_slice %arg2[%dma_wait3A_705, %dma_wait3A_706] : memref<819200x128xf32, #tpu.memory_space<hbm>> -> memref<256x128xf32, #tpu.memory_space<hbm>>
        tpu.wait_dma2 semaphore(%dma_wait3A_700 : memref<!tpu.dma_semaphore, #tpu.memory_space<semaphore_mem>>) src(%dma_wait3A_707 : memref<256x128xf32, #tpu.memory_space<hbm>>) dst(%dma_wait3A_704 : memref<256x128xf32, #tpu.memory_space<vmem>>)
        %mul3A_708 = arith.constant 2 : i32
        %mul3A_709 = arith.muli %mul3A_708, %add3A_689 : i32
        %add3A_710 = arith.constant 0 : i32
        %add3A_711 = arith.addi %mul3A_709, %add3A_710 : i32
        %get3A_712 = arith.index_cast %add3A_711 : i32 to index
        %get3A_713 = arith.constant 0 : index
        %get3A_714 = tpu.vector_load %arg7[%get3A_712, %get3A_713] {strides = array<i32>} : memref<200x128xi32, #tpu.memory_space<vmem>>, vector<1x16xi32>,
        %get3A_715 = vector.shape_cast %get3A_714 : vector<1x16xi32> to vector<16xi32>
        %eq3A_716 = arith.constant -1 : i32
        %eq3A_717 = vector.broadcast %eq3A_716 : i32 to vector<16xi32>
        %eq3A_718 = arith.cmpi eq, %get3A_715, %eq3A_717 : vector<16xi32>
        %jit3A_719 = arith.constant 48 : i32
        %broadcast_in_dim3A_720 = vector.broadcast %jit3A_719 : i32 to vector<16xi32>
        %select_n3A_721 = arith.select %eq3A_718, %broadcast_in_dim3A_720, %get3A_715 : vector<16xi1>, vector<16xi32>
        %mul3A_722 = arith.constant 2 : i32
        %mul3A_723 = arith.muli %mul3A_722, %add3A_689 : i32
        %add3A_724 = arith.constant 0 : i32
        %add3A_725 = arith.addi %mul3A_723, %add3A_724 : i32
        %swap3A_726 = arith.index_cast %add3A_725 : i32 to index
        %swap3A_727 = arith.constant 0 : index
        %swap3A_728 = tpu.vector_load %arg7[%swap3A_726, %swap3A_727] {strides = array<i32>} : memref<200x128xi32, #tpu.memory_space<vmem>>, vector<1x16xi32>,
        %swap3A_729 = vector.shape_cast %swap3A_728 : vector<1x16xi32> to vector<16xi32>
        %swap3A_730 = vector.shape_cast %select_n3A_721 : vector<16xi32> to vector<1x16xi32>
        tpu.vector_store %arg7[%swap3A_726, %swap3A_727], %swap3A_730 {strides = array<i32>} : memref<200x128xi32, #tpu.memory_space<vmem>>, vector<1x16xi32>,
        %mul3A_731 = arith.constant 2 : i32
        %mul3A_732 = arith.muli %mul3A_731, %add3A_689 : i32
        %add3A_733 = arith.constant 0 : i32
        %add3A_734 = arith.addi %mul3A_732, %add3A_733 : i32
        %get3A_735 = arith.index_cast %add3A_734 : i32 to index
        %get3A_736 = arith.constant 16 : index
        %get3A_737 = tpu.vector_load %arg7[%get3A_735, %get3A_736] {strides = array<i32>} : memref<200x128xi32, #tpu.memory_space<vmem>>, vector<1x16xi32>,
        %get3A_738 = vector.shape_cast %get3A_737 : vector<1x16xi32> to vector<16xi32>
        %eq3A_739 = arith.constant -1 : i32
        %eq3A_740 = vector.broadcast %eq3A_739 : i32 to vector<16xi32>
        %eq3A_741 = arith.cmpi eq, %get3A_738, %eq3A_740 : vector<16xi32>
        %jit3A_742 = arith.constant 48 : i32
        %broadcast_in_dim3A_743 = vector.broadcast %jit3A_742 : i32 to vector<16xi32>
        %select_n3A_744 = arith.select %eq3A_741, %broadcast_in_dim3A_743, %get3A_738 : vector<16xi1>, vector<16xi32>
        %mul3A_745 = arith.constant 2 : i32
        %mul3A_746 = arith.muli %mul3A_745, %add3A_689 : i32
        %add3A_747 = arith.constant 0 : i32
        %add3A_748 = arith.addi %mul3A_746, %add3A_747 : i32
        %swap3A_749 = arith.index_cast %add3A_748 : i32 to index
        %swap3A_750 = arith.constant 16 : index
        %swap3A_751 = tpu.vector_load %arg7[%swap3A_749, %swap3A_750] {strides = array<i32>} : memref<200x128xi32, #tpu.memory_space<vmem>>, vector<1x16xi32>,
        %swap3A_752 = vector.shape_cast %swap3A_751 : vector<1x16xi32> to vector<16xi32>
        %swap3A_753 = vector.shape_cast %select_n3A_744 : vector<16xi32> to vector<1x16xi32>
        tpu.vector_store %arg7[%swap3A_749, %swap3A_750], %swap3A_753 {strides = array<i32>} : memref<200x128xi32, #tpu.memory_space<vmem>>, vector<1x16xi32>,
        %mul3A_754 = arith.constant 2 : i32
        %mul3A_755 = arith.muli %mul3A_754, %add3A_689 : i32
        %add3A_756 = arith.constant 0 : i32
        %add3A_757 = arith.addi %mul3A_755, %add3A_756 : i32
        %get3A_758 = arith.index_cast %add3A_757 : i32 to index
        %get3A_759 = arith.constant 32 : index
        %get3A_760 = tpu.vector_load %arg7[%get3A_758, %get3A_759] {strides = array<i32>} : memref<200x128xi32, #tpu.memory_space<vmem>>, vector<1x16xi32>,
        %get3A_761 = vector.shape_cast %get3A_760 : vector<1x16xi32> to vector<16xi32>
        %eq3A_762 = arith.constant -1 : i32
        %eq3A_763 = vector.broadcast %eq3A_762 : i32 to vector<16xi32>
        %eq3A_764 = arith.cmpi eq, %get3A_761, %eq3A_763 : vector<16xi32>
        %jit3A_765 = arith.constant 48 : i32
        %broadcast_in_dim3A_766 = vector.broadcast %jit3A_765 : i32 to vector<16xi32>
        %select_n3A_767 = arith.select %eq3A_764, %broadcast_in_dim3A_766, %get3A_761 : vector<16xi1>, vector<16xi32>
        %mul3A_768 = arith.constant 2 : i32
        %mul3A_769 = arith.muli %mul3A_768, %add3A_689 : i32
        %add3A_770 = arith.constant 0 : i32
        %add3A_771 = arith.addi %mul3A_769, %add3A_770 : i32
        %swap3A_772 = arith.index_cast %add3A_771 : i32 to index
        %swap3A_773 = arith.constant 32 : index
        %swap3A_774 = tpu.vector_load %arg7[%swap3A_772, %swap3A_773] {strides = array<i32>} : memref<200x128xi32, #tpu.memory_space<vmem>>, vector<1x16xi32>,
        %swap3A_775 = vector.shape_cast %swap3A_774 : vector<1x16xi32> to vector<16xi32>
        %swap3A_776 = vector.shape_cast %select_n3A_767 : vector<16xi32> to vector<1x16xi32>
        tpu.vector_store %arg7[%swap3A_772, %swap3A_773], %swap3A_776 {strides = array<i32>} : memref<200x128xi32, #tpu.memory_space<vmem>>, vector<1x16xi32>,
        %mul3A_777 = arith.constant 2 : i32
        %mul3A_778 = arith.muli %mul3A_777, %add3A_689 : i32
        %add3A_779 = arith.constant 0 : i32
        %add3A_780 = arith.addi %mul3A_778, %add3A_779 : i32
        %get3A_781 = arith.index_cast %add3A_780 : i32 to index
        %get3A_782 = arith.constant 48 : index
        %get3A_783 = tpu.vector_load %arg7[%get3A_781, %get3A_782] {strides = array<i32>} : memref<200x128xi32, #tpu.memory_space<vmem>>, vector<1x16xi32>,
        %get3A_784 = vector.shape_cast %get3A_783 : vector<1x16xi32> to vector<16xi32>
        %eq3A_785 = arith.constant -1 : i32
        %eq3A_786 = vector.broadcast %eq3A_785 : i32 to vector<16xi32>
        %eq3A_787 = arith.cmpi eq, %get3A_784, %eq3A_786 : vector<16xi32>
        %jit3A_788 = arith.constant 48 : i32
        %broadcast_in_dim3A_789 = vector.broadcast %jit3A_788 : i32 to vector<16xi32>
        %select_n3A_790 = arith.select %eq3A_787, %broadcast_in_dim3A_789, %get3A_784 : vector<16xi1>, vector<16xi32>
        %mul3A_791 = arith.constant 2 : i32
        %mul3A_792 = arith.muli %mul3A_791, %add3A_689 : i32
        %add3A_793 = arith.constant 0 : i32
        %add3A_794 = arith.addi %mul3A_792, %add3A_793 : i32
        %swap3A_795 = arith.index_cast %add3A_794 : i32 to index
        %swap3A_796 = arith.constant 48 : index
        %swap3A_797 = tpu.vector_load %arg7[%swap3A_795, %swap3A_796] {strides = array<i32>} : memref<200x128xi32, #tpu.memory_space<vmem>>, vector<1x16xi32>,
        %swap3A_798 = vector.shape_cast %swap3A_797 : vector<1x16xi32> to vector<16xi32>
        %swap3A_799 = vector.shape_cast %select_n3A_790 : vector<16xi32> to vector<1x16xi32>
        tpu.vector_store %arg7[%swap3A_795, %swap3A_796], %swap3A_799 {strides = array<i32>} : memref<200x128xi32, #tpu.memory_space<vmem>>, vector<1x16xi32>,
        %mul3A_800 = arith.constant 2 : i32
        %mul3A_801 = arith.muli %mul3A_800, %add3A_689 : i32
        %add3A_802 = arith.constant 0 : i32
        %add3A_803 = arith.addi %mul3A_801, %add3A_802 : i32
        %get3A_804 = arith.index_cast %add3A_803 : i32 to index
        %get3A_805 = arith.constant 64 : index
        %get3A_806 = tpu.vector_load %arg7[%get3A_804, %get3A_805] {strides = array<i32>} : memref<200x128xi32, #tpu.memory_space<vmem>>, vector<1x16xi32>,
        %get3A_807 = vector.shape_cast %get3A_806 : vector<1x16xi32> to vector<16xi32>
        %eq3A_808 = arith.constant -1 : i32
        %eq3A_809 = vector.broadcast %eq3A_808 : i32 to vector<16xi32>
        %eq3A_810 = arith.cmpi eq, %get3A_807, %eq3A_809 : vector<16xi32>
        %jit3A_811 = arith.constant 48 : i32
        %broadcast_in_dim3A_812 = vector.broadcast %jit3A_811 : i32 to vector<16xi32>
        %select_n3A_813 = arith.select %eq3A_810, %broadcast_in_dim3A_812, %get3A_807 : vector<16xi1>, vector<16xi32>
        %mul3A_814 = arith.constant 2 : i32
        %mul3A_815 = arith.muli %mul3A_814, %add3A_689 : i32
        %add3A_816 = arith.constant 0 : i32
        %add3A_817 = arith.addi %mul3A_815, %add3A_816 : i32
        %swap3A_818 = arith.index_cast %add3A_817 : i32 to index
        %swap3A_819 = arith.constant 64 : index
        %swap3A_820 = tpu.vector_load %arg7[%swap3A_818, %swap3A_819] {strides = array<i32>} : memref<200x128xi32, #tpu.memory_space<vmem>>, vector<1x16xi32>,
        %swap3A_821 = vector.shape_cast %swap3A_820 : vector<1x16xi32> to vector<16xi32>
        %swap3A_822 = vector.shape_cast %select_n3A_813 : vector<16xi32> to vector<1x16xi32>
        tpu.vector_store %arg7[%swap3A_818, %swap3A_819], %swap3A_822 {strides = array<i32>} : memref<200x128xi32, #tpu.memory_space<vmem>>, vector<1x16xi32>,
        %mul3A_823 = arith.constant 2 : i32
        %mul3A_824 = arith.muli %mul3A_823, %add3A_689 : i32
        %add3A_825 = arith.constant 0 : i32
        %add3A_826 = arith.addi %mul3A_824, %add3A_825 : i32
        %get3A_827 = arith.index_cast %add3A_826 : i32 to index
        %get3A_828 = arith.constant 80 : index
        %get3A_829 = tpu.vector_load %arg7[%get3A_827, %get3A_828] {strides = array<i32>} : memref<200x128xi32, #tpu.memory_space<vmem>>, vector<1x16xi32>,
        %get3A_830 = vector.shape_cast %get3A_829 : vector<1x16xi32> to vector<16xi32>
        %eq3A_831 = arith.constant -1 : i32
        %eq3A_832 = vector.broadcast %eq3A_831 : i32 to vector<16xi32>
        %eq3A_833 = arith.cmpi eq, %get3A_830, %eq3A_832 : vector<16xi32>
        %jit3A_834 = arith.constant 48 : i32
        %broadcast_in_dim3A_835 = vector.broadcast %jit3A_834 : i32 to vector<16xi32>
        %select_n3A_836 = arith.select %eq3A_833, %broadcast_in_dim3A_835, %get3A_830 : vector<16xi1>, vector<16xi32>
        %mul3A_837 = arith.constant 2 : i32
        %mul3A_838 = arith.muli %mul3A_837, %add3A_689 : i32
        %add3A_839 = arith.constant 0 : i32
        %add3A_840 = arith.addi %mul3A_838, %add3A_839 : i32
        %swap3A_841 = arith.index_cast %add3A_840 : i32 to index
        %swap3A_842 = arith.constant 80 : index
        %swap3A_843 = tpu.vector_load %arg7[%swap3A_841, %swap3A_842] {strides = array<i32>} : memref<200x128xi32, #tpu.memory_space<vmem>>, vector<1x16xi32>,
        %swap3A_844 = vector.shape_cast %swap3A_843 : vector<1x16xi32> to vector<16xi32>
        %swap3A_845 = vector.shape_cast %select_n3A_836 : vector<16xi32> to vector<1x16xi32>
        tpu.vector_store %arg7[%swap3A_841, %swap3A_842], %swap3A_845 {strides = array<i32>} : memref<200x128xi32, #tpu.memory_space<vmem>>, vector<1x16xi32>,
        %mul3A_846 = arith.constant 2 : i32
        %mul3A_847 = arith.muli %mul3A_846, %add3A_689 : i32
        %add3A_848 = arith.constant 0 : i32
        %add3A_849 = arith.addi %mul3A_847, %add3A_848 : i32
        %get3A_850 = arith.index_cast %add3A_849 : i32 to index
        %get3A_851 = arith.constant 96 : index
        %get3A_852 = tpu.vector_load %arg7[%get3A_850, %get3A_851] {strides = array<i32>} : memref<200x128xi32, #tpu.memory_space<vmem>>, vector<1x16xi32>,
        %get3A_853 = vector.shape_cast %get3A_852 : vector<1x16xi32> to vector<16xi32>
        %eq3A_854 = arith.constant -1 : i32
        %eq3A_855 = vector.broadcast %eq3A_854 : i32 to vector<16xi32>
        %eq3A_856 = arith.cmpi eq, %get3A_853, %eq3A_855 : vector<16xi32>
        %jit3A_857 = arith.constant 48 : i32
        %broadcast_in_dim3A_858 = vector.broadcast %jit3A_857 : i32 to vector<16xi32>
        %select_n3A_859 = arith.select %eq3A_856, %broadcast_in_dim3A_858, %get3A_853 : vector<16xi1>, vector<16xi32>
        %mul3A_860 = arith.constant 2 : i32
        %mul3A_861 = arith.muli %mul3A_860, %add3A_689 : i32
        %add3A_862 = arith.constant 0 : i32
        %add3A_863 = arith.addi %mul3A_861, %add3A_862 : i32
        %swap3A_864 = arith.index_cast %add3A_863 : i32 to index
        %swap3A_865 = arith.constant 96 : index
        %swap3A_866 = tpu.vector_load %arg7[%swap3A_864, %swap3A_865] {strides = array<i32>} : memref<200x128xi32, #tpu.memory_space<vmem>>, vector<1x16xi32>,
        %swap3A_867 = vector.shape_cast %swap3A_866 : vector<1x16xi32> to vector<16xi32>
        %swap3A_868 = vector.shape_cast %select_n3A_859 : vector<16xi32> to vector<1x16xi32>
        tpu.vector_store %arg7[%swap3A_864, %swap3A_865], %swap3A_868 {strides = array<i32>} : memref<200x128xi32, #tpu.memory_space<vmem>>, vector<1x16xi32>,
        %mul3A_869 = arith.constant 2 : i32
        %mul3A_870 = arith.muli %mul3A_869, %add3A_689 : i32
        %add3A_871 = arith.constant 0 : i32
        %add3A_872 = arith.addi %mul3A_870, %add3A_871 : i32
        %get3A_873 = arith.index_cast %add3A_872 : i32 to index
        %get3A_874 = arith.constant 112 : index
        %get3A_875 = tpu.vector_load %arg7[%get3A_873, %get3A_874] {strides = array<i32>} : memref<200x128xi32, #tpu.memory_space<vmem>>, vector<1x16xi32>,
        %get3A_876 = vector.shape_cast %get3A_875 : vector<1x16xi32> to vector<16xi32>
        %eq3A_877 = arith.constant -1 : i32
        %eq3A_878 = vector.broadcast %eq3A_877 : i32 to vector<16xi32>
        %eq3A_879 = arith.cmpi eq, %get3A_876, %eq3A_878 : vector<16xi32>
        %jit3A_880 = arith.constant 48 : i32
        %broadcast_in_dim3A_881 = vector.broadcast %jit3A_880 : i32 to vector<16xi32>
        %select_n3A_882 = arith.select %eq3A_879, %broadcast_in_dim3A_881, %get3A_876 : vector<16xi1>, vector<16xi32>
        %mul3A_883 = arith.constant 2 : i32
        %mul3A_884 = arith.muli %mul3A_883, %add3A_689 : i32
        %add3A_885 = arith.constant 0 : i32
        %add3A_886 = arith.addi %mul3A_884, %add3A_885 : i32
        %swap3A_887 = arith.index_cast %add3A_886 : i32 to index
        %swap3A_888 = arith.constant 112 : index
        %swap3A_889 = tpu.vector_load %arg7[%swap3A_887, %swap3A_888] {strides = array<i32>} : memref<200x128xi32, #tpu.memory_space<vmem>>, vector<1x16xi32>,
        %swap3A_890 = vector.shape_cast %swap3A_889 : vector<1x16xi32> to vector<16xi32>
        %swap3A_891 = vector.shape_cast %select_n3A_882 : vector<16xi32> to vector<1x16xi32>
        tpu.vector_store %arg7[%swap3A_887, %swap3A_888], %swap3A_891 {strides = array<i32>} : memref<200x128xi32, #tpu.memory_space<vmem>>, vector<1x16xi32>,
        %mul3A_892 = arith.constant 2 : i32
        %mul3A_893 = arith.muli %mul3A_892, %add3A_689 : i32
        %add3A_894 = arith.constant 0 : i32
        %add3A_895 = arith.addi %mul3A_893, %add3A_894 : i32
        %dma_start3A_896 = arith.constant 1 : i32
        %dma_start3A_897 = arith.constant 1 : i32
        %dma_start3A_898 = arith.constant 0 : i32
        %dma_start3A_899 = arith.constant 0 : i32
        %dma_start3A_900 = tpu.memref_slice %arg8[%dma_start3A_896, %dma_start3A_898, %dma_start3A_899] : memref<3x256x128xf32, #tpu.memory_space<vmem>> -> memref<1x128x128xf32, #tpu.memory_space<vmem>>
        %dma_start3A_901 = tpu.memref_squeeze %dma_start3A_900 : memref<1x128x128xf32, #tpu.memory_space<vmem>> -> memref<128x128xf32, #tpu.memory_space<vmem>>
        %dma_start3A_902 = arith.constant 0 : i32
        %dma_start3A_903 = tpu.memref_slice %arg7[%add3A_895, %dma_start3A_902] : memref<200x128xi32, #tpu.memory_space<vmem>> -> memref<1x128xi32, #tpu.memory_space<vmem>>
        %dma_start3A_904 = tpu.memref_squeeze %dma_start3A_903 : memref<1x128xi32, #tpu.memory_space<vmem>> -> memref<128xi32, #tpu.memory_space<vmem>>
        %dma_start3A_905 = arith.constant 0 : i32
        %dma_start3A_906 = arith.constant 0 : i32
        %dma_start3A_907 = tpu.memref_slice %arg6[%dma_start3A_905, %dma_start3A_906] : memref<49x128xf32, #tpu.memory_space<vmem_shared>> -> memref<49x128xf32, #tpu.memory_space<vmem_shared>>
        %dma_start3A_908 = tpu.memref_slice %arg10[%dma_start3A_897] : memref<3x!tpu.dma_semaphore, #tpu.memory_space<semaphore_mem>> -> memref<1x!tpu.dma_semaphore, #tpu.memory_space<semaphore_mem>>
        %dma_start3A_909 = tpu.memref_squeeze %dma_start3A_908 : memref<1x!tpu.dma_semaphore, #tpu.memory_space<semaphore_mem>> -> memref<!tpu.dma_semaphore, #tpu.memory_space<semaphore_mem>>
        tpu.enqueue_indirect_dma source(%dma_start3A_907 : memref<49x128xf32, #tpu.memory_space<vmem_shared>>) target(%dma_start3A_901 : memref<128x128xf32, #tpu.memory_space<vmem>>) offsets(%dma_start3A_904 : memref<128xi32, #tpu.memory_space<vmem>>) semaphore(%dma_start3A_909 : memref<!tpu.dma_semaphore, #tpu.memory_space<semaphore_mem>>) {add = true}
        %mul3A_910 = arith.constant 2 : i32
        %mul3A_911 = arith.muli %mul3A_910, %add3A_689 : i32
        %add3A_912 = arith.constant 1 : i32
        %add3A_913 = arith.addi %mul3A_911, %add3A_912 : i32
        %get3A_914 = arith.index_cast %add3A_913 : i32 to index
        %get3A_915 = arith.constant 0 : index
        %get3A_916 = tpu.vector_load %arg7[%get3A_914, %get3A_915] {strides = array<i32>} : memref<200x128xi32, #tpu.memory_space<vmem>>, vector<1x16xi32>,
        %get3A_917 = vector.shape_cast %get3A_916 : vector<1x16xi32> to vector<16xi32>
        %eq3A_918 = arith.constant -1 : i32
        %eq3A_919 = vector.broadcast %eq3A_918 : i32 to vector<16xi32>
        %eq3A_920 = arith.cmpi eq, %get3A_917, %eq3A_919 : vector<16xi32>
        %jit3A_921 = arith.constant 48 : i32
        %broadcast_in_dim3A_922 = vector.broadcast %jit3A_921 : i32 to vector<16xi32>
        %select_n3A_923 = arith.select %eq3A_920, %broadcast_in_dim3A_922, %get3A_917 : vector<16xi1>, vector<16xi32>
        %mul3A_924 = arith.constant 2 : i32
        %mul3A_925 = arith.muli %mul3A_924, %add3A_689 : i32
        %add3A_926 = arith.constant 1 : i32
        %add3A_927 = arith.addi %mul3A_925, %add3A_926 : i32
        %swap3A_928 = arith.index_cast %add3A_927 : i32 to index
        %swap3A_929 = arith.constant 0 : index
        %swap3A_930 = tpu.vector_load %arg7[%swap3A_928, %swap3A_929] {strides = array<i32>} : memref<200x128xi32, #tpu.memory_space<vmem>>, vector<1x16xi32>,
        %swap3A_931 = vector.shape_cast %swap3A_930 : vector<1x16xi32> to vector<16xi32>
        %swap3A_932 = vector.shape_cast %select_n3A_923 : vector<16xi32> to vector<1x16xi32>
        tpu.vector_store %arg7[%swap3A_928, %swap3A_929], %swap3A_932 {strides = array<i32>} : memref<200x128xi32, #tpu.memory_space<vmem>>, vector<1x16xi32>,
        %mul3A_933 = arith.constant 2 : i32
        %mul3A_934 = arith.muli %mul3A_933, %add3A_689 : i32
        %add3A_935 = arith.constant 1 : i32
        %add3A_936 = arith.addi %mul3A_934, %add3A_935 : i32
        %get3A_937 = arith.index_cast %add3A_936 : i32 to index
        %get3A_938 = arith.constant 16 : index
        %get3A_939 = tpu.vector_load %arg7[%get3A_937, %get3A_938] {strides = array<i32>} : memref<200x128xi32, #tpu.memory_space<vmem>>, vector<1x16xi32>,
        %get3A_940 = vector.shape_cast %get3A_939 : vector<1x16xi32> to vector<16xi32>
        %eq3A_941 = arith.constant -1 : i32
        %eq3A_942 = vector.broadcast %eq3A_941 : i32 to vector<16xi32>
        %eq3A_943 = arith.cmpi eq, %get3A_940, %eq3A_942 : vector<16xi32>
        %jit3A_944 = arith.constant 48 : i32
        %broadcast_in_dim3A_945 = vector.broadcast %jit3A_944 : i32 to vector<16xi32>
        %select_n3A_946 = arith.select %eq3A_943, %broadcast_in_dim3A_945, %get3A_940 : vector<16xi1>, vector<16xi32>
        %mul3A_947 = arith.constant 2 : i32
        %mul3A_948 = arith.muli %mul3A_947, %add3A_689 : i32
        %add3A_949 = arith.constant 1 : i32
        %add3A_950 = arith.addi %mul3A_948, %add3A_949 : i32
        %swap3A_951 = arith.index_cast %add3A_950 : i32 to index
        %swap3A_952 = arith.constant 16 : index
        %swap3A_953 = tpu.vector_load %arg7[%swap3A_951, %swap3A_952] {strides = array<i32>} : memref<200x128xi32, #tpu.memory_space<vmem>>, vector<1x16xi32>,
        %swap3A_954 = vector.shape_cast %swap3A_953 : vector<1x16xi32> to vector<16xi32>
        %swap3A_955 = vector.shape_cast %select_n3A_946 : vector<16xi32> to vector<1x16xi32>
        tpu.vector_store %arg7[%swap3A_951, %swap3A_952], %swap3A_955 {strides = array<i32>} : memref<200x128xi32, #tpu.memory_space<vmem>>, vector<1x16xi32>,
        %mul3A_956 = arith.constant 2 : i32
        %mul3A_957 = arith.muli %mul3A_956, %add3A_689 : i32
        %add3A_958 = arith.constant 1 : i32
        %add3A_959 = arith.addi %mul3A_957, %add3A_958 : i32
        %get3A_960 = arith.index_cast %add3A_959 : i32 to index
        %get3A_961 = arith.constant 32 : index
        %get3A_962 = tpu.vector_load %arg7[%get3A_960, %get3A_961] {strides = array<i32>} : memref<200x128xi32, #tpu.memory_space<vmem>>, vector<1x16xi32>,
        %get3A_963 = vector.shape_cast %get3A_962 : vector<1x16xi32> to vector<16xi32>
        %eq3A_964 = arith.constant -1 : i32
        %eq3A_965 = vector.broadcast %eq3A_964 : i32 to vector<16xi32>
        %eq3A_966 = arith.cmpi eq, %get3A_963, %eq3A_965 : vector<16xi32>
        %jit3A_967 = arith.constant 48 : i32
        %broadcast_in_dim3A_968 = vector.broadcast %jit3A_967 : i32 to vector<16xi32>
        %select_n3A_969 = arith.select %eq3A_966, %broadcast_in_dim3A_968, %get3A_963 : vector<16xi1>, vector<16xi32>
        %mul3A_970 = arith.constant 2 : i32
        %mul3A_971 = arith.muli %mul3A_970, %add3A_689 : i32
        %add3A_972 = arith.constant 1 : i32
        %add3A_973 = arith.addi %mul3A_971, %add3A_972 : i32
        %swap3A_974 = arith.index_cast %add3A_973 : i32 to index
        %swap3A_975 = arith.constant 32 : index
        %swap3A_976 = tpu.vector_load %arg7[%swap3A_974, %swap3A_975] {strides = array<i32>} : memref<200x128xi32, #tpu.memory_space<vmem>>, vector<1x16xi32>,
        %swap3A_977 = vector.shape_cast %swap3A_976 : vector<1x16xi32> to vector<16xi32>
        %swap3A_978 = vector.shape_cast %select_n3A_969 : vector<16xi32> to vector<1x16xi32>
        tpu.vector_store %arg7[%swap3A_974, %swap3A_975], %swap3A_978 {strides = array<i32>} : memref<200x128xi32, #tpu.memory_space<vmem>>, vector<1x16xi32>,
        %mul3A_979 = arith.constant 2 : i32
        %mul3A_980 = arith.muli %mul3A_979, %add3A_689 : i32
        %add3A_981 = arith.constant 1 : i32
        %add3A_982 = arith.addi %mul3A_980, %add3A_981 : i32
        %get3A_983 = arith.index_cast %add3A_982 : i32 to index
        %get3A_984 = arith.constant 48 : index
        %get3A_985 = tpu.vector_load %arg7[%get3A_983, %get3A_984] {strides = array<i32>} : memref<200x128xi32, #tpu.memory_space<vmem>>, vector<1x16xi32>,
        %get3A_986 = vector.shape_cast %get3A_985 : vector<1x16xi32> to vector<16xi32>
        %eq3A_987 = arith.constant -1 : i32
        %eq3A_988 = vector.broadcast %eq3A_987 : i32 to vector<16xi32>
        %eq3A_989 = arith.cmpi eq, %get3A_986, %eq3A_988 : vector<16xi32>
        %jit3A_990 = arith.constant 48 : i32
        %broadcast_in_dim3A_991 = vector.broadcast %jit3A_990 : i32 to vector<16xi32>
        %select_n3A_992 = arith.select %eq3A_989, %broadcast_in_dim3A_991, %get3A_986 : vector<16xi1>, vector<16xi32>
        %mul3A_993 = arith.constant 2 : i32
        %mul3A_994 = arith.muli %mul3A_993, %add3A_689 : i32
        %add3A_995 = arith.constant 1 : i32
        %add3A_996 = arith.addi %mul3A_994, %add3A_995 : i32
        %swap3A_997 = arith.index_cast %add3A_996 : i32 to index
        %swap3A_998 = arith.constant 48 : index
        %swap3A_999 = tpu.vector_load %arg7[%swap3A_997, %swap3A_998] {strides = array<i32>} : memref<200x128xi32, #tpu.memory_space<vmem>>, vector<1x16xi32>,
        %swap3A_1000 = vector.shape_cast %swap3A_999 : vector<1x16xi32> to vector<16xi32>
        %swap3A_1001 = vector.shape_cast %select_n3A_992 : vector<16xi32> to vector<1x16xi32>
        tpu.vector_store %arg7[%swap3A_997, %swap3A_998], %swap3A_1001 {strides = array<i32>} : memref<200x128xi32, #tpu.memory_space<vmem>>, vector<1x16xi32>,
        %mul3A_1002 = arith.constant 2 : i32
        %mul3A_1003 = arith.muli %mul3A_1002, %add3A_689 : i32
        %add3A_1004 = arith.constant 1 : i32
        %add3A_1005 = arith.addi %mul3A_1003, %add3A_1004 : i32
        %get3A_1006 = arith.index_cast %add3A_1005 : i32 to index
        %get3A_1007 = arith.constant 64 : index
        %get3A_1008 = tpu.vector_load %arg7[%get3A_1006, %get3A_1007] {strides = array<i32>} : memref<200x128xi32, #tpu.memory_space<vmem>>, vector<1x16xi32>,
        %get3A_1009 = vector.shape_cast %get3A_1008 : vector<1x16xi32> to vector<16xi32>
        %eq3A_1010 = arith.constant -1 : i32
        %eq3A_1011 = vector.broadcast %eq3A_1010 : i32 to vector<16xi32>
        %eq3A_1012 = arith.cmpi eq, %get3A_1009, %eq3A_1011 : vector<16xi32>
        %jit3A_1013 = arith.constant 48 : i32
        %broadcast_in_dim3A_1014 = vector.broadcast %jit3A_1013 : i32 to vector<16xi32>
        %select_n3A_1015 = arith.select %eq3A_1012, %broadcast_in_dim3A_1014, %get3A_1009 : vector<16xi1>, vector<16xi32>
        %mul3A_1016 = arith.constant 2 : i32
        %mul3A_1017 = arith.muli %mul3A_1016, %add3A_689 : i32
        %add3A_1018 = arith.constant 1 : i32
        %add3A_1019 = arith.addi %mul3A_1017, %add3A_1018 : i32
        %swap3A_1020 = arith.index_cast %add3A_1019 : i32 to index
        %swap3A_1021 = arith.constant 64 : index
        %swap3A_1022 = tpu.vector_load %arg7[%swap3A_1020, %swap3A_1021] {strides = array<i32>} : memref<200x128xi32, #tpu.memory_space<vmem>>, vector<1x16xi32>,
        %swap3A_1023 = vector.shape_cast %swap3A_1022 : vector<1x16xi32> to vector<16xi32>
        %swap3A_1024 = vector.shape_cast %select_n3A_1015 : vector<16xi32> to vector<1x16xi32>
        tpu.vector_store %arg7[%swap3A_1020, %swap3A_1021], %swap3A_1024 {strides = array<i32>} : memref<200x128xi32, #tpu.memory_space<vmem>>, vector<1x16xi32>,
        %mul3A_1025 = arith.constant 2 : i32
        %mul3A_1026 = arith.muli %mul3A_1025, %add3A_689 : i32
        %add3A_1027 = arith.constant 1 : i32
        %add3A_1028 = arith.addi %mul3A_1026, %add3A_1027 : i32
        %get3A_1029 = arith.index_cast %add3A_1028 : i32 to index
        %get3A_1030 = arith.constant 80 : index
        %get3A_1031 = tpu.vector_load %arg7[%get3A_1029, %get3A_1030] {strides = array<i32>} : memref<200x128xi32, #tpu.memory_space<vmem>>, vector<1x16xi32>,
        %get3A_1032 = vector.shape_cast %get3A_1031 : vector<1x16xi32> to vector<16xi32>
        %eq3A_1033 = arith.constant -1 : i32
        %eq3A_1034 = vector.broadcast %eq3A_1033 : i32 to vector<16xi32>
        %eq3A_1035 = arith.cmpi eq, %get3A_1032, %eq3A_1034 : vector<16xi32>
        %jit3A_1036 = arith.constant 48 : i32
        %broadcast_in_dim3A_1037 = vector.broadcast %jit3A_1036 : i32 to vector<16xi32>
        %select_n3A_1038 = arith.select %eq3A_1035, %broadcast_in_dim3A_1037, %get3A_1032 : vector<16xi1>, vector<16xi32>
        %mul3A_1039 = arith.constant 2 : i32
        %mul3A_1040 = arith.muli %mul3A_1039, %add3A_689 : i32
        %add3A_1041 = arith.constant 1 : i32
        %add3A_1042 = arith.addi %mul3A_1040, %add3A_1041 : i32
        %swap3A_1043 = arith.index_cast %add3A_1042 : i32 to index
        %swap3A_1044 = arith.constant 80 : index
        %swap3A_1045 = tpu.vector_load %arg7[%swap3A_1043, %swap3A_1044] {strides = array<i32>} : memref<200x128xi32, #tpu.memory_space<vmem>>, vector<1x16xi32>,
        %swap3A_1046 = vector.shape_cast %swap3A_1045 : vector<1x16xi32> to vector<16xi32>
        %swap3A_1047 = vector.shape_cast %select_n3A_1038 : vector<16xi32> to vector<1x16xi32>
        tpu.vector_store %arg7[%swap3A_1043, %swap3A_1044], %swap3A_1047 {strides = array<i32>} : memref<200x128xi32, #tpu.memory_space<vmem>>, vector<1x16xi32>,
        %mul3A_1048 = arith.constant 2 : i32
        %mul3A_1049 = arith.muli %mul3A_1048, %add3A_689 : i32
        %add3A_1050 = arith.constant 1 : i32
        %add3A_1051 = arith.addi %mul3A_1049, %add3A_1050 : i32
        %get3A_1052 = arith.index_cast %add3A_1051 : i32 to index
        %get3A_1053 = arith.constant 96 : index
        %get3A_1054 = tpu.vector_load %arg7[%get3A_1052, %get3A_1053] {strides = array<i32>} : memref<200x128xi32, #tpu.memory_space<vmem>>, vector<1x16xi32>,
        %get3A_1055 = vector.shape_cast %get3A_1054 : vector<1x16xi32> to vector<16xi32>
        %eq3A_1056 = arith.constant -1 : i32
        %eq3A_1057 = vector.broadcast %eq3A_1056 : i32 to vector<16xi32>
        %eq3A_1058 = arith.cmpi eq, %get3A_1055, %eq3A_1057 : vector<16xi32>
        %jit3A_1059 = arith.constant 48 : i32
        %broadcast_in_dim3A_1060 = vector.broadcast %jit3A_1059 : i32 to vector<16xi32>
        %select_n3A_1061 = arith.select %eq3A_1058, %broadcast_in_dim3A_1060, %get3A_1055 : vector<16xi1>, vector<16xi32>
        %mul3A_1062 = arith.constant 2 : i32
        %mul3A_1063 = arith.muli %mul3A_1062, %add3A_689 : i32
        %add3A_1064 = arith.constant 1 : i32
        %add3A_1065 = arith.addi %mul3A_1063, %add3A_1064 : i32
        %swap3A_1066 = arith.index_cast %add3A_1065 : i32 to index
        %swap3A_1067 = arith.constant 96 : index
        %swap3A_1068 = tpu.vector_load %arg7[%swap3A_1066, %swap3A_1067] {strides = array<i32>} : memref<200x128xi32, #tpu.memory_space<vmem>>, vector<1x16xi32>,
        %swap3A_1069 = vector.shape_cast %swap3A_1068 : vector<1x16xi32> to vector<16xi32>
        %swap3A_1070 = vector.shape_cast %select_n3A_1061 : vector<16xi32> to vector<1x16xi32>
        tpu.vector_store %arg7[%swap3A_1066, %swap3A_1067], %swap3A_1070 {strides = array<i32>} : memref<200x128xi32, #tpu.memory_space<vmem>>, vector<1x16xi32>,
        %mul3A_1071 = arith.constant 2 : i32
        %mul3A_1072 = arith.muli %mul3A_1071, %add3A_689 : i32
        %add3A_1073 = arith.constant 1 : i32
        %add3A_1074 = arith.addi %mul3A_1072, %add3A_1073 : i32
        %get3A_1075 = arith.index_cast %add3A_1074 : i32 to index
        %get3A_1076 = arith.constant 112 : index
        %get3A_1077 = tpu.vector_load %arg7[%get3A_1075, %get3A_1076] {strides = array<i32>} : memref<200x128xi32, #tpu.memory_space<vmem>>, vector<1x16xi32>,
        %get3A_1078 = vector.shape_cast %get3A_1077 : vector<1x16xi32> to vector<16xi32>
        %eq3A_1079 = arith.constant -1 : i32
        %eq3A_1080 = vector.broadcast %eq3A_1079 : i32 to vector<16xi32>
        %eq3A_1081 = arith.cmpi eq, %get3A_1078, %eq3A_1080 : vector<16xi32>
        %jit3A_1082 = arith.constant 48 : i32
        %broadcast_in_dim3A_1083 = vector.broadcast %jit3A_1082 : i32 to vector<16xi32>
        %select_n3A_1084 = arith.select %eq3A_1081, %broadcast_in_dim3A_1083, %get3A_1078 : vector<16xi1>, vector<16xi32>
        %mul3A_1085 = arith.constant 2 : i32
        %mul3A_1086 = arith.muli %mul3A_1085, %add3A_689 : i32
        %add3A_1087 = arith.constant 1 : i32
        %add3A_1088 = arith.addi %mul3A_1086, %add3A_1087 : i32
        %swap3A_1089 = arith.index_cast %add3A_1088 : i32 to index
        %swap3A_1090 = arith.constant 112 : index
        %swap3A_1091 = tpu.vector_load %arg7[%swap3A_1089, %swap3A_1090] {strides = array<i32>} : memref<200x128xi32, #tpu.memory_space<vmem>>, vector<1x16xi32>,
        %swap3A_1092 = vector.shape_cast %swap3A_1091 : vector<1x16xi32> to vector<16xi32>
        %swap3A_1093 = vector.shape_cast %select_n3A_1084 : vector<16xi32> to vector<1x16xi32>
        tpu.vector_store %arg7[%swap3A_1089, %swap3A_1090], %swap3A_1093 {strides = array<i32>} : memref<200x128xi32, #tpu.memory_space<vmem>>, vector<1x16xi32>,
        %mul3A_1094 = arith.constant 2 : i32
        %mul3A_1095 = arith.muli %mul3A_1094, %add3A_689 : i32
        %add3A_1096 = arith.constant 1 : i32
        %add3A_1097 = arith.addi %mul3A_1095, %add3A_1096 : i32
        %dma_start3A_1098 = arith.constant 1 : i32
        %dma_start3A_1099 = arith.constant 1 : i32
        %dma_start3A_1100 = arith.constant 128 : i32
        %dma_start3A_1101 = arith.constant 0 : i32
        %dma_start3A_1102 = tpu.memref_slice %arg8[%dma_start3A_1098, %dma_start3A_1100, %dma_start3A_1101] : memref<3x256x128xf32, #tpu.memory_space<vmem>> -> memref<1x128x128xf32, #tpu.memory_space<vmem>>
        %dma_start3A_1103 = tpu.memref_squeeze %dma_start3A_1102 : memref<1x128x128xf32, #tpu.memory_space<vmem>> -> memref<128x128xf32, #tpu.memory_space<vmem>>
        %dma_start3A_1104 = arith.constant 0 : i32
        %dma_start3A_1105 = tpu.memref_slice %arg7[%add3A_1097, %dma_start3A_1104] : memref<200x128xi32, #tpu.memory_space<vmem>> -> memref<1x128xi32, #tpu.memory_space<vmem>>
        %dma_start3A_1106 = tpu.memref_squeeze %dma_start3A_1105 : memref<1x128xi32, #tpu.memory_space<vmem>> -> memref<128xi32, #tpu.memory_space<vmem>>
        %dma_start3A_1107 = arith.constant 0 : i32
        %dma_start3A_1108 = arith.constant 0 : i32
        %dma_start3A_1109 = tpu.memref_slice %arg6[%dma_start3A_1107, %dma_start3A_1108] : memref<49x128xf32, #tpu.memory_space<vmem_shared>> -> memref<49x128xf32, #tpu.memory_space<vmem_shared>>
        %dma_start3A_1110 = tpu.memref_slice %arg10[%dma_start3A_1099] : memref<3x!tpu.dma_semaphore, #tpu.memory_space<semaphore_mem>> -> memref<1x!tpu.dma_semaphore, #tpu.memory_space<semaphore_mem>>
        %dma_start3A_1111 = tpu.memref_squeeze %dma_start3A_1110 : memref<1x!tpu.dma_semaphore, #tpu.memory_space<semaphore_mem>> -> memref<!tpu.dma_semaphore, #tpu.memory_space<semaphore_mem>>
        tpu.enqueue_indirect_dma source(%dma_start3A_1109 : memref<49x128xf32, #tpu.memory_space<vmem_shared>>) target(%dma_start3A_1103 : memref<128x128xf32, #tpu.memory_space<vmem>>) offsets(%dma_start3A_1106 : memref<128xi32, #tpu.memory_space<vmem>>) semaphore(%dma_start3A_1111 : memref<!tpu.dma_semaphore, #tpu.memory_space<semaphore_mem>>) {add = true}
      } else {
      }
      %add3A_535 = arith.constant 2 : i32
      %add3A_536 = arith.addi %add3A_473, %add3A_535 : i32
      %lt3A_537 = arith.constant 100 : i32
      %lt3A_538 = arith.cmpi slt, %add3A_536, %lt3A_537 : i32
      %convert_element_type3A_539 = arith.extui %lt3A_538 : i1 to i32
      %cond3A_540 = arith.constant 0 : i32
      %cond3A_541 = arith.cmpi ne, %convert_element_type3A_539, %cond3A_540 : i32
      scf.if %cond3A_541 {
        %ge3A = arith.constant 1 : i32
        %ge3A_688 = arith.cmpi sge, %add3A_473, %ge3A : i32
        %convert_element_type3A_689 = arith.extui %ge3A_688 : i1 to i32
        %cond3A_690 = arith.constant 0 : i32
        %cond3A_691 = arith.cmpi ne, %convert_element_type3A_689, %cond3A_690 : i32
        scf.if %cond3A_691 {
          %dma_wait3A_713 = arith.constant 2 : i32
          %dma_wait3A_714 = arith.constant 2 : i32
          %dma_wait3A_715 = arith.constant 0 : i32
          %dma_wait3A_716 = arith.constant 0 : i32
          %dma_wait3A_717 = tpu.memref_slice %arg8[%dma_wait3A_713, %dma_wait3A_715, %dma_wait3A_716] : memref<3x256x128xf32, #tpu.memory_space<vmem>> -> memref<1x256x128xf32, #tpu.memory_space<vmem>>
          %dma_wait3A_718 = tpu.memref_squeeze %dma_wait3A_717 : memref<1x256x128xf32, #tpu.memory_space<vmem>> -> memref<256x128xf32, #tpu.memory_space<vmem>>
          %dma_wait3A_719 = arith.constant 0 : i32
          %dma_wait3A_720 = arith.constant 0 : i32
          %dma_wait3A_721 = tpu.memref_slice %arg5[%dma_wait3A_719, %dma_wait3A_720] : memref<819200x128xf32, #tpu.memory_space<hbm>> -> memref<256x128xf32, #tpu.memory_space<hbm>>
          %dma_wait3A_722 = tpu.memref_slice %arg11[%dma_wait3A_714] : memref<3x!tpu.dma_semaphore, #tpu.memory_space<semaphore_mem>> -> memref<1x!tpu.dma_semaphore, #tpu.memory_space<semaphore_mem>>
          %dma_wait3A_723 = tpu.memref_squeeze %dma_wait3A_722 : memref<1x!tpu.dma_semaphore, #tpu.memory_space<semaphore_mem>> -> memref<!tpu.dma_semaphore, #tpu.memory_space<semaphore_mem>>
          %dma_wait3A_724 = arith.constant 0 : i32
          %dma_wait3A_725 = arith.constant 0 : i32
          %dma_wait3A_726 = tpu.memref_slice %arg5[%dma_wait3A_724, %dma_wait3A_725] : memref<819200x128xf32, #tpu.memory_space<hbm>> -> memref<256x128xf32, #tpu.memory_space<hbm>>
          %dma_wait3A_727 = arith.constant 0 : i32
          %dma_wait3A_728 = arith.constant 0 : i32
          %dma_wait3A_729 = tpu.memref_slice %arg8[%dma_wait3A_713, %dma_wait3A_727, %dma_wait3A_728] : memref<3x256x128xf32, #tpu.memory_space<vmem>> -> memref<1x256x128xf32, #tpu.memory_space<vmem>>
          %dma_wait3A_730 = tpu.memref_squeeze %dma_wait3A_729 : memref<1x256x128xf32, #tpu.memory_space<vmem>> -> memref<256x128xf32, #tpu.memory_space<vmem>>
          tpu.wait_dma2 semaphore(%dma_wait3A_723 : memref<!tpu.dma_semaphore, #tpu.memory_space<semaphore_mem>>) src(%dma_wait3A_730 : memref<256x128xf32, #tpu.memory_space<vmem>>) dst(%dma_wait3A_726 : memref<256x128xf32, #tpu.memory_space<hbm>>)
        } else {
        }
        %add3A_692 = arith.constant 2 : i32
        %add3A_693 = arith.addi %add3A_473, %add3A_692 : i32
        %add3A_694 = arith.addi %mul3A_2, %add3A_693 : i32
        %mul3A_695 = arith.constant 256 : i32
        %mul3A_696 = arith.muli %add3A_694, %mul3A_695 : i32
        %dma_start3A_697 = arith.constant 2 : i32
        %dma_start3A_698 = arith.constant 2 : i32
        %dma_start3A_699 = arith.constant 0 : i32
        %dma_start3A_700 = arith.constant 0 : i32
        %dma_start3A_701 = tpu.memref_slice %arg8[%dma_start3A_697, %dma_start3A_699, %dma_start3A_700] : memref<3x256x128xf32, #tpu.memory_space<vmem>> -> memref<1x256x128xf32, #tpu.memory_space<vmem>>
        %dma_start3A_702 = tpu.memref_squeeze %dma_start3A_701 : memref<1x256x128xf32, #tpu.memory_space<vmem>> -> memref<256x128xf32, #tpu.memory_space<vmem>>
        %dma_start3A_703 = arith.constant 0 : i32
        %dma_start3A_704 = tpu.memref_slice %arg2[%mul3A_696, %dma_start3A_703] : memref<819200x128xf32, #tpu.memory_space<hbm>> -> memref<256x128xf32, #tpu.memory_space<hbm>>
        %dma_start3A_705 = tpu.memref_slice %arg9[%dma_start3A_698] : memref<3x!tpu.dma_semaphore, #tpu.memory_space<semaphore_mem>> -> memref<1x!tpu.dma_semaphore, #tpu.memory_space<semaphore_mem>>
        %dma_start3A_706 = tpu.memref_squeeze %dma_start3A_705 : memref<1x!tpu.dma_semaphore, #tpu.memory_space<semaphore_mem>> -> memref<!tpu.dma_semaphore, #tpu.memory_space<semaphore_mem>>
        %dma_start3A_707 = arith.constant 0 : i32
        %dma_start3A_708 = arith.constant 0 : i32
        %dma_start3A_709 = tpu.memref_slice %arg8[%dma_start3A_697, %dma_start3A_707, %dma_start3A_708] : memref<3x256x128xf32, #tpu.memory_space<vmem>> -> memref<1x256x128xf32, #tpu.memory_space<vmem>>
        %dma_start3A_710 = tpu.memref_squeeze %dma_start3A_709 : memref<1x256x128xf32, #tpu.memory_space<vmem>> -> memref<256x128xf32, #tpu.memory_space<vmem>>
        %dma_start3A_711 = arith.constant 0 : i32
        %dma_start3A_712 = tpu.memref_slice %arg2[%mul3A_696, %dma_start3A_711] : memref<819200x128xf32, #tpu.memory_space<hbm>> -> memref<256x128xf32, #tpu.memory_space<hbm>>
        tpu.enqueue_dma source(%dma_start3A_712 : memref<256x128xf32, #tpu.memory_space<hbm>>) target(%dma_start3A_710 : memref<256x128xf32, #tpu.memory_space<vmem>>) target_semaphore(%dma_start3A_706 : memref<!tpu.dma_semaphore, #tpu.memory_space<semaphore_mem>>)
      } else {
      }
      %mul3A_542 = arith.constant 3 : i32
      %mul3A_543 = arith.muli %scan3A_469, %mul3A_542 : i32
      %add3A_544 = arith.constant 1 : i32
      %add3A_545 = arith.addi %mul3A_543, %add3A_544 : i32
      %mul3A_546 = arith.constant 2 : i32
      %mul3A_547 = arith.muli %mul3A_546, %add3A_545 : i32
      %add3A_548 = arith.constant 0 : i32
      %add3A_549 = arith.addi %mul3A_547, %add3A_548 : i32
      %dma_wait3A_550 = arith.constant 1 : i32
      %dma_wait3A_551 = arith.constant 1 : i32
      %dma_wait3A_552 = arith.constant 0 : i32
      %dma_wait3A_553 = arith.constant 0 : i32
      %dma_wait3A_554 = tpu.memref_slice %arg8[%dma_wait3A_550, %dma_wait3A_552, %dma_wait3A_553] : memref<3x256x128xf32, #tpu.memory_space<vmem>> -> memref<1x128x128xf32, #tpu.memory_space<vmem>>
      %dma_wait3A_555 = tpu.memref_squeeze %dma_wait3A_554 : memref<1x128x128xf32, #tpu.memory_space<vmem>> -> memref<128x128xf32, #tpu.memory_space<vmem>>
      %dma_wait3A_556 = arith.constant 0 : i32
      %dma_wait3A_557 = tpu.memref_slice %arg7[%add3A_549, %dma_wait3A_556] : memref<200x128xi32, #tpu.memory_space<vmem>> -> memref<1x128xi32, #tpu.memory_space<vmem>>
      %dma_wait3A_558 = tpu.memref_squeeze %dma_wait3A_557 : memref<1x128xi32, #tpu.memory_space<vmem>> -> memref<128xi32, #tpu.memory_space<vmem>>
      %dma_wait3A_559 = arith.constant 0 : i32
      %dma_wait3A_560 = arith.constant 0 : i32
      %dma_wait3A_561 = tpu.memref_slice %arg6[%dma_wait3A_559, %dma_wait3A_560] : memref<49x128xf32, #tpu.memory_space<vmem_shared>> -> memref<49x128xf32, #tpu.memory_space<vmem_shared>>
      %dma_wait3A_562 = tpu.memref_slice %arg10[%dma_wait3A_551] : memref<3x!tpu.dma_semaphore, #tpu.memory_space<semaphore_mem>> -> memref<1x!tpu.dma_semaphore, #tpu.memory_space<semaphore_mem>>
      %dma_wait3A_563 = tpu.memref_squeeze %dma_wait3A_562 : memref<1x!tpu.dma_semaphore, #tpu.memory_space<semaphore_mem>> -> memref<!tpu.dma_semaphore, #tpu.memory_space<semaphore_mem>>
      tpu.wait_indirect_dma semaphore(%dma_wait3A_563 : memref<!tpu.dma_semaphore, #tpu.memory_space<semaphore_mem>>) src(%dma_wait3A_561 : memref<49x128xf32, #tpu.memory_space<vmem_shared>>) dst(%dma_wait3A_555 : memref<128x128xf32, #tpu.memory_space<vmem>>)
      %mul3A_564 = arith.constant 2 : i32
      %mul3A_565 = arith.muli %mul3A_564, %add3A_545 : i32
      %add3A_566 = arith.constant 1 : i32
      %add3A_567 = arith.addi %mul3A_565, %add3A_566 : i32
      %dma_wait3A_568 = arith.constant 1 : i32
      %dma_wait3A_569 = arith.constant 1 : i32
      %dma_wait3A_570 = arith.constant 128 : i32
      %dma_wait3A_571 = arith.constant 0 : i32
      %dma_wait3A_572 = tpu.memref_slice %arg8[%dma_wait3A_568, %dma_wait3A_570, %dma_wait3A_571] : memref<3x256x128xf32, #tpu.memory_space<vmem>> -> memref<1x128x128xf32, #tpu.memory_space<vmem>>
      %dma_wait3A_573 = tpu.memref_squeeze %dma_wait3A_572 : memref<1x128x128xf32, #tpu.memory_space<vmem>> -> memref<128x128xf32, #tpu.memory_space<vmem>>
      %dma_wait3A_574 = arith.constant 0 : i32
      %dma_wait3A_575 = tpu.memref_slice %arg7[%add3A_567, %dma_wait3A_574] : memref<200x128xi32, #tpu.memory_space<vmem>> -> memref<1x128xi32, #tpu.memory_space<vmem>>
      %dma_wait3A_576 = tpu.memref_squeeze %dma_wait3A_575 : memref<1x128xi32, #tpu.memory_space<vmem>> -> memref<128xi32, #tpu.memory_space<vmem>>
      %dma_wait3A_577 = arith.constant 0 : i32
      %dma_wait3A_578 = arith.constant 0 : i32
      %dma_wait3A_579 = tpu.memref_slice %arg6[%dma_wait3A_577, %dma_wait3A_578] : memref<49x128xf32, #tpu.memory_space<vmem_shared>> -> memref<49x128xf32, #tpu.memory_space<vmem_shared>>
      %dma_wait3A_580 = tpu.memref_slice %arg10[%dma_wait3A_569] : memref<3x!tpu.dma_semaphore, #tpu.memory_space<semaphore_mem>> -> memref<1x!tpu.dma_semaphore, #tpu.memory_space<semaphore_mem>>
      %dma_wait3A_581 = tpu.memref_squeeze %dma_wait3A_580 : memref<1x!tpu.dma_semaphore, #tpu.memory_space<semaphore_mem>> -> memref<!tpu.dma_semaphore, #tpu.memory_space<semaphore_mem>>
      tpu.wait_indirect_dma semaphore(%dma_wait3A_581 : memref<!tpu.dma_semaphore, #tpu.memory_space<semaphore_mem>>) src(%dma_wait3A_579 : memref<49x128xf32, #tpu.memory_space<vmem_shared>>) dst(%dma_wait3A_573 : memref<128x128xf32, #tpu.memory_space<vmem>>)
      %add3A_582 = arith.addi %mul3A_2, %add3A_545 : i32
      %mul3A_583 = arith.constant 256 : i32
      %mul3A_584 = arith.muli %add3A_582, %mul3A_583 : i32
      %dma_start3A_585 = arith.constant 1 : i32
      %dma_start3A_586 = arith.constant 1 : i32
      %dma_start3A_587 = arith.constant 0 : i32
      %dma_start3A_588 = arith.constant 0 : i32
      %dma_start3A_589 = tpu.memref_slice %arg8[%dma_start3A_585, %dma_start3A_587, %dma_start3A_588] : memref<3x256x128xf32, #tpu.memory_space<vmem>> -> memref<1x256x128xf32, #tpu.memory_space<vmem>>
      %dma_start3A_590 = tpu.memref_squeeze %dma_start3A_589 : memref<1x256x128xf32, #tpu.memory_space<vmem>> -> memref<256x128xf32, #tpu.memory_space<vmem>>
      %dma_start3A_591 = arith.constant 0 : i32
      %dma_start3A_592 = tpu.memref_slice %arg5[%mul3A_584, %dma_start3A_591] : memref<819200x128xf32, #tpu.memory_space<hbm>> -> memref<256x128xf32, #tpu.memory_space<hbm>>
      %dma_start3A_593 = tpu.memref_slice %arg11[%dma_start3A_586] : memref<3x!tpu.dma_semaphore, #tpu.memory_space<semaphore_mem>> -> memref<1x!tpu.dma_semaphore, #tpu.memory_space<semaphore_mem>>
      %dma_start3A_594 = tpu.memref_squeeze %dma_start3A_593 : memref<1x!tpu.dma_semaphore, #tpu.memory_space<semaphore_mem>> -> memref<!tpu.dma_semaphore, #tpu.memory_space<semaphore_mem>>
      %dma_start3A_595 = arith.constant 0 : i32
      %dma_start3A_596 = tpu.memref_slice %arg5[%mul3A_584, %dma_start3A_595] : memref<819200x128xf32, #tpu.memory_space<hbm>> -> memref<256x128xf32, #tpu.memory_space<hbm>>
      %dma_start3A_597 = arith.constant 0 : i32
      %dma_start3A_598 = arith.constant 0 : i32
      %dma_start3A_599 = tpu.memref_slice %arg8[%dma_start3A_585, %dma_start3A_597, %dma_start3A_598] : memref<3x256x128xf32, #tpu.memory_space<vmem>> -> memref<1x256x128xf32, #tpu.memory_space<vmem>>
      %dma_start3A_600 = tpu.memref_squeeze %dma_start3A_599 : memref<1x256x128xf32, #tpu.memory_space<vmem>> -> memref<256x128xf32, #tpu.memory_space<vmem>>
      tpu.enqueue_dma source(%dma_start3A_600 : memref<256x128xf32, #tpu.memory_space<vmem>>) target(%dma_start3A_596 : memref<256x128xf32, #tpu.memory_space<hbm>>) target_semaphore(%dma_start3A_594 : memref<!tpu.dma_semaphore, #tpu.memory_space<semaphore_mem>>)
      %add3A_601 = arith.constant 1 : i32
      %add3A_602 = arith.addi %add3A_545, %add3A_601 : i32
      %lt3A_603 = arith.constant 100 : i32
      %lt3A_604 = arith.cmpi slt, %add3A_602, %lt3A_603 : i32
      %convert_element_type3A_605 = arith.extui %lt3A_604 : i1 to i32
      %cond3A_606 = arith.constant 0 : i32
      %cond3A_607 = arith.cmpi ne, %convert_element_type3A_605, %cond3A_606 : i32
      scf.if %cond3A_607 {
        %add3A_688 = arith.constant 1 : i32
        %add3A_689 = arith.addi %add3A_545, %add3A_688 : i32
        %dma_wait3A_690 = arith.constant 2 : i32
        %dma_wait3A_691 = arith.constant 2 : i32
        %dma_wait3A_692 = arith.constant 0 : i32
        %dma_wait3A_693 = arith.constant 0 : i32
        %dma_wait3A_694 = tpu.memref_slice %arg8[%dma_wait3A_690, %dma_wait3A_692, %dma_wait3A_693] : memref<3x256x128xf32, #tpu.memory_space<vmem>> -> memref<1x256x128xf32, #tpu.memory_space<vmem>>
        %dma_wait3A_695 = tpu.memref_squeeze %dma_wait3A_694 : memref<1x256x128xf32, #tpu.memory_space<vmem>> -> memref<256x128xf32, #tpu.memory_space<vmem>>
        %dma_wait3A_696 = arith.constant 0 : i32
        %dma_wait3A_697 = arith.constant 0 : i32
        %dma_wait3A_698 = tpu.memref_slice %arg2[%dma_wait3A_696, %dma_wait3A_697] : memref<819200x128xf32, #tpu.memory_space<hbm>> -> memref<256x128xf32, #tpu.memory_space<hbm>>
        %dma_wait3A_699 = tpu.memref_slice %arg9[%dma_wait3A_691] : memref<3x!tpu.dma_semaphore, #tpu.memory_space<semaphore_mem>> -> memref<1x!tpu.dma_semaphore, #tpu.memory_space<semaphore_mem>>
        %dma_wait3A_700 = tpu.memref_squeeze %dma_wait3A_699 : memref<1x!tpu.dma_semaphore, #tpu.memory_space<semaphore_mem>> -> memref<!tpu.dma_semaphore, #tpu.memory_space<semaphore_mem>>
        %dma_wait3A_701 = arith.constant 0 : i32
        %dma_wait3A_702 = arith.constant 0 : i32
        %dma_wait3A_703 = tpu.memref_slice %arg8[%dma_wait3A_690, %dma_wait3A_701, %dma_wait3A_702] : memref<3x256x128xf32, #tpu.memory_space<vmem>> -> memref<1x256x128xf32, #tpu.memory_space<vmem>>
        %dma_wait3A_704 = tpu.memref_squeeze %dma_wait3A_703 : memref<1x256x128xf32, #tpu.memory_space<vmem>> -> memref<256x128xf32, #tpu.memory_space<vmem>>
        %dma_wait3A_705 = arith.constant 0 : i32
        %dma_wait3A_706 = arith.constant 0 : i32
        %dma_wait3A_707 = tpu.memref_slice %arg2[%dma_wait3A_705, %dma_wait3A_706] : memref<819200x128xf32, #tpu.memory_space<hbm>> -> memref<256x128xf32, #tpu.memory_space<hbm>>
        tpu.wait_dma2 semaphore(%dma_wait3A_700 : memref<!tpu.dma_semaphore, #tpu.memory_space<semaphore_mem>>) src(%dma_wait3A_707 : memref<256x128xf32, #tpu.memory_space<hbm>>) dst(%dma_wait3A_704 : memref<256x128xf32, #tpu.memory_space<vmem>>)
        %mul3A_708 = arith.constant 2 : i32
        %mul3A_709 = arith.muli %mul3A_708, %add3A_689 : i32
        %add3A_710 = arith.constant 0 : i32
        %add3A_711 = arith.addi %mul3A_709, %add3A_710 : i32
        %get3A_712 = arith.index_cast %add3A_711 : i32 to index
        %get3A_713 = arith.constant 0 : index
        %get3A_714 = tpu.vector_load %arg7[%get3A_712, %get3A_713] {strides = array<i32>} : memref<200x128xi32, #tpu.memory_space<vmem>>, vector<1x16xi32>,
        %get3A_715 = vector.shape_cast %get3A_714 : vector<1x16xi32> to vector<16xi32>
        %eq3A_716 = arith.constant -1 : i32
        %eq3A_717 = vector.broadcast %eq3A_716 : i32 to vector<16xi32>
        %eq3A_718 = arith.cmpi eq, %get3A_715, %eq3A_717 : vector<16xi32>
        %jit3A_719 = arith.constant 48 : i32
        %broadcast_in_dim3A_720 = vector.broadcast %jit3A_719 : i32 to vector<16xi32>
        %select_n3A_721 = arith.select %eq3A_718, %broadcast_in_dim3A_720, %get3A_715 : vector<16xi1>, vector<16xi32>
        %mul3A_722 = arith.constant 2 : i32
        %mul3A_723 = arith.muli %mul3A_722, %add3A_689 : i32
        %add3A_724 = arith.constant 0 : i32
        %add3A_725 = arith.addi %mul3A_723, %add3A_724 : i32
        %swap3A_726 = arith.index_cast %add3A_725 : i32 to index
        %swap3A_727 = arith.constant 0 : index
        %swap3A_728 = tpu.vector_load %arg7[%swap3A_726, %swap3A_727] {strides = array<i32>} : memref<200x128xi32, #tpu.memory_space<vmem>>, vector<1x16xi32>,
        %swap3A_729 = vector.shape_cast %swap3A_728 : vector<1x16xi32> to vector<16xi32>
        %swap3A_730 = vector.shape_cast %select_n3A_721 : vector<16xi32> to vector<1x16xi32>
        tpu.vector_store %arg7[%swap3A_726, %swap3A_727], %swap3A_730 {strides = array<i32>} : memref<200x128xi32, #tpu.memory_space<vmem>>, vector<1x16xi32>,
        %mul3A_731 = arith.constant 2 : i32
        %mul3A_732 = arith.muli %mul3A_731, %add3A_689 : i32
        %add3A_733 = arith.constant 0 : i32
        %add3A_734 = arith.addi %mul3A_732, %add3A_733 : i32
        %get3A_735 = arith.index_cast %add3A_734 : i32 to index
        %get3A_736 = arith.constant 16 : index
        %get3A_737 = tpu.vector_load %arg7[%get3A_735, %get3A_736] {strides = array<i32>} : memref<200x128xi32, #tpu.memory_space<vmem>>, vector<1x16xi32>,
        %get3A_738 = vector.shape_cast %get3A_737 : vector<1x16xi32> to vector<16xi32>
        %eq3A_739 = arith.constant -1 : i32
        %eq3A_740 = vector.broadcast %eq3A_739 : i32 to vector<16xi32>
        %eq3A_741 = arith.cmpi eq, %get3A_738, %eq3A_740 : vector<16xi32>
        %jit3A_742 = arith.constant 48 : i32
        %broadcast_in_dim3A_743 = vector.broadcast %jit3A_742 : i32 to vector<16xi32>
        %select_n3A_744 = arith.select %eq3A_741, %broadcast_in_dim3A_743, %get3A_738 : vector<16xi1>, vector<16xi32>
        %mul3A_745 = arith.constant 2 : i32
        %mul3A_746 = arith.muli %mul3A_745, %add3A_689 : i32
        %add3A_747 = arith.constant 0 : i32
        %add3A_748 = arith.addi %mul3A_746, %add3A_747 : i32
        %swap3A_749 = arith.index_cast %add3A_748 : i32 to index
        %swap3A_750 = arith.constant 16 : index
        %swap3A_751 = tpu.vector_load %arg7[%swap3A_749, %swap3A_750] {strides = array<i32>} : memref<200x128xi32, #tpu.memory_space<vmem>>, vector<1x16xi32>,
        %swap3A_752 = vector.shape_cast %swap3A_751 : vector<1x16xi32> to vector<16xi32>
        %swap3A_753 = vector.shape_cast %select_n3A_744 : vector<16xi32> to vector<1x16xi32>
        tpu.vector_store %arg7[%swap3A_749, %swap3A_750], %swap3A_753 {strides = array<i32>} : memref<200x128xi32, #tpu.memory_space<vmem>>, vector<1x16xi32>,
        %mul3A_754 = arith.constant 2 : i32
        %mul3A_755 = arith.muli %mul3A_754, %add3A_689 : i32
        %add3A_756 = arith.constant 0 : i32
        %add3A_757 = arith.addi %mul3A_755, %add3A_756 : i32
        %get3A_758 = arith.index_cast %add3A_757 : i32 to index
        %get3A_759 = arith.constant 32 : index
        %get3A_760 = tpu.vector_load %arg7[%get3A_758, %get3A_759] {strides = array<i32>} : memref<200x128xi32, #tpu.memory_space<vmem>>, vector<1x16xi32>,
        %get3A_761 = vector.shape_cast %get3A_760 : vector<1x16xi32> to vector<16xi32>
        %eq3A_762 = arith.constant -1 : i32
        %eq3A_763 = vector.broadcast %eq3A_762 : i32 to vector<16xi32>
        %eq3A_764 = arith.cmpi eq, %get3A_761, %eq3A_763 : vector<16xi32>
        %jit3A_765 = arith.constant 48 : i32
        %broadcast_in_dim3A_766 = vector.broadcast %jit3A_765 : i32 to vector<16xi32>
        %select_n3A_767 = arith.select %eq3A_764, %broadcast_in_dim3A_766, %get3A_761 : vector<16xi1>, vector<16xi32>
        %mul3A_768 = arith.constant 2 : i32
        %mul3A_769 = arith.muli %mul3A_768, %add3A_689 : i32
        %add3A_770 = arith.constant 0 : i32
        %add3A_771 = arith.addi %mul3A_769, %add3A_770 : i32
        %swap3A_772 = arith.index_cast %add3A_771 : i32 to index
        %swap3A_773 = arith.constant 32 : index
        %swap3A_774 = tpu.vector_load %arg7[%swap3A_772, %swap3A_773] {strides = array<i32>} : memref<200x128xi32, #tpu.memory_space<vmem>>, vector<1x16xi32>,
        %swap3A_775 = vector.shape_cast %swap3A_774 : vector<1x16xi32> to vector<16xi32>
        %swap3A_776 = vector.shape_cast %select_n3A_767 : vector<16xi32> to vector<1x16xi32>
        tpu.vector_store %arg7[%swap3A_772, %swap3A_773], %swap3A_776 {strides = array<i32>} : memref<200x128xi32, #tpu.memory_space<vmem>>, vector<1x16xi32>,
        %mul3A_777 = arith.constant 2 : i32
        %mul3A_778 = arith.muli %mul3A_777, %add3A_689 : i32
        %add3A_779 = arith.constant 0 : i32
        %add3A_780 = arith.addi %mul3A_778, %add3A_779 : i32
        %get3A_781 = arith.index_cast %add3A_780 : i32 to index
        %get3A_782 = arith.constant 48 : index
        %get3A_783 = tpu.vector_load %arg7[%get3A_781, %get3A_782] {strides = array<i32>} : memref<200x128xi32, #tpu.memory_space<vmem>>, vector<1x16xi32>,
        %get3A_784 = vector.shape_cast %get3A_783 : vector<1x16xi32> to vector<16xi32>
        %eq3A_785 = arith.constant -1 : i32
        %eq3A_786 = vector.broadcast %eq3A_785 : i32 to vector<16xi32>
        %eq3A_787 = arith.cmpi eq, %get3A_784, %eq3A_786 : vector<16xi32>
        %jit3A_788 = arith.constant 48 : i32
        %broadcast_in_dim3A_789 = vector.broadcast %jit3A_788 : i32 to vector<16xi32>
        %select_n3A_790 = arith.select %eq3A_787, %broadcast_in_dim3A_789, %get3A_784 : vector<16xi1>, vector<16xi32>
        %mul3A_791 = arith.constant 2 : i32
        %mul3A_792 = arith.muli %mul3A_791, %add3A_689 : i32
        %add3A_793 = arith.constant 0 : i32
        %add3A_794 = arith.addi %mul3A_792, %add3A_793 : i32
        %swap3A_795 = arith.index_cast %add3A_794 : i32 to index
        %swap3A_796 = arith.constant 48 : index
        %swap3A_797 = tpu.vector_load %arg7[%swap3A_795, %swap3A_796] {strides = array<i32>} : memref<200x128xi32, #tpu.memory_space<vmem>>, vector<1x16xi32>,
        %swap3A_798 = vector.shape_cast %swap3A_797 : vector<1x16xi32> to vector<16xi32>
        %swap3A_799 = vector.shape_cast %select_n3A_790 : vector<16xi32> to vector<1x16xi32>
        tpu.vector_store %arg7[%swap3A_795, %swap3A_796], %swap3A_799 {strides = array<i32>} : memref<200x128xi32, #tpu.memory_space<vmem>>, vector<1x16xi32>,
        %mul3A_800 = arith.constant 2 : i32
        %mul3A_801 = arith.muli %mul3A_800, %add3A_689 : i32
        %add3A_802 = arith.constant 0 : i32
        %add3A_803 = arith.addi %mul3A_801, %add3A_802 : i32
        %get3A_804 = arith.index_cast %add3A_803 : i32 to index
        %get3A_805 = arith.constant 64 : index
        %get3A_806 = tpu.vector_load %arg7[%get3A_804, %get3A_805] {strides = array<i32>} : memref<200x128xi32, #tpu.memory_space<vmem>>, vector<1x16xi32>,
        %get3A_807 = vector.shape_cast %get3A_806 : vector<1x16xi32> to vector<16xi32>
        %eq3A_808 = arith.constant -1 : i32
        %eq3A_809 = vector.broadcast %eq3A_808 : i32 to vector<16xi32>
        %eq3A_810 = arith.cmpi eq, %get3A_807, %eq3A_809 : vector<16xi32>
        %jit3A_811 = arith.constant 48 : i32
        %broadcast_in_dim3A_812 = vector.broadcast %jit3A_811 : i32 to vector<16xi32>
        %select_n3A_813 = arith.select %eq3A_810, %broadcast_in_dim3A_812, %get3A_807 : vector<16xi1>, vector<16xi32>
        %mul3A_814 = arith.constant 2 : i32
        %mul3A_815 = arith.muli %mul3A_814, %add3A_689 : i32
        %add3A_816 = arith.constant 0 : i32
        %add3A_817 = arith.addi %mul3A_815, %add3A_816 : i32
        %swap3A_818 = arith.index_cast %add3A_817 : i32 to index
        %swap3A_819 = arith.constant 64 : index
        %swap3A_820 = tpu.vector_load %arg7[%swap3A_818, %swap3A_819] {strides = array<i32>} : memref<200x128xi32, #tpu.memory_space<vmem>>, vector<1x16xi32>,
        %swap3A_821 = vector.shape_cast %swap3A_820 : vector<1x16xi32> to vector<16xi32>
        %swap3A_822 = vector.shape_cast %select_n3A_813 : vector<16xi32> to vector<1x16xi32>
        tpu.vector_store %arg7[%swap3A_818, %swap3A_819], %swap3A_822 {strides = array<i32>} : memref<200x128xi32, #tpu.memory_space<vmem>>, vector<1x16xi32>,
        %mul3A_823 = arith.constant 2 : i32
        %mul3A_824 = arith.muli %mul3A_823, %add3A_689 : i32
        %add3A_825 = arith.constant 0 : i32
        %add3A_826 = arith.addi %mul3A_824, %add3A_825 : i32
        %get3A_827 = arith.index_cast %add3A_826 : i32 to index
        %get3A_828 = arith.constant 80 : index
        %get3A_829 = tpu.vector_load %arg7[%get3A_827, %get3A_828] {strides = array<i32>} : memref<200x128xi32, #tpu.memory_space<vmem>>, vector<1x16xi32>,
        %get3A_830 = vector.shape_cast %get3A_829 : vector<1x16xi32> to vector<16xi32>
        %eq3A_831 = arith.constant -1 : i32
        %eq3A_832 = vector.broadcast %eq3A_831 : i32 to vector<16xi32>
        %eq3A_833 = arith.cmpi eq, %get3A_830, %eq3A_832 : vector<16xi32>
        %jit3A_834 = arith.constant 48 : i32
        %broadcast_in_dim3A_835 = vector.broadcast %jit3A_834 : i32 to vector<16xi32>
        %select_n3A_836 = arith.select %eq3A_833, %broadcast_in_dim3A_835, %get3A_830 : vector<16xi1>, vector<16xi32>
        %mul3A_837 = arith.constant 2 : i32
        %mul3A_838 = arith.muli %mul3A_837, %add3A_689 : i32
        %add3A_839 = arith.constant 0 : i32
        %add3A_840 = arith.addi %mul3A_838, %add3A_839 : i32
        %swap3A_841 = arith.index_cast %add3A_840 : i32 to index
        %swap3A_842 = arith.constant 80 : index
        %swap3A_843 = tpu.vector_load %arg7[%swap3A_841, %swap3A_842] {strides = array<i32>} : memref<200x128xi32, #tpu.memory_space<vmem>>, vector<1x16xi32>,
        %swap3A_844 = vector.shape_cast %swap3A_843 : vector<1x16xi32> to vector<16xi32>
        %swap3A_845 = vector.shape_cast %select_n3A_836 : vector<16xi32> to vector<1x16xi32>
        tpu.vector_store %arg7[%swap3A_841, %swap3A_842], %swap3A_845 {strides = array<i32>} : memref<200x128xi32, #tpu.memory_space<vmem>>, vector<1x16xi32>,
        %mul3A_846 = arith.constant 2 : i32
        %mul3A_847 = arith.muli %mul3A_846, %add3A_689 : i32
        %add3A_848 = arith.constant 0 : i32
        %add3A_849 = arith.addi %mul3A_847, %add3A_848 : i32
        %get3A_850 = arith.index_cast %add3A_849 : i32 to index
        %get3A_851 = arith.constant 96 : index
        %get3A_852 = tpu.vector_load %arg7[%get3A_850, %get3A_851] {strides = array<i32>} : memref<200x128xi32, #tpu.memory_space<vmem>>, vector<1x16xi32>,
        %get3A_853 = vector.shape_cast %get3A_852 : vector<1x16xi32> to vector<16xi32>
        %eq3A_854 = arith.constant -1 : i32
        %eq3A_855 = vector.broadcast %eq3A_854 : i32 to vector<16xi32>
        %eq3A_856 = arith.cmpi eq, %get3A_853, %eq3A_855 : vector<16xi32>
        %jit3A_857 = arith.constant 48 : i32
        %broadcast_in_dim3A_858 = vector.broadcast %jit3A_857 : i32 to vector<16xi32>
        %select_n3A_859 = arith.select %eq3A_856, %broadcast_in_dim3A_858, %get3A_853 : vector<16xi1>, vector<16xi32>
        %mul3A_860 = arith.constant 2 : i32
        %mul3A_861 = arith.muli %mul3A_860, %add3A_689 : i32
        %add3A_862 = arith.constant 0 : i32
        %add3A_863 = arith.addi %mul3A_861, %add3A_862 : i32
        %swap3A_864 = arith.index_cast %add3A_863 : i32 to index
        %swap3A_865 = arith.constant 96 : index
        %swap3A_866 = tpu.vector_load %arg7[%swap3A_864, %swap3A_865] {strides = array<i32>} : memref<200x128xi32, #tpu.memory_space<vmem>>, vector<1x16xi32>,
        %swap3A_867 = vector.shape_cast %swap3A_866 : vector<1x16xi32> to vector<16xi32>
        %swap3A_868 = vector.shape_cast %select_n3A_859 : vector<16xi32> to vector<1x16xi32>
        tpu.vector_store %arg7[%swap3A_864, %swap3A_865], %swap3A_868 {strides = array<i32>} : memref<200x128xi32, #tpu.memory_space<vmem>>, vector<1x16xi32>,
        %mul3A_869 = arith.constant 2 : i32
        %mul3A_870 = arith.muli %mul3A_869, %add3A_689 : i32
        %add3A_871 = arith.constant 0 : i32
        %add3A_872 = arith.addi %mul3A_870, %add3A_871 : i32
        %get3A_873 = arith.index_cast %add3A_872 : i32 to index
        %get3A_874 = arith.constant 112 : index
        %get3A_875 = tpu.vector_load %arg7[%get3A_873, %get3A_874] {strides = array<i32>} : memref<200x128xi32, #tpu.memory_space<vmem>>, vector<1x16xi32>,
        %get3A_876 = vector.shape_cast %get3A_875 : vector<1x16xi32> to vector<16xi32>
        %eq3A_877 = arith.constant -1 : i32
        %eq3A_878 = vector.broadcast %eq3A_877 : i32 to vector<16xi32>
        %eq3A_879 = arith.cmpi eq, %get3A_876, %eq3A_878 : vector<16xi32>
        %jit3A_880 = arith.constant 48 : i32
        %broadcast_in_dim3A_881 = vector.broadcast %jit3A_880 : i32 to vector<16xi32>
        %select_n3A_882 = arith.select %eq3A_879, %broadcast_in_dim3A_881, %get3A_876 : vector<16xi1>, vector<16xi32>
        %mul3A_883 = arith.constant 2 : i32
        %mul3A_884 = arith.muli %mul3A_883, %add3A_689 : i32
        %add3A_885 = arith.constant 0 : i32
        %add3A_886 = arith.addi %mul3A_884, %add3A_885 : i32
        %swap3A_887 = arith.index_cast %add3A_886 : i32 to index
        %swap3A_888 = arith.constant 112 : index
        %swap3A_889 = tpu.vector_load %arg7[%swap3A_887, %swap3A_888] {strides = array<i32>} : memref<200x128xi32, #tpu.memory_space<vmem>>, vector<1x16xi32>,
        %swap3A_890 = vector.shape_cast %swap3A_889 : vector<1x16xi32> to vector<16xi32>
        %swap3A_891 = vector.shape_cast %select_n3A_882 : vector<16xi32> to vector<1x16xi32>
        tpu.vector_store %arg7[%swap3A_887, %swap3A_888], %swap3A_891 {strides = array<i32>} : memref<200x128xi32, #tpu.memory_space<vmem>>, vector<1x16xi32>,
        %mul3A_892 = arith.constant 2 : i32
        %mul3A_893 = arith.muli %mul3A_892, %add3A_689 : i32
        %add3A_894 = arith.constant 0 : i32
        %add3A_895 = arith.addi %mul3A_893, %add3A_894 : i32
        %dma_start3A_896 = arith.constant 2 : i32
        %dma_start3A_897 = arith.constant 2 : i32
        %dma_start3A_898 = arith.constant 0 : i32
        %dma_start3A_899 = arith.constant 0 : i32
        %dma_start3A_900 = tpu.memref_slice %arg8[%dma_start3A_896, %dma_start3A_898, %dma_start3A_899] : memref<3x256x128xf32, #tpu.memory_space<vmem>> -> memref<1x128x128xf32, #tpu.memory_space<vmem>>
        %dma_start3A_901 = tpu.memref_squeeze %dma_start3A_900 : memref<1x128x128xf32, #tpu.memory_space<vmem>> -> memref<128x128xf32, #tpu.memory_space<vmem>>
        %dma_start3A_902 = arith.constant 0 : i32
        %dma_start3A_903 = tpu.memref_slice %arg7[%add3A_895, %dma_start3A_902] : memref<200x128xi32, #tpu.memory_space<vmem>> -> memref<1x128xi32, #tpu.memory_space<vmem>>
        %dma_start3A_904 = tpu.memref_squeeze %dma_start3A_903 : memref<1x128xi32, #tpu.memory_space<vmem>> -> memref<128xi32, #tpu.memory_space<vmem>>
        %dma_start3A_905 = arith.constant 0 : i32
        %dma_start3A_906 = arith.constant 0 : i32
        %dma_start3A_907 = tpu.memref_slice %arg6[%dma_start3A_905, %dma_start3A_906] : memref<49x128xf32, #tpu.memory_space<vmem_shared>> -> memref<49x128xf32, #tpu.memory_space<vmem_shared>>
        %dma_start3A_908 = tpu.memref_slice %arg10[%dma_start3A_897] : memref<3x!tpu.dma_semaphore, #tpu.memory_space<semaphore_mem>> -> memref<1x!tpu.dma_semaphore, #tpu.memory_space<semaphore_mem>>
        %dma_start3A_909 = tpu.memref_squeeze %dma_start3A_908 : memref<1x!tpu.dma_semaphore, #tpu.memory_space<semaphore_mem>> -> memref<!tpu.dma_semaphore, #tpu.memory_space<semaphore_mem>>
        tpu.enqueue_indirect_dma source(%dma_start3A_907 : memref<49x128xf32, #tpu.memory_space<vmem_shared>>) target(%dma_start3A_901 : memref<128x128xf32, #tpu.memory_space<vmem>>) offsets(%dma_start3A_904 : memref<128xi32, #tpu.memory_space<vmem>>) semaphore(%dma_start3A_909 : memref<!tpu.dma_semaphore, #tpu.memory_space<semaphore_mem>>) {add = true}
        %mul3A_910 = arith.constant 2 : i32
        %mul3A_911 = arith.muli %mul3A_910, %add3A_689 : i32
        %add3A_912 = arith.constant 1 : i32
        %add3A_913 = arith.addi %mul3A_911, %add3A_912 : i32
        %get3A_914 = arith.index_cast %add3A_913 : i32 to index
        %get3A_915 = arith.constant 0 : index
        %get3A_916 = tpu.vector_load %arg7[%get3A_914, %get3A_915] {strides = array<i32>} : memref<200x128xi32, #tpu.memory_space<vmem>>, vector<1x16xi32>,
        %get3A_917 = vector.shape_cast %get3A_916 : vector<1x16xi32> to vector<16xi32>
        %eq3A_918 = arith.constant -1 : i32
        %eq3A_919 = vector.broadcast %eq3A_918 : i32 to vector<16xi32>
        %eq3A_920 = arith.cmpi eq, %get3A_917, %eq3A_919 : vector<16xi32>
        %jit3A_921 = arith.constant 48 : i32
        %broadcast_in_dim3A_922 = vector.broadcast %jit3A_921 : i32 to vector<16xi32>
        %select_n3A_923 = arith.select %eq3A_920, %broadcast_in_dim3A_922, %get3A_917 : vector<16xi1>, vector<16xi32>
        %mul3A_924 = arith.constant 2 : i32
        %mul3A_925 = arith.muli %mul3A_924, %add3A_689 : i32
        %add3A_926 = arith.constant 1 : i32
        %add3A_927 = arith.addi %mul3A_925, %add3A_926 : i32
        %swap3A_928 = arith.index_cast %add3A_927 : i32 to index
        %swap3A_929 = arith.constant 0 : index
        %swap3A_930 = tpu.vector_load %arg7[%swap3A_928, %swap3A_929] {strides = array<i32>} : memref<200x128xi32, #tpu.memory_space<vmem>>, vector<1x16xi32>,
        %swap3A_931 = vector.shape_cast %swap3A_930 : vector<1x16xi32> to vector<16xi32>
        %swap3A_932 = vector.shape_cast %select_n3A_923 : vector<16xi32> to vector<1x16xi32>
        tpu.vector_store %arg7[%swap3A_928, %swap3A_929], %swap3A_932 {strides = array<i32>} : memref<200x128xi32, #tpu.memory_space<vmem>>, vector<1x16xi32>,
        %mul3A_933 = arith.constant 2 : i32
        %mul3A_934 = arith.muli %mul3A_933, %add3A_689 : i32
        %add3A_935 = arith.constant 1 : i32
        %add3A_936 = arith.addi %mul3A_934, %add3A_935 : i32
        %get3A_937 = arith.index_cast %add3A_936 : i32 to index
        %get3A_938 = arith.constant 16 : index
        %get3A_939 = tpu.vector_load %arg7[%get3A_937, %get3A_938] {strides = array<i32>} : memref<200x128xi32, #tpu.memory_space<vmem>>, vector<1x16xi32>,
        %get3A_940 = vector.shape_cast %get3A_939 : vector<1x16xi32> to vector<16xi32>
        %eq3A_941 = arith.constant -1 : i32
        %eq3A_942 = vector.broadcast %eq3A_941 : i32 to vector<16xi32>
        %eq3A_943 = arith.cmpi eq, %get3A_940, %eq3A_942 : vector<16xi32>
        %jit3A_944 = arith.constant 48 : i32
        %broadcast_in_dim3A_945 = vector.broadcast %jit3A_944 : i32 to vector<16xi32>
        %select_n3A_946 = arith.select %eq3A_943, %broadcast_in_dim3A_945, %get3A_940 : vector<16xi1>, vector<16xi32>
        %mul3A_947 = arith.constant 2 : i32
        %mul3A_948 = arith.muli %mul3A_947, %add3A_689 : i32
        %add3A_949 = arith.constant 1 : i32
        %add3A_950 = arith.addi %mul3A_948, %add3A_949 : i32
        %swap3A_951 = arith.index_cast %add3A_950 : i32 to index
        %swap3A_952 = arith.constant 16 : index
        %swap3A_953 = tpu.vector_load %arg7[%swap3A_951, %swap3A_952] {strides = array<i32>} : memref<200x128xi32, #tpu.memory_space<vmem>>, vector<1x16xi32>,
        %swap3A_954 = vector.shape_cast %swap3A_953 : vector<1x16xi32> to vector<16xi32>
        %swap3A_955 = vector.shape_cast %select_n3A_946 : vector<16xi32> to vector<1x16xi32>
        tpu.vector_store %arg7[%swap3A_951, %swap3A_952], %swap3A_955 {strides = array<i32>} : memref<200x128xi32, #tpu.memory_space<vmem>>, vector<1x16xi32>,
        %mul3A_956 = arith.constant 2 : i32
        %mul3A_957 = arith.muli %mul3A_956, %add3A_689 : i32
        %add3A_958 = arith.constant 1 : i32
        %add3A_959 = arith.addi %mul3A_957, %add3A_958 : i32
        %get3A_960 = arith.index_cast %add3A_959 : i32 to index
        %get3A_961 = arith.constant 32 : index
        %get3A_962 = tpu.vector_load %arg7[%get3A_960, %get3A_961] {strides = array<i32>} : memref<200x128xi32, #tpu.memory_space<vmem>>, vector<1x16xi32>,
        %get3A_963 = vector.shape_cast %get3A_962 : vector<1x16xi32> to vector<16xi32>
        %eq3A_964 = arith.constant -1 : i32
        %eq3A_965 = vector.broadcast %eq3A_964 : i32 to vector<16xi32>
        %eq3A_966 = arith.cmpi eq, %get3A_963, %eq3A_965 : vector<16xi32>
        %jit3A_967 = arith.constant 48 : i32
        %broadcast_in_dim3A_968 = vector.broadcast %jit3A_967 : i32 to vector<16xi32>
        %select_n3A_969 = arith.select %eq3A_966, %broadcast_in_dim3A_968, %get3A_963 : vector<16xi1>, vector<16xi32>
        %mul3A_970 = arith.constant 2 : i32
        %mul3A_971 = arith.muli %mul3A_970, %add3A_689 : i32
        %add3A_972 = arith.constant 1 : i32
        %add3A_973 = arith.addi %mul3A_971, %add3A_972 : i32
        %swap3A_974 = arith.index_cast %add3A_973 : i32 to index
        %swap3A_975 = arith.constant 32 : index
        %swap3A_976 = tpu.vector_load %arg7[%swap3A_974, %swap3A_975] {strides = array<i32>} : memref<200x128xi32, #tpu.memory_space<vmem>>, vector<1x16xi32>,
        %swap3A_977 = vector.shape_cast %swap3A_976 : vector<1x16xi32> to vector<16xi32>
        %swap3A_978 = vector.shape_cast %select_n3A_969 : vector<16xi32> to vector<1x16xi32>
        tpu.vector_store %arg7[%swap3A_974, %swap3A_975], %swap3A_978 {strides = array<i32>} : memref<200x128xi32, #tpu.memory_space<vmem>>, vector<1x16xi32>,
        %mul3A_979 = arith.constant 2 : i32
        %mul3A_980 = arith.muli %mul3A_979, %add3A_689 : i32
        %add3A_981 = arith.constant 1 : i32
        %add3A_982 = arith.addi %mul3A_980, %add3A_981 : i32
        %get3A_983 = arith.index_cast %add3A_982 : i32 to index
        %get3A_984 = arith.constant 48 : index
        %get3A_985 = tpu.vector_load %arg7[%get3A_983, %get3A_984] {strides = array<i32>} : memref<200x128xi32, #tpu.memory_space<vmem>>, vector<1x16xi32>,
        %get3A_986 = vector.shape_cast %get3A_985 : vector<1x16xi32> to vector<16xi32>
        %eq3A_987 = arith.constant -1 : i32
        %eq3A_988 = vector.broadcast %eq3A_987 : i32 to vector<16xi32>
        %eq3A_989 = arith.cmpi eq, %get3A_986, %eq3A_988 : vector<16xi32>
        %jit3A_990 = arith.constant 48 : i32
        %broadcast_in_dim3A_991 = vector.broadcast %jit3A_990 : i32 to vector<16xi32>
        %select_n3A_992 = arith.select %eq3A_989, %broadcast_in_dim3A_991, %get3A_986 : vector<16xi1>, vector<16xi32>
        %mul3A_993 = arith.constant 2 : i32
        %mul3A_994 = arith.muli %mul3A_993, %add3A_689 : i32
        %add3A_995 = arith.constant 1 : i32
        %add3A_996 = arith.addi %mul3A_994, %add3A_995 : i32
        %swap3A_997 = arith.index_cast %add3A_996 : i32 to index
        %swap3A_998 = arith.constant 48 : index
        %swap3A_999 = tpu.vector_load %arg7[%swap3A_997, %swap3A_998] {strides = array<i32>} : memref<200x128xi32, #tpu.memory_space<vmem>>, vector<1x16xi32>,
        %swap3A_1000 = vector.shape_cast %swap3A_999 : vector<1x16xi32> to vector<16xi32>
        %swap3A_1001 = vector.shape_cast %select_n3A_992 : vector<16xi32> to vector<1x16xi32>
        tpu.vector_store %arg7[%swap3A_997, %swap3A_998], %swap3A_1001 {strides = array<i32>} : memref<200x128xi32, #tpu.memory_space<vmem>>, vector<1x16xi32>,
        %mul3A_1002 = arith.constant 2 : i32
        %mul3A_1003 = arith.muli %mul3A_1002, %add3A_689 : i32
        %add3A_1004 = arith.constant 1 : i32
        %add3A_1005 = arith.addi %mul3A_1003, %add3A_1004 : i32
        %get3A_1006 = arith.index_cast %add3A_1005 : i32 to index
        %get3A_1007 = arith.constant 64 : index
        %get3A_1008 = tpu.vector_load %arg7[%get3A_1006, %get3A_1007] {strides = array<i32>} : memref<200x128xi32, #tpu.memory_space<vmem>>, vector<1x16xi32>,
        %get3A_1009 = vector.shape_cast %get3A_1008 : vector<1x16xi32> to vector<16xi32>
        %eq3A_1010 = arith.constant -1 : i32
        %eq3A_1011 = vector.broadcast %eq3A_1010 : i32 to vector<16xi32>
        %eq3A_1012 = arith.cmpi eq, %get3A_1009, %eq3A_1011 : vector<16xi32>
        %jit3A_1013 = arith.constant 48 : i32
        %broadcast_in_dim3A_1014 = vector.broadcast %jit3A_1013 : i32 to vector<16xi32>
        %select_n3A_1015 = arith.select %eq3A_1012, %broadcast_in_dim3A_1014, %get3A_1009 : vector<16xi1>, vector<16xi32>
        %mul3A_1016 = arith.constant 2 : i32
        %mul3A_1017 = arith.muli %mul3A_1016, %add3A_689 : i32
        %add3A_1018 = arith.constant 1 : i32
        %add3A_1019 = arith.addi %mul3A_1017, %add3A_1018 : i32
        %swap3A_1020 = arith.index_cast %add3A_1019 : i32 to index
        %swap3A_1021 = arith.constant 64 : index
        %swap3A_1022 = tpu.vector_load %arg7[%swap3A_1020, %swap3A_1021] {strides = array<i32>} : memref<200x128xi32, #tpu.memory_space<vmem>>, vector<1x16xi32>,
        %swap3A_1023 = vector.shape_cast %swap3A_1022 : vector<1x16xi32> to vector<16xi32>
        %swap3A_1024 = vector.shape_cast %select_n3A_1015 : vector<16xi32> to vector<1x16xi32>
        tpu.vector_store %arg7[%swap3A_1020, %swap3A_1021], %swap3A_1024 {strides = array<i32>} : memref<200x128xi32, #tpu.memory_space<vmem>>, vector<1x16xi32>,
        %mul3A_1025 = arith.constant 2 : i32
        %mul3A_1026 = arith.muli %mul3A_1025, %add3A_689 : i32
        %add3A_1027 = arith.constant 1 : i32
        %add3A_1028 = arith.addi %mul3A_1026, %add3A_1027 : i32
        %get3A_1029 = arith.index_cast %add3A_1028 : i32 to index
        %get3A_1030 = arith.constant 80 : index
        %get3A_1031 = tpu.vector_load %arg7[%get3A_1029, %get3A_1030] {strides = array<i32>} : memref<200x128xi32, #tpu.memory_space<vmem>>, vector<1x16xi32>,
        %get3A_1032 = vector.shape_cast %get3A_1031 : vector<1x16xi32> to vector<16xi32>
        %eq3A_1033 = arith.constant -1 : i32
        %eq3A_1034 = vector.broadcast %eq3A_1033 : i32 to vector<16xi32>
        %eq3A_1035 = arith.cmpi eq, %get3A_1032, %eq3A_1034 : vector<16xi32>
        %jit3A_1036 = arith.constant 48 : i32
        %broadcast_in_dim3A_1037 = vector.broadcast %jit3A_1036 : i32 to vector<16xi32>
        %select_n3A_1038 = arith.select %eq3A_1035, %broadcast_in_dim3A_1037, %get3A_1032 : vector<16xi1>, vector<16xi32>
        %mul3A_1039 = arith.constant 2 : i32
        %mul3A_1040 = arith.muli %mul3A_1039, %add3A_689 : i32
        %add3A_1041 = arith.constant 1 : i32
        %add3A_1042 = arith.addi %mul3A_1040, %add3A_1041 : i32
        %swap3A_1043 = arith.index_cast %add3A_1042 : i32 to index
        %swap3A_1044 = arith.constant 80 : index
        %swap3A_1045 = tpu.vector_load %arg7[%swap3A_1043, %swap3A_1044] {strides = array<i32>} : memref<200x128xi32, #tpu.memory_space<vmem>>, vector<1x16xi32>,
        %swap3A_1046 = vector.shape_cast %swap3A_1045 : vector<1x16xi32> to vector<16xi32>
        %swap3A_1047 = vector.shape_cast %select_n3A_1038 : vector<16xi32> to vector<1x16xi32>
        tpu.vector_store %arg7[%swap3A_1043, %swap3A_1044], %swap3A_1047 {strides = array<i32>} : memref<200x128xi32, #tpu.memory_space<vmem>>, vector<1x16xi32>,
        %mul3A_1048 = arith.constant 2 : i32
        %mul3A_1049 = arith.muli %mul3A_1048, %add3A_689 : i32
        %add3A_1050 = arith.constant 1 : i32
        %add3A_1051 = arith.addi %mul3A_1049, %add3A_1050 : i32
        %get3A_1052 = arith.index_cast %add3A_1051 : i32 to index
        %get3A_1053 = arith.constant 96 : index
        %get3A_1054 = tpu.vector_load %arg7[%get3A_1052, %get3A_1053] {strides = array<i32>} : memref<200x128xi32, #tpu.memory_space<vmem>>, vector<1x16xi32>,
        %get3A_1055 = vector.shape_cast %get3A_1054 : vector<1x16xi32> to vector<16xi32>
        %eq3A_1056 = arith.constant -1 : i32
        %eq3A_1057 = vector.broadcast %eq3A_1056 : i32 to vector<16xi32>
        %eq3A_1058 = arith.cmpi eq, %get3A_1055, %eq3A_1057 : vector<16xi32>
        %jit3A_1059 = arith.constant 48 : i32
        %broadcast_in_dim3A_1060 = vector.broadcast %jit3A_1059 : i32 to vector<16xi32>
        %select_n3A_1061 = arith.select %eq3A_1058, %broadcast_in_dim3A_1060, %get3A_1055 : vector<16xi1>, vector<16xi32>
        %mul3A_1062 = arith.constant 2 : i32
        %mul3A_1063 = arith.muli %mul3A_1062, %add3A_689 : i32
        %add3A_1064 = arith.constant 1 : i32
        %add3A_1065 = arith.addi %mul3A_1063, %add3A_1064 : i32
        %swap3A_1066 = arith.index_cast %add3A_1065 : i32 to index
        %swap3A_1067 = arith.constant 96 : index
        %swap3A_1068 = tpu.vector_load %arg7[%swap3A_1066, %swap3A_1067] {strides = array<i32>} : memref<200x128xi32, #tpu.memory_space<vmem>>, vector<1x16xi32>,
        %swap3A_1069 = vector.shape_cast %swap3A_1068 : vector<1x16xi32> to vector<16xi32>
        %swap3A_1070 = vector.shape_cast %select_n3A_1061 : vector<16xi32> to vector<1x16xi32>
        tpu.vector_store %arg7[%swap3A_1066, %swap3A_1067], %swap3A_1070 {strides = array<i32>} : memref<200x128xi32, #tpu.memory_space<vmem>>, vector<1x16xi32>,
        %mul3A_1071 = arith.constant 2 : i32
        %mul3A_1072 = arith.muli %mul3A_1071, %add3A_689 : i32
        %add3A_1073 = arith.constant 1 : i32
        %add3A_1074 = arith.addi %mul3A_1072, %add3A_1073 : i32
        %get3A_1075 = arith.index_cast %add3A_1074 : i32 to index
        %get3A_1076 = arith.constant 112 : index
        %get3A_1077 = tpu.vector_load %arg7[%get3A_1075, %get3A_1076] {strides = array<i32>} : memref<200x128xi32, #tpu.memory_space<vmem>>, vector<1x16xi32>,
        %get3A_1078 = vector.shape_cast %get3A_1077 : vector<1x16xi32> to vector<16xi32>
        %eq3A_1079 = arith.constant -1 : i32
        %eq3A_1080 = vector.broadcast %eq3A_1079 : i32 to vector<16xi32>
        %eq3A_1081 = arith.cmpi eq, %get3A_1078, %eq3A_1080 : vector<16xi32>
        %jit3A_1082 = arith.constant 48 : i32
        %broadcast_in_dim3A_1083 = vector.broadcast %jit3A_1082 : i32 to vector<16xi32>
        %select_n3A_1084 = arith.select %eq3A_1081, %broadcast_in_dim3A_1083, %get3A_1078 : vector<16xi1>, vector<16xi32>
        %mul3A_1085 = arith.constant 2 : i32
        %mul3A_1086 = arith.muli %mul3A_1085, %add3A_689 : i32
        %add3A_1087 = arith.constant 1 : i32
        %add3A_1088 = arith.addi %mul3A_1086, %add3A_1087 : i32
        %swap3A_1089 = arith.index_cast %add3A_1088 : i32 to index
        %swap3A_1090 = arith.constant 112 : index
        %swap3A_1091 = tpu.vector_load %arg7[%swap3A_1089, %swap3A_1090] {strides = array<i32>} : memref<200x128xi32, #tpu.memory_space<vmem>>, vector<1x16xi32>,
        %swap3A_1092 = vector.shape_cast %swap3A_1091 : vector<1x16xi32> to vector<16xi32>
        %swap3A_1093 = vector.shape_cast %select_n3A_1084 : vector<16xi32> to vector<1x16xi32>
        tpu.vector_store %arg7[%swap3A_1089, %swap3A_1090], %swap3A_1093 {strides = array<i32>} : memref<200x128xi32, #tpu.memory_space<vmem>>, vector<1x16xi32>,
        %mul3A_1094 = arith.constant 2 : i32
        %mul3A_1095 = arith.muli %mul3A_1094, %add3A_689 : i32
        %add3A_1096 = arith.constant 1 : i32
        %add3A_1097 = arith.addi %mul3A_1095, %add3A_1096 : i32
        %dma_start3A_1098 = arith.constant 2 : i32
        %dma_start3A_1099 = arith.constant 2 : i32
        %dma_start3A_1100 = arith.constant 128 : i32
        %dma_start3A_1101 = arith.constant 0 : i32
        %dma_start3A_1102 = tpu.memref_slice %arg8[%dma_start3A_1098, %dma_start3A_1100, %dma_start3A_1101] : memref<3x256x128xf32, #tpu.memory_space<vmem>> -> memref<1x128x128xf32, #tpu.memory_space<vmem>>
        %dma_start3A_1103 = tpu.memref_squeeze %dma_start3A_1102 : memref<1x128x128xf32, #tpu.memory_space<vmem>> -> memref<128x128xf32, #tpu.memory_space<vmem>>
        %dma_start3A_1104 = arith.constant 0 : i32
        %dma_start3A_1105 = tpu.memref_slice %arg7[%add3A_1097, %dma_start3A_1104] : memref<200x128xi32, #tpu.memory_space<vmem>> -> memref<1x128xi32, #tpu.memory_space<vmem>>
        %dma_start3A_1106 = tpu.memref_squeeze %dma_start3A_1105 : memref<1x128xi32, #tpu.memory_space<vmem>> -> memref<128xi32, #tpu.memory_space<vmem>>
        %dma_start3A_1107 = arith.constant 0 : i32
        %dma_start3A_1108 = arith.constant 0 : i32
        %dma_start3A_1109 = tpu.memref_slice %arg6[%dma_start3A_1107, %dma_start3A_1108] : memref<49x128xf32, #tpu.memory_space<vmem_shared>> -> memref<49x128xf32, #tpu.memory_space<vmem_shared>>
        %dma_start3A_1110 = tpu.memref_slice %arg10[%dma_start3A_1099] : memref<3x!tpu.dma_semaphore, #tpu.memory_space<semaphore_mem>> -> memref<1x!tpu.dma_semaphore, #tpu.memory_space<semaphore_mem>>
        %dma_start3A_1111 = tpu.memref_squeeze %dma_start3A_1110 : memref<1x!tpu.dma_semaphore, #tpu.memory_space<semaphore_mem>> -> memref<!tpu.dma_semaphore, #tpu.memory_space<semaphore_mem>>
        tpu.enqueue_indirect_dma source(%dma_start3A_1109 : memref<49x128xf32, #tpu.memory_space<vmem_shared>>) target(%dma_start3A_1103 : memref<128x128xf32, #tpu.memory_space<vmem>>) offsets(%dma_start3A_1106 : memref<128xi32, #tpu.memory_space<vmem>>) semaphore(%dma_start3A_1111 : memref<!tpu.dma_semaphore, #tpu.memory_space<semaphore_mem>>) {add = true}
      } else {
      }
      %add3A_608 = arith.constant 2 : i32
      %add3A_609 = arith.addi %add3A_545, %add3A_608 : i32
      %lt3A_610 = arith.constant 100 : i32
      %lt3A_611 = arith.cmpi slt, %add3A_609, %lt3A_610 : i32
      %convert_element_type3A_612 = arith.extui %lt3A_611 : i1 to i32
      %cond3A_613 = arith.constant 0 : i32
      %cond3A_614 = arith.cmpi ne, %convert_element_type3A_612, %cond3A_613 : i32
      scf.if %cond3A_614 {
        %ge3A = arith.constant 1 : i32
        %ge3A_688 = arith.cmpi sge, %add3A_545, %ge3A : i32
        %convert_element_type3A_689 = arith.extui %ge3A_688 : i1 to i32
        %cond3A_690 = arith.constant 0 : i32
        %cond3A_691 = arith.cmpi ne, %convert_element_type3A_689, %cond3A_690 : i32
        scf.if %cond3A_691 {
          %dma_wait3A_713 = arith.constant 0 : i32
          %dma_wait3A_714 = arith.constant 0 : i32
          %dma_wait3A_715 = arith.constant 0 : i32
          %dma_wait3A_716 = arith.constant 0 : i32
          %dma_wait3A_717 = tpu.memref_slice %arg8[%dma_wait3A_713, %dma_wait3A_715, %dma_wait3A_716] : memref<3x256x128xf32, #tpu.memory_space<vmem>> -> memref<1x256x128xf32, #tpu.memory_space<vmem>>
          %dma_wait3A_718 = tpu.memref_squeeze %dma_wait3A_717 : memref<1x256x128xf32, #tpu.memory_space<vmem>> -> memref<256x128xf32, #tpu.memory_space<vmem>>
          %dma_wait3A_719 = arith.constant 0 : i32
          %dma_wait3A_720 = arith.constant 0 : i32
          %dma_wait3A_721 = tpu.memref_slice %arg5[%dma_wait3A_719, %dma_wait3A_720] : memref<819200x128xf32, #tpu.memory_space<hbm>> -> memref<256x128xf32, #tpu.memory_space<hbm>>
          %dma_wait3A_722 = tpu.memref_slice %arg11[%dma_wait3A_714] : memref<3x!tpu.dma_semaphore, #tpu.memory_space<semaphore_mem>> -> memref<1x!tpu.dma_semaphore, #tpu.memory_space<semaphore_mem>>
          %dma_wait3A_723 = tpu.memref_squeeze %dma_wait3A_722 : memref<1x!tpu.dma_semaphore, #tpu.memory_space<semaphore_mem>> -> memref<!tpu.dma_semaphore, #tpu.memory_space<semaphore_mem>>
          %dma_wait3A_724 = arith.constant 0 : i32
          %dma_wait3A_725 = arith.constant 0 : i32
          %dma_wait3A_726 = tpu.memref_slice %arg5[%dma_wait3A_724, %dma_wait3A_725] : memref<819200x128xf32, #tpu.memory_space<hbm>> -> memref<256x128xf32, #tpu.memory_space<hbm>>
          %dma_wait3A_727 = arith.constant 0 : i32
          %dma_wait3A_728 = arith.constant 0 : i32
          %dma_wait3A_729 = tpu.memref_slice %arg8[%dma_wait3A_713, %dma_wait3A_727, %dma_wait3A_728] : memref<3x256x128xf32, #tpu.memory_space<vmem>> -> memref<1x256x128xf32, #tpu.memory_space<vmem>>
          %dma_wait3A_730 = tpu.memref_squeeze %dma_wait3A_729 : memref<1x256x128xf32, #tpu.memory_space<vmem>> -> memref<256x128xf32, #tpu.memory_space<vmem>>
          tpu.wait_dma2 semaphore(%dma_wait3A_723 : memref<!tpu.dma_semaphore, #tpu.memory_space<semaphore_mem>>) src(%dma_wait3A_730 : memref<256x128xf32, #tpu.memory_space<vmem>>) dst(%dma_wait3A_726 : memref<256x128xf32, #tpu.memory_space<hbm>>)
        } else {
        }
        %add3A_692 = arith.constant 2 : i32
        %add3A_693 = arith.addi %add3A_545, %add3A_692 : i32
        %add3A_694 = arith.addi %mul3A_2, %add3A_693 : i32
        %mul3A_695 = arith.constant 256 : i32
        %mul3A_696 = arith.muli %add3A_694, %mul3A_695 : i32
        %dma_start3A_697 = arith.constant 0 : i32
        %dma_start3A_698 = arith.constant 0 : i32
        %dma_start3A_699 = arith.constant 0 : i32
        %dma_start3A_700 = arith.constant 0 : i32
        %dma_start3A_701 = tpu.memref_slice %arg8[%dma_start3A_697, %dma_start3A_699, %dma_start3A_700] : memref<3x256x128xf32, #tpu.memory_space<vmem>> -> memref<1x256x128xf32, #tpu.memory_space<vmem>>
        %dma_start3A_702 = tpu.memref_squeeze %dma_start3A_701 : memref<1x256x128xf32, #tpu.memory_space<vmem>> -> memref<256x128xf32, #tpu.memory_space<vmem>>
        %dma_start3A_703 = arith.constant 0 : i32
        %dma_start3A_704 = tpu.memref_slice %arg2[%mul3A_696, %dma_start3A_703] : memref<819200x128xf32, #tpu.memory_space<hbm>> -> memref<256x128xf32, #tpu.memory_space<hbm>>
        %dma_start3A_705 = tpu.memref_slice %arg9[%dma_start3A_698] : memref<3x!tpu.dma_semaphore, #tpu.memory_space<semaphore_mem>> -> memref<1x!tpu.dma_semaphore, #tpu.memory_space<semaphore_mem>>
        %dma_start3A_706 = tpu.memref_squeeze %dma_start3A_705 : memref<1x!tpu.dma_semaphore, #tpu.memory_space<semaphore_mem>> -> memref<!tpu.dma_semaphore, #tpu.memory_space<semaphore_mem>>
        %dma_start3A_707 = arith.constant 0 : i32
        %dma_start3A_708 = arith.constant 0 : i32
        %dma_start3A_709 = tpu.memref_slice %arg8[%dma_start3A_697, %dma_start3A_707, %dma_start3A_708] : memref<3x256x128xf32, #tpu.memory_space<vmem>> -> memref<1x256x128xf32, #tpu.memory_space<vmem>>
        %dma_start3A_710 = tpu.memref_squeeze %dma_start3A_709 : memref<1x256x128xf32, #tpu.memory_space<vmem>> -> memref<256x128xf32, #tpu.memory_space<vmem>>
        %dma_start3A_711 = arith.constant 0 : i32
        %dma_start3A_712 = tpu.memref_slice %arg2[%mul3A_696, %dma_start3A_711] : memref<819200x128xf32, #tpu.memory_space<hbm>> -> memref<256x128xf32, #tpu.memory_space<hbm>>
        tpu.enqueue_dma source(%dma_start3A_712 : memref<256x128xf32, #tpu.memory_space<hbm>>) target(%dma_start3A_710 : memref<256x128xf32, #tpu.memory_space<vmem>>) target_semaphore(%dma_start3A_706 : memref<!tpu.dma_semaphore, #tpu.memory_space<semaphore_mem>>)
      } else {
      }
      %mul3A_615 = arith.constant 3 : i32
      %mul3A_616 = arith.muli %scan3A_469, %mul3A_615 : i32
      %add3A_617 = arith.constant 2 : i32
      %add3A_618 = arith.addi %mul3A_616, %add3A_617 : i32
      %mul3A_619 = arith.constant 2 : i32
      %mul3A_620 = arith.muli %mul3A_619, %add3A_618 : i32
      %add3A_621 = arith.constant 0 : i32
      %add3A_622 = arith.addi %mul3A_620, %add3A_621 : i32
      %dma_wait3A_623 = arith.constant 2 : i32
      %dma_wait3A_624 = arith.constant 2 : i32
      %dma_wait3A_625 = arith.constant 0 : i32
      %dma_wait3A_626 = arith.constant 0 : i32
      %dma_wait3A_627 = tpu.memref_slice %arg8[%dma_wait3A_623, %dma_wait3A_625, %dma_wait3A_626] : memref<3x256x128xf32, #tpu.memory_space<vmem>> -> memref<1x128x128xf32, #tpu.memory_space<vmem>>
      %dma_wait3A_628 = tpu.memref_squeeze %dma_wait3A_627 : memref<1x128x128xf32, #tpu.memory_space<vmem>> -> memref<128x128xf32, #tpu.memory_space<vmem>>
      %dma_wait3A_629 = arith.constant 0 : i32
      %dma_wait3A_630 = tpu.memref_slice %arg7[%add3A_622, %dma_wait3A_629] : memref<200x128xi32, #tpu.memory_space<vmem>> -> memref<1x128xi32, #tpu.memory_space<vmem>>
      %dma_wait3A_631 = tpu.memref_squeeze %dma_wait3A_630 : memref<1x128xi32, #tpu.memory_space<vmem>> -> memref<128xi32, #tpu.memory_space<vmem>>
      %dma_wait3A_632 = arith.constant 0 : i32
      %dma_wait3A_633 = arith.constant 0 : i32
      %dma_wait3A_634 = tpu.memref_slice %arg6[%dma_wait3A_632, %dma_wait3A_633] : memref<49x128xf32, #tpu.memory_space<vmem_shared>> -> memref<49x128xf32, #tpu.memory_space<vmem_shared>>
      %dma_wait3A_635 = tpu.memref_slice %arg10[%dma_wait3A_624] : memref<3x!tpu.dma_semaphore, #tpu.memory_space<semaphore_mem>> -> memref<1x!tpu.dma_semaphore, #tpu.memory_space<semaphore_mem>>
      %dma_wait3A_636 = tpu.memref_squeeze %dma_wait3A_635 : memref<1x!tpu.dma_semaphore, #tpu.memory_space<semaphore_mem>> -> memref<!tpu.dma_semaphore, #tpu.memory_space<semaphore_mem>>
      tpu.wait_indirect_dma semaphore(%dma_wait3A_636 : memref<!tpu.dma_semaphore, #tpu.memory_space<semaphore_mem>>) src(%dma_wait3A_634 : memref<49x128xf32, #tpu.memory_space<vmem_shared>>) dst(%dma_wait3A_628 : memref<128x128xf32, #tpu.memory_space<vmem>>)
      %mul3A_637 = arith.constant 2 : i32
      %mul3A_638 = arith.muli %mul3A_637, %add3A_618 : i32
      %add3A_639 = arith.constant 1 : i32
      %add3A_640 = arith.addi %mul3A_638, %add3A_639 : i32
      %dma_wait3A_641 = arith.constant 2 : i32
      %dma_wait3A_642 = arith.constant 2 : i32
      %dma_wait3A_643 = arith.constant 128 : i32
      %dma_wait3A_644 = arith.constant 0 : i32
      %dma_wait3A_645 = tpu.memref_slice %arg8[%dma_wait3A_641, %dma_wait3A_643, %dma_wait3A_644] : memref<3x256x128xf32, #tpu.memory_space<vmem>> -> memref<1x128x128xf32, #tpu.memory_space<vmem>>
      %dma_wait3A_646 = tpu.memref_squeeze %dma_wait3A_645 : memref<1x128x128xf32, #tpu.memory_space<vmem>> -> memref<128x128xf32, #tpu.memory_space<vmem>>
      %dma_wait3A_647 = arith.constant 0 : i32
      %dma_wait3A_648 = tpu.memref_slice %arg7[%add3A_640, %dma_wait3A_647] : memref<200x128xi32, #tpu.memory_space<vmem>> -> memref<1x128xi32, #tpu.memory_space<vmem>>
      %dma_wait3A_649 = tpu.memref_squeeze %dma_wait3A_648 : memref<1x128xi32, #tpu.memory_space<vmem>> -> memref<128xi32, #tpu.memory_space<vmem>>
      %dma_wait3A_650 = arith.constant 0 : i32
      %dma_wait3A_651 = arith.constant 0 : i32
      %dma_wait3A_652 = tpu.memref_slice %arg6[%dma_wait3A_650, %dma_wait3A_651] : memref<49x128xf32, #tpu.memory_space<vmem_shared>> -> memref<49x128xf32, #tpu.memory_space<vmem_shared>>
      %dma_wait3A_653 = tpu.memref_slice %arg10[%dma_wait3A_642] : memref<3x!tpu.dma_semaphore, #tpu.memory_space<semaphore_mem>> -> memref<1x!tpu.dma_semaphore, #tpu.memory_space<semaphore_mem>>
      %dma_wait3A_654 = tpu.memref_squeeze %dma_wait3A_653 : memref<1x!tpu.dma_semaphore, #tpu.memory_space<semaphore_mem>> -> memref<!tpu.dma_semaphore, #tpu.memory_space<semaphore_mem>>
      tpu.wait_indirect_dma semaphore(%dma_wait3A_654 : memref<!tpu.dma_semaphore, #tpu.memory_space<semaphore_mem>>) src(%dma_wait3A_652 : memref<49x128xf32, #tpu.memory_space<vmem_shared>>) dst(%dma_wait3A_646 : memref<128x128xf32, #tpu.memory_space<vmem>>)
      %add3A_655 = arith.addi %mul3A_2, %add3A_618 : i32
      %mul3A_656 = arith.constant 256 : i32
      %mul3A_657 = arith.muli %add3A_655, %mul3A_656 : i32
      %dma_start3A_658 = arith.constant 2 : i32
      %dma_start3A_659 = arith.constant 2 : i32
      %dma_start3A_660 = arith.constant 0 : i32
      %dma_start3A_661 = arith.constant 0 : i32
      %dma_start3A_662 = tpu.memref_slice %arg8[%dma_start3A_658, %dma_start3A_660, %dma_start3A_661] : memref<3x256x128xf32, #tpu.memory_space<vmem>> -> memref<1x256x128xf32, #tpu.memory_space<vmem>>
      %dma_start3A_663 = tpu.memref_squeeze %dma_start3A_662 : memref<1x256x128xf32, #tpu.memory_space<vmem>> -> memref<256x128xf32, #tpu.memory_space<vmem>>
      %dma_start3A_664 = arith.constant 0 : i32
      %dma_start3A_665 = tpu.memref_slice %arg5[%mul3A_657, %dma_start3A_664] : memref<819200x128xf32, #tpu.memory_space<hbm>> -> memref<256x128xf32, #tpu.memory_space<hbm>>
      %dma_start3A_666 = tpu.memref_slice %arg11[%dma_start3A_659] : memref<3x!tpu.dma_semaphore, #tpu.memory_space<semaphore_mem>> -> memref<1x!tpu.dma_semaphore, #tpu.memory_space<semaphore_mem>>
      %dma_start3A_667 = tpu.memref_squeeze %dma_start3A_666 : memref<1x!tpu.dma_semaphore, #tpu.memory_space<semaphore_mem>> -> memref<!tpu.dma_semaphore, #tpu.memory_space<semaphore_mem>>
      %dma_start3A_668 = arith.constant 0 : i32
      %dma_start3A_669 = tpu.memref_slice %arg5[%mul3A_657, %dma_start3A_668] : memref<819200x128xf32, #tpu.memory_space<hbm>> -> memref<256x128xf32, #tpu.memory_space<hbm>>
      %dma_start3A_670 = arith.constant 0 : i32
      %dma_start3A_671 = arith.constant 0 : i32
      %dma_start3A_672 = tpu.memref_slice %arg8[%dma_start3A_658, %dma_start3A_670, %dma_start3A_671] : memref<3x256x128xf32, #tpu.memory_space<vmem>> -> memref<1x256x128xf32, #tpu.memory_space<vmem>>
      %dma_start3A_673 = tpu.memref_squeeze %dma_start3A_672 : memref<1x256x128xf32, #tpu.memory_space<vmem>> -> memref<256x128xf32, #tpu.memory_space<vmem>>
      tpu.enqueue_dma source(%dma_start3A_673 : memref<256x128xf32, #tpu.memory_space<vmem>>) target(%dma_start3A_669 : memref<256x128xf32, #tpu.memory_space<hbm>>) target_semaphore(%dma_start3A_667 : memref<!tpu.dma_semaphore, #tpu.memory_space<semaphore_mem>>)
      %add3A_674 = arith.constant 1 : i32
      %add3A_675 = arith.addi %add3A_618, %add3A_674 : i32
      %lt3A_676 = arith.constant 100 : i32
      %lt3A_677 = arith.cmpi slt, %add3A_675, %lt3A_676 : i32
      %convert_element_type3A_678 = arith.extui %lt3A_677 : i1 to i32
      %cond3A_679 = arith.constant 0 : i32
      %cond3A_680 = arith.cmpi ne, %convert_element_type3A_678, %cond3A_679 : i32
      scf.if %cond3A_680 {
        %add3A_688 = arith.constant 1 : i32
        %add3A_689 = arith.addi %add3A_618, %add3A_688 : i32
        %dma_wait3A_690 = arith.constant 0 : i32
        %dma_wait3A_691 = arith.constant 0 : i32
        %dma_wait3A_692 = arith.constant 0 : i32
        %dma_wait3A_693 = arith.constant 0 : i32
        %dma_wait3A_694 = tpu.memref_slice %arg8[%dma_wait3A_690, %dma_wait3A_692, %dma_wait3A_693] : memref<3x256x128xf32, #tpu.memory_space<vmem>> -> memref<1x256x128xf32, #tpu.memory_space<vmem>>
        %dma_wait3A_695 = tpu.memref_squeeze %dma_wait3A_694 : memref<1x256x128xf32, #tpu.memory_space<vmem>> -> memref<256x128xf32, #tpu.memory_space<vmem>>
        %dma_wait3A_696 = arith.constant 0 : i32
        %dma_wait3A_697 = arith.constant 0 : i32
        %dma_wait3A_698 = tpu.memref_slice %arg2[%dma_wait3A_696, %dma_wait3A_697] : memref<819200x128xf32, #tpu.memory_space<hbm>> -> memref<256x128xf32, #tpu.memory_space<hbm>>
        %dma_wait3A_699 = tpu.memref_slice %arg9[%dma_wait3A_691] : memref<3x!tpu.dma_semaphore, #tpu.memory_space<semaphore_mem>> -> memref<1x!tpu.dma_semaphore, #tpu.memory_space<semaphore_mem>>
        %dma_wait3A_700 = tpu.memref_squeeze %dma_wait3A_699 : memref<1x!tpu.dma_semaphore, #tpu.memory_space<semaphore_mem>> -> memref<!tpu.dma_semaphore, #tpu.memory_space<semaphore_mem>>
        %dma_wait3A_701 = arith.constant 0 : i32
        %dma_wait3A_702 = arith.constant 0 : i32
        %dma_wait3A_703 = tpu.memref_slice %arg8[%dma_wait3A_690, %dma_wait3A_701, %dma_wait3A_702] : memref<3x256x128xf32, #tpu.memory_space<vmem>> -> memref<1x256x128xf32, #tpu.memory_space<vmem>>
        %dma_wait3A_704 = tpu.memref_squeeze %dma_wait3A_703 : memref<1x256x128xf32, #tpu.memory_space<vmem>> -> memref<256x128xf32, #tpu.memory_space<vmem>>
        %dma_wait3A_705 = arith.constant 0 : i32
        %dma_wait3A_706 = arith.constant 0 : i32
        %dma_wait3A_707 = tpu.memref_slice %arg2[%dma_wait3A_705, %dma_wait3A_706] : memref<819200x128xf32, #tpu.memory_space<hbm>> -> memref<256x128xf32, #tpu.memory_space<hbm>>
        tpu.wait_dma2 semaphore(%dma_wait3A_700 : memref<!tpu.dma_semaphore, #tpu.memory_space<semaphore_mem>>) src(%dma_wait3A_707 : memref<256x128xf32, #tpu.memory_space<hbm>>) dst(%dma_wait3A_704 : memref<256x128xf32, #tpu.memory_space<vmem>>)
        %mul3A_708 = arith.constant 2 : i32
        %mul3A_709 = arith.muli %mul3A_708, %add3A_689 : i32
        %add3A_710 = arith.constant 0 : i32
        %add3A_711 = arith.addi %mul3A_709, %add3A_710 : i32
        %get3A_712 = arith.index_cast %add3A_711 : i32 to index
        %get3A_713 = arith.constant 0 : index
        %get3A_714 = tpu.vector_load %arg7[%get3A_712, %get3A_713] {strides = array<i32>} : memref<200x128xi32, #tpu.memory_space<vmem>>, vector<1x16xi32>,
        %get3A_715 = vector.shape_cast %get3A_714 : vector<1x16xi32> to vector<16xi32>
        %eq3A_716 = arith.constant -1 : i32
        %eq3A_717 = vector.broadcast %eq3A_716 : i32 to vector<16xi32>
        %eq3A_718 = arith.cmpi eq, %get3A_715, %eq3A_717 : vector<16xi32>
        %jit3A_719 = arith.constant 48 : i32
        %broadcast_in_dim3A_720 = vector.broadcast %jit3A_719 : i32 to vector<16xi32>
        %select_n3A_721 = arith.select %eq3A_718, %broadcast_in_dim3A_720, %get3A_715 : vector<16xi1>, vector<16xi32>
        %mul3A_722 = arith.constant 2 : i32
        %mul3A_723 = arith.muli %mul3A_722, %add3A_689 : i32
        %add3A_724 = arith.constant 0 : i32
        %add3A_725 = arith.addi %mul3A_723, %add3A_724 : i32
        %swap3A_726 = arith.index_cast %add3A_725 : i32 to index
        %swap3A_727 = arith.constant 0 : index
        %swap3A_728 = tpu.vector_load %arg7[%swap3A_726, %swap3A_727] {strides = array<i32>} : memref<200x128xi32, #tpu.memory_space<vmem>>, vector<1x16xi32>,
        %swap3A_729 = vector.shape_cast %swap3A_728 : vector<1x16xi32> to vector<16xi32>
        %swap3A_730 = vector.shape_cast %select_n3A_721 : vector<16xi32> to vector<1x16xi32>
        tpu.vector_store %arg7[%swap3A_726, %swap3A_727], %swap3A_730 {strides = array<i32>} : memref<200x128xi32, #tpu.memory_space<vmem>>, vector<1x16xi32>,
        %mul3A_731 = arith.constant 2 : i32
        %mul3A_732 = arith.muli %mul3A_731, %add3A_689 : i32
        %add3A_733 = arith.constant 0 : i32
        %add3A_734 = arith.addi %mul3A_732, %add3A_733 : i32
        %get3A_735 = arith.index_cast %add3A_734 : i32 to index
        %get3A_736 = arith.constant 16 : index
        %get3A_737 = tpu.vector_load %arg7[%get3A_735, %get3A_736] {strides = array<i32>} : memref<200x128xi32, #tpu.memory_space<vmem>>, vector<1x16xi32>,
        %get3A_738 = vector.shape_cast %get3A_737 : vector<1x16xi32> to vector<16xi32>
        %eq3A_739 = arith.constant -1 : i32
        %eq3A_740 = vector.broadcast %eq3A_739 : i32 to vector<16xi32>
        %eq3A_741 = arith.cmpi eq, %get3A_738, %eq3A_740 : vector<16xi32>
        %jit3A_742 = arith.constant 48 : i32
        %broadcast_in_dim3A_743 = vector.broadcast %jit3A_742 : i32 to vector<16xi32>
        %select_n3A_744 = arith.select %eq3A_741, %broadcast_in_dim3A_743, %get3A_738 : vector<16xi1>, vector<16xi32>
        %mul3A_745 = arith.constant 2 : i32
        %mul3A_746 = arith.muli %mul3A_745, %add3A_689 : i32
        %add3A_747 = arith.constant 0 : i32
        %add3A_748 = arith.addi %mul3A_746, %add3A_747 : i32
        %swap3A_749 = arith.index_cast %add3A_748 : i32 to index
        %swap3A_750 = arith.constant 16 : index
        %swap3A_751 = tpu.vector_load %arg7[%swap3A_749, %swap3A_750] {strides = array<i32>} : memref<200x128xi32, #tpu.memory_space<vmem>>, vector<1x16xi32>,
        %swap3A_752 = vector.shape_cast %swap3A_751 : vector<1x16xi32> to vector<16xi32>
        %swap3A_753 = vector.shape_cast %select_n3A_744 : vector<16xi32> to vector<1x16xi32>
        tpu.vector_store %arg7[%swap3A_749, %swap3A_750], %swap3A_753 {strides = array<i32>} : memref<200x128xi32, #tpu.memory_space<vmem>>, vector<1x16xi32>,
        %mul3A_754 = arith.constant 2 : i32
        %mul3A_755 = arith.muli %mul3A_754, %add3A_689 : i32
        %add3A_756 = arith.constant 0 : i32
        %add3A_757 = arith.addi %mul3A_755, %add3A_756 : i32
        %get3A_758 = arith.index_cast %add3A_757 : i32 to index
        %get3A_759 = arith.constant 32 : index
        %get3A_760 = tpu.vector_load %arg7[%get3A_758, %get3A_759] {strides = array<i32>} : memref<200x128xi32, #tpu.memory_space<vmem>>, vector<1x16xi32>,
        %get3A_761 = vector.shape_cast %get3A_760 : vector<1x16xi32> to vector<16xi32>
        %eq3A_762 = arith.constant -1 : i32
        %eq3A_763 = vector.broadcast %eq3A_762 : i32 to vector<16xi32>
        %eq3A_764 = arith.cmpi eq, %get3A_761, %eq3A_763 : vector<16xi32>
        %jit3A_765 = arith.constant 48 : i32
        %broadcast_in_dim3A_766 = vector.broadcast %jit3A_765 : i32 to vector<16xi32>
        %select_n3A_767 = arith.select %eq3A_764, %broadcast_in_dim3A_766, %get3A_761 : vector<16xi1>, vector<16xi32>
        %mul3A_768 = arith.constant 2 : i32
        %mul3A_769 = arith.muli %mul3A_768, %add3A_689 : i32
        %add3A_770 = arith.constant 0 : i32
        %add3A_771 = arith.addi %mul3A_769, %add3A_770 : i32
        %swap3A_772 = arith.index_cast %add3A_771 : i32 to index
        %swap3A_773 = arith.constant 32 : index
        %swap3A_774 = tpu.vector_load %arg7[%swap3A_772, %swap3A_773] {strides = array<i32>} : memref<200x128xi32, #tpu.memory_space<vmem>>, vector<1x16xi32>,
        %swap3A_775 = vector.shape_cast %swap3A_774 : vector<1x16xi32> to vector<16xi32>
        %swap3A_776 = vector.shape_cast %select_n3A_767 : vector<16xi32> to vector<1x16xi32>
        tpu.vector_store %arg7[%swap3A_772, %swap3A_773], %swap3A_776 {strides = array<i32>} : memref<200x128xi32, #tpu.memory_space<vmem>>, vector<1x16xi32>,
        %mul3A_777 = arith.constant 2 : i32
        %mul3A_778 = arith.muli %mul3A_777, %add3A_689 : i32
        %add3A_779 = arith.constant 0 : i32
        %add3A_780 = arith.addi %mul3A_778, %add3A_779 : i32
        %get3A_781 = arith.index_cast %add3A_780 : i32 to index
        %get3A_782 = arith.constant 48 : index
        %get3A_783 = tpu.vector_load %arg7[%get3A_781, %get3A_782] {strides = array<i32>} : memref<200x128xi32, #tpu.memory_space<vmem>>, vector<1x16xi32>,
        %get3A_784 = vector.shape_cast %get3A_783 : vector<1x16xi32> to vector<16xi32>
        %eq3A_785 = arith.constant -1 : i32
        %eq3A_786 = vector.broadcast %eq3A_785 : i32 to vector<16xi32>
        %eq3A_787 = arith.cmpi eq, %get3A_784, %eq3A_786 : vector<16xi32>
        %jit3A_788 = arith.constant 48 : i32
        %broadcast_in_dim3A_789 = vector.broadcast %jit3A_788 : i32 to vector<16xi32>
        %select_n3A_790 = arith.select %eq3A_787, %broadcast_in_dim3A_789, %get3A_784 : vector<16xi1>, vector<16xi32>
        %mul3A_791 = arith.constant 2 : i32
        %mul3A_792 = arith.muli %mul3A_791, %add3A_689 : i32
        %add3A_793 = arith.constant 0 : i32
        %add3A_794 = arith.addi %mul3A_792, %add3A_793 : i32
        %swap3A_795 = arith.index_cast %add3A_794 : i32 to index
        %swap3A_796 = arith.constant 48 : index
        %swap3A_797 = tpu.vector_load %arg7[%swap3A_795, %swap3A_796] {strides = array<i32>} : memref<200x128xi32, #tpu.memory_space<vmem>>, vector<1x16xi32>,
        %swap3A_798 = vector.shape_cast %swap3A_797 : vector<1x16xi32> to vector<16xi32>
        %swap3A_799 = vector.shape_cast %select_n3A_790 : vector<16xi32> to vector<1x16xi32>
        tpu.vector_store %arg7[%swap3A_795, %swap3A_796], %swap3A_799 {strides = array<i32>} : memref<200x128xi32, #tpu.memory_space<vmem>>, vector<1x16xi32>,
        %mul3A_800 = arith.constant 2 : i32
        %mul3A_801 = arith.muli %mul3A_800, %add3A_689 : i32
        %add3A_802 = arith.constant 0 : i32
        %add3A_803 = arith.addi %mul3A_801, %add3A_802 : i32
        %get3A_804 = arith.index_cast %add3A_803 : i32 to index
        %get3A_805 = arith.constant 64 : index
        %get3A_806 = tpu.vector_load %arg7[%get3A_804, %get3A_805] {strides = array<i32>} : memref<200x128xi32, #tpu.memory_space<vmem>>, vector<1x16xi32>,
        %get3A_807 = vector.shape_cast %get3A_806 : vector<1x16xi32> to vector<16xi32>
        %eq3A_808 = arith.constant -1 : i32
        %eq3A_809 = vector.broadcast %eq3A_808 : i32 to vector<16xi32>
        %eq3A_810 = arith.cmpi eq, %get3A_807, %eq3A_809 : vector<16xi32>
        %jit3A_811 = arith.constant 48 : i32
        %broadcast_in_dim3A_812 = vector.broadcast %jit3A_811 : i32 to vector<16xi32>
        %select_n3A_813 = arith.select %eq3A_810, %broadcast_in_dim3A_812, %get3A_807 : vector<16xi1>, vector<16xi32>
        %mul3A_814 = arith.constant 2 : i32
        %mul3A_815 = arith.muli %mul3A_814, %add3A_689 : i32
        %add3A_816 = arith.constant 0 : i32
        %add3A_817 = arith.addi %mul3A_815, %add3A_816 : i32
        %swap3A_818 = arith.index_cast %add3A_817 : i32 to index
        %swap3A_819 = arith.constant 64 : index
        %swap3A_820 = tpu.vector_load %arg7[%swap3A_818, %swap3A_819] {strides = array<i32>} : memref<200x128xi32, #tpu.memory_space<vmem>>, vector<1x16xi32>,
        %swap3A_821 = vector.shape_cast %swap3A_820 : vector<1x16xi32> to vector<16xi32>
        %swap3A_822 = vector.shape_cast %select_n3A_813 : vector<16xi32> to vector<1x16xi32>
        tpu.vector_store %arg7[%swap3A_818, %swap3A_819], %swap3A_822 {strides = array<i32>} : memref<200x128xi32, #tpu.memory_space<vmem>>, vector<1x16xi32>,
        %mul3A_823 = arith.constant 2 : i32
        %mul3A_824 = arith.muli %mul3A_823, %add3A_689 : i32
        %add3A_825 = arith.constant 0 : i32
        %add3A_826 = arith.addi %mul3A_824, %add3A_825 : i32
        %get3A_827 = arith.index_cast %add3A_826 : i32 to index
        %get3A_828 = arith.constant 80 : index
        %get3A_829 = tpu.vector_load %arg7[%get3A_827, %get3A_828] {strides = array<i32>} : memref<200x128xi32, #tpu.memory_space<vmem>>, vector<1x16xi32>,
        %get3A_830 = vector.shape_cast %get3A_829 : vector<1x16xi32> to vector<16xi32>
        %eq3A_831 = arith.constant -1 : i32
        %eq3A_832 = vector.broadcast %eq3A_831 : i32 to vector<16xi32>
        %eq3A_833 = arith.cmpi eq, %get3A_830, %eq3A_832 : vector<16xi32>
        %jit3A_834 = arith.constant 48 : i32
        %broadcast_in_dim3A_835 = vector.broadcast %jit3A_834 : i32 to vector<16xi32>
        %select_n3A_836 = arith.select %eq3A_833, %broadcast_in_dim3A_835, %get3A_830 : vector<16xi1>, vector<16xi32>
        %mul3A_837 = arith.constant 2 : i32
        %mul3A_838 = arith.muli %mul3A_837, %add3A_689 : i32
        %add3A_839 = arith.constant 0 : i32
        %add3A_840 = arith.addi %mul3A_838, %add3A_839 : i32
        %swap3A_841 = arith.index_cast %add3A_840 : i32 to index
        %swap3A_842 = arith.constant 80 : index
        %swap3A_843 = tpu.vector_load %arg7[%swap3A_841, %swap3A_842] {strides = array<i32>} : memref<200x128xi32, #tpu.memory_space<vmem>>, vector<1x16xi32>,
        %swap3A_844 = vector.shape_cast %swap3A_843 : vector<1x16xi32> to vector<16xi32>
        %swap3A_845 = vector.shape_cast %select_n3A_836 : vector<16xi32> to vector<1x16xi32>
        tpu.vector_store %arg7[%swap3A_841, %swap3A_842], %swap3A_845 {strides = array<i32>} : memref<200x128xi32, #tpu.memory_space<vmem>>, vector<1x16xi32>,
        %mul3A_846 = arith.constant 2 : i32
        %mul3A_847 = arith.muli %mul3A_846, %add3A_689 : i32
        %add3A_848 = arith.constant 0 : i32
        %add3A_849 = arith.addi %mul3A_847, %add3A_848 : i32
        %get3A_850 = arith.index_cast %add3A_849 : i32 to index
        %get3A_851 = arith.constant 96 : index
        %get3A_852 = tpu.vector_load %arg7[%get3A_850, %get3A_851] {strides = array<i32>} : memref<200x128xi32, #tpu.memory_space<vmem>>, vector<1x16xi32>,
        %get3A_853 = vector.shape_cast %get3A_852 : vector<1x16xi32> to vector<16xi32>
        %eq3A_854 = arith.constant -1 : i32
        %eq3A_855 = vector.broadcast %eq3A_854 : i32 to vector<16xi32>
        %eq3A_856 = arith.cmpi eq, %get3A_853, %eq3A_855 : vector<16xi32>
        %jit3A_857 = arith.constant 48 : i32
        %broadcast_in_dim3A_858 = vector.broadcast %jit3A_857 : i32 to vector<16xi32>
        %select_n3A_859 = arith.select %eq3A_856, %broadcast_in_dim3A_858, %get3A_853 : vector<16xi1>, vector<16xi32>
        %mul3A_860 = arith.constant 2 : i32
        %mul3A_861 = arith.muli %mul3A_860, %add3A_689 : i32
        %add3A_862 = arith.constant 0 : i32
        %add3A_863 = arith.addi %mul3A_861, %add3A_862 : i32
        %swap3A_864 = arith.index_cast %add3A_863 : i32 to index
        %swap3A_865 = arith.constant 96 : index
        %swap3A_866 = tpu.vector_load %arg7[%swap3A_864, %swap3A_865] {strides = array<i32>} : memref<200x128xi32, #tpu.memory_space<vmem>>, vector<1x16xi32>,
        %swap3A_867 = vector.shape_cast %swap3A_866 : vector<1x16xi32> to vector<16xi32>
        %swap3A_868 = vector.shape_cast %select_n3A_859 : vector<16xi32> to vector<1x16xi32>
        tpu.vector_store %arg7[%swap3A_864, %swap3A_865], %swap3A_868 {strides = array<i32>} : memref<200x128xi32, #tpu.memory_space<vmem>>, vector<1x16xi32>,
        %mul3A_869 = arith.constant 2 : i32
        %mul3A_870 = arith.muli %mul3A_869, %add3A_689 : i32
        %add3A_871 = arith.constant 0 : i32
        %add3A_872 = arith.addi %mul3A_870, %add3A_871 : i32
        %get3A_873 = arith.index_cast %add3A_872 : i32 to index
        %get3A_874 = arith.constant 112 : index
        %get3A_875 = tpu.vector_load %arg7[%get3A_873, %get3A_874] {strides = array<i32>} : memref<200x128xi32, #tpu.memory_space<vmem>>, vector<1x16xi32>,
        %get3A_876 = vector.shape_cast %get3A_875 : vector<1x16xi32> to vector<16xi32>
        %eq3A_877 = arith.constant -1 : i32
        %eq3A_878 = vector.broadcast %eq3A_877 : i32 to vector<16xi32>
        %eq3A_879 = arith.cmpi eq, %get3A_876, %eq3A_878 : vector<16xi32>
        %jit3A_880 = arith.constant 48 : i32
        %broadcast_in_dim3A_881 = vector.broadcast %jit3A_880 : i32 to vector<16xi32>
        %select_n3A_882 = arith.select %eq3A_879, %broadcast_in_dim3A_881, %get3A_876 : vector<16xi1>, vector<16xi32>
        %mul3A_883 = arith.constant 2 : i32
        %mul3A_884 = arith.muli %mul3A_883, %add3A_689 : i32
        %add3A_885 = arith.constant 0 : i32
        %add3A_886 = arith.addi %mul3A_884, %add3A_885 : i32
        %swap3A_887 = arith.index_cast %add3A_886 : i32 to index
        %swap3A_888 = arith.constant 112 : index
        %swap3A_889 = tpu.vector_load %arg7[%swap3A_887, %swap3A_888] {strides = array<i32>} : memref<200x128xi32, #tpu.memory_space<vmem>>, vector<1x16xi32>,
        %swap3A_890 = vector.shape_cast %swap3A_889 : vector<1x16xi32> to vector<16xi32>
        %swap3A_891 = vector.shape_cast %select_n3A_882 : vector<16xi32> to vector<1x16xi32>
        tpu.vector_store %arg7[%swap3A_887, %swap3A_888], %swap3A_891 {strides = array<i32>} : memref<200x128xi32, #tpu.memory_space<vmem>>, vector<1x16xi32>,
        %mul3A_892 = arith.constant 2 : i32
        %mul3A_893 = arith.muli %mul3A_892, %add3A_689 : i32
        %add3A_894 = arith.constant 0 : i32
        %add3A_895 = arith.addi %mul3A_893, %add3A_894 : i32
        %dma_start3A_896 = arith.constant 0 : i32
        %dma_start3A_897 = arith.constant 0 : i32
        %dma_start3A_898 = arith.constant 0 : i32
        %dma_start3A_899 = arith.constant 0 : i32
        %dma_start3A_900 = tpu.memref_slice %arg8[%dma_start3A_896, %dma_start3A_898, %dma_start3A_899] : memref<3x256x128xf32, #tpu.memory_space<vmem>> -> memref<1x128x128xf32, #tpu.memory_space<vmem>>
        %dma_start3A_901 = tpu.memref_squeeze %dma_start3A_900 : memref<1x128x128xf32, #tpu.memory_space<vmem>> -> memref<128x128xf32, #tpu.memory_space<vmem>>
        %dma_start3A_902 = arith.constant 0 : i32
        %dma_start3A_903 = tpu.memref_slice %arg7[%add3A_895, %dma_start3A_902] : memref<200x128xi32, #tpu.memory_space<vmem>> -> memref<1x128xi32, #tpu.memory_space<vmem>>
        %dma_start3A_904 = tpu.memref_squeeze %dma_start3A_903 : memref<1x128xi32, #tpu.memory_space<vmem>> -> memref<128xi32, #tpu.memory_space<vmem>>
        %dma_start3A_905 = arith.constant 0 : i32
        %dma_start3A_906 = arith.constant 0 : i32
        %dma_start3A_907 = tpu.memref_slice %arg6[%dma_start3A_905, %dma_start3A_906] : memref<49x128xf32, #tpu.memory_space<vmem_shared>> -> memref<49x128xf32, #tpu.memory_space<vmem_shared>>
        %dma_start3A_908 = tpu.memref_slice %arg10[%dma_start3A_897] : memref<3x!tpu.dma_semaphore, #tpu.memory_space<semaphore_mem>> -> memref<1x!tpu.dma_semaphore, #tpu.memory_space<semaphore_mem>>
        %dma_start3A_909 = tpu.memref_squeeze %dma_start3A_908 : memref<1x!tpu.dma_semaphore, #tpu.memory_space<semaphore_mem>> -> memref<!tpu.dma_semaphore, #tpu.memory_space<semaphore_mem>>
        tpu.enqueue_indirect_dma source(%dma_start3A_907 : memref<49x128xf32, #tpu.memory_space<vmem_shared>>) target(%dma_start3A_901 : memref<128x128xf32, #tpu.memory_space<vmem>>) offsets(%dma_start3A_904 : memref<128xi32, #tpu.memory_space<vmem>>) semaphore(%dma_start3A_909 : memref<!tpu.dma_semaphore, #tpu.memory_space<semaphore_mem>>) {add = true}
        %mul3A_910 = arith.constant 2 : i32
        %mul3A_911 = arith.muli %mul3A_910, %add3A_689 : i32
        %add3A_912 = arith.constant 1 : i32
        %add3A_913 = arith.addi %mul3A_911, %add3A_912 : i32
        %get3A_914 = arith.index_cast %add3A_913 : i32 to index
        %get3A_915 = arith.constant 0 : index
        %get3A_916 = tpu.vector_load %arg7[%get3A_914, %get3A_915] {strides = array<i32>} : memref<200x128xi32, #tpu.memory_space<vmem>>, vector<1x16xi32>,
        %get3A_917 = vector.shape_cast %get3A_916 : vector<1x16xi32> to vector<16xi32>
        %eq3A_918 = arith.constant -1 : i32
        %eq3A_919 = vector.broadcast %eq3A_918 : i32 to vector<16xi32>
        %eq3A_920 = arith.cmpi eq, %get3A_917, %eq3A_919 : vector<16xi32>
        %jit3A_921 = arith.constant 48 : i32
        %broadcast_in_dim3A_922 = vector.broadcast %jit3A_921 : i32 to vector<16xi32>
        %select_n3A_923 = arith.select %eq3A_920, %broadcast_in_dim3A_922, %get3A_917 : vector<16xi1>, vector<16xi32>
        %mul3A_924 = arith.constant 2 : i32
        %mul3A_925 = arith.muli %mul3A_924, %add3A_689 : i32
        %add3A_926 = arith.constant 1 : i32
        %add3A_927 = arith.addi %mul3A_925, %add3A_926 : i32
        %swap3A_928 = arith.index_cast %add3A_927 : i32 to index
        %swap3A_929 = arith.constant 0 : index
        %swap3A_930 = tpu.vector_load %arg7[%swap3A_928, %swap3A_929] {strides = array<i32>} : memref<200x128xi32, #tpu.memory_space<vmem>>, vector<1x16xi32>,
        %swap3A_931 = vector.shape_cast %swap3A_930 : vector<1x16xi32> to vector<16xi32>
        %swap3A_932 = vector.shape_cast %select_n3A_923 : vector<16xi32> to vector<1x16xi32>
        tpu.vector_store %arg7[%swap3A_928, %swap3A_929], %swap3A_932 {strides = array<i32>} : memref<200x128xi32, #tpu.memory_space<vmem>>, vector<1x16xi32>,
        %mul3A_933 = arith.constant 2 : i32
        %mul3A_934 = arith.muli %mul3A_933, %add3A_689 : i32
        %add3A_935 = arith.constant 1 : i32
        %add3A_936 = arith.addi %mul3A_934, %add3A_935 : i32
        %get3A_937 = arith.index_cast %add3A_936 : i32 to index
        %get3A_938 = arith.constant 16 : index
        %get3A_939 = tpu.vector_load %arg7[%get3A_937, %get3A_938] {strides = array<i32>} : memref<200x128xi32, #tpu.memory_space<vmem>>, vector<1x16xi32>,
        %get3A_940 = vector.shape_cast %get3A_939 : vector<1x16xi32> to vector<16xi32>
        %eq3A_941 = arith.constant -1 : i32
        %eq3A_942 = vector.broadcast %eq3A_941 : i32 to vector<16xi32>
        %eq3A_943 = arith.cmpi eq, %get3A_940, %eq3A_942 : vector<16xi32>
        %jit3A_944 = arith.constant 48 : i32
        %broadcast_in_dim3A_945 = vector.broadcast %jit3A_944 : i32 to vector<16xi32>
        %select_n3A_946 = arith.select %eq3A_943, %broadcast_in_dim3A_945, %get3A_940 : vector<16xi1>, vector<16xi32>
        %mul3A_947 = arith.constant 2 : i32
        %mul3A_948 = arith.muli %mul3A_947, %add3A_689 : i32
        %add3A_949 = arith.constant 1 : i32
        %add3A_950 = arith.addi %mul3A_948, %add3A_949 : i32
        %swap3A_951 = arith.index_cast %add3A_950 : i32 to index
        %swap3A_952 = arith.constant 16 : index
        %swap3A_953 = tpu.vector_load %arg7[%swap3A_951, %swap3A_952] {strides = array<i32>} : memref<200x128xi32, #tpu.memory_space<vmem>>, vector<1x16xi32>,
        %swap3A_954 = vector.shape_cast %swap3A_953 : vector<1x16xi32> to vector<16xi32>
        %swap3A_955 = vector.shape_cast %select_n3A_946 : vector<16xi32> to vector<1x16xi32>
        tpu.vector_store %arg7[%swap3A_951, %swap3A_952], %swap3A_955 {strides = array<i32>} : memref<200x128xi32, #tpu.memory_space<vmem>>, vector<1x16xi32>,
        %mul3A_956 = arith.constant 2 : i32
        %mul3A_957 = arith.muli %mul3A_956, %add3A_689 : i32
        %add3A_958 = arith.constant 1 : i32
        %add3A_959 = arith.addi %mul3A_957, %add3A_958 : i32
        %get3A_960 = arith.index_cast %add3A_959 : i32 to index
        %get3A_961 = arith.constant 32 : index
        %get3A_962 = tpu.vector_load %arg7[%get3A_960, %get3A_961] {strides = array<i32>} : memref<200x128xi32, #tpu.memory_space<vmem>>, vector<1x16xi32>,
        %get3A_963 = vector.shape_cast %get3A_962 : vector<1x16xi32> to vector<16xi32>
        %eq3A_964 = arith.constant -1 : i32
        %eq3A_965 = vector.broadcast %eq3A_964 : i32 to vector<16xi32>
        %eq3A_966 = arith.cmpi eq, %get3A_963, %eq3A_965 : vector<16xi32>
        %jit3A_967 = arith.constant 48 : i32
        %broadcast_in_dim3A_968 = vector.broadcast %jit3A_967 : i32 to vector<16xi32>
        %select_n3A_969 = arith.select %eq3A_966, %broadcast_in_dim3A_968, %get3A_963 : vector<16xi1>, vector<16xi32>
        %mul3A_970 = arith.constant 2 : i32
        %mul3A_971 = arith.muli %mul3A_970, %add3A_689 : i32
        %add3A_972 = arith.constant 1 : i32
        %add3A_973 = arith.addi %mul3A_971, %add3A_972 : i32
        %swap3A_974 = arith.index_cast %add3A_973 : i32 to index
        %swap3A_975 = arith.constant 32 : index
        %swap3A_976 = tpu.vector_load %arg7[%swap3A_974, %swap3A_975] {strides = array<i32>} : memref<200x128xi32, #tpu.memory_space<vmem>>, vector<1x16xi32>,
        %swap3A_977 = vector.shape_cast %swap3A_976 : vector<1x16xi32> to vector<16xi32>
        %swap3A_978 = vector.shape_cast %select_n3A_969 : vector<16xi32> to vector<1x16xi32>
        tpu.vector_store %arg7[%swap3A_974, %swap3A_975], %swap3A_978 {strides = array<i32>} : memref<200x128xi32, #tpu.memory_space<vmem>>, vector<1x16xi32>,
        %mul3A_979 = arith.constant 2 : i32
        %mul3A_980 = arith.muli %mul3A_979, %add3A_689 : i32
        %add3A_981 = arith.constant 1 : i32
        %add3A_982 = arith.addi %mul3A_980, %add3A_981 : i32
        %get3A_983 = arith.index_cast %add3A_982 : i32 to index
        %get3A_984 = arith.constant 48 : index
        %get3A_985 = tpu.vector_load %arg7[%get3A_983, %get3A_984] {strides = array<i32>} : memref<200x128xi32, #tpu.memory_space<vmem>>, vector<1x16xi32>,
        %get3A_986 = vector.shape_cast %get3A_985 : vector<1x16xi32> to vector<16xi32>
        %eq3A_987 = arith.constant -1 : i32
        %eq3A_988 = vector.broadcast %eq3A_987 : i32 to vector<16xi32>
        %eq3A_989 = arith.cmpi eq, %get3A_986, %eq3A_988 : vector<16xi32>
        %jit3A_990 = arith.constant 48 : i32
        %broadcast_in_dim3A_991 = vector.broadcast %jit3A_990 : i32 to vector<16xi32>
        %select_n3A_992 = arith.select %eq3A_989, %broadcast_in_dim3A_991, %get3A_986 : vector<16xi1>, vector<16xi32>
        %mul3A_993 = arith.constant 2 : i32
        %mul3A_994 = arith.muli %mul3A_993, %add3A_689 : i32
        %add3A_995 = arith.constant 1 : i32
        %add3A_996 = arith.addi %mul3A_994, %add3A_995 : i32
        %swap3A_997 = arith.index_cast %add3A_996 : i32 to index
        %swap3A_998 = arith.constant 48 : index
        %swap3A_999 = tpu.vector_load %arg7[%swap3A_997, %swap3A_998] {strides = array<i32>} : memref<200x128xi32, #tpu.memory_space<vmem>>, vector<1x16xi32>,
        %swap3A_1000 = vector.shape_cast %swap3A_999 : vector<1x16xi32> to vector<16xi32>
        %swap3A_1001 = vector.shape_cast %select_n3A_992 : vector<16xi32> to vector<1x16xi32>
        tpu.vector_store %arg7[%swap3A_997, %swap3A_998], %swap3A_1001 {strides = array<i32>} : memref<200x128xi32, #tpu.memory_space<vmem>>, vector<1x16xi32>,
        %mul3A_1002 = arith.constant 2 : i32
        %mul3A_1003 = arith.muli %mul3A_1002, %add3A_689 : i32
        %add3A_1004 = arith.constant 1 : i32
        %add3A_1005 = arith.addi %mul3A_1003, %add3A_1004 : i32
        %get3A_1006 = arith.index_cast %add3A_1005 : i32 to index
        %get3A_1007 = arith.constant 64 : index
        %get3A_1008 = tpu.vector_load %arg7[%get3A_1006, %get3A_1007] {strides = array<i32>} : memref<200x128xi32, #tpu.memory_space<vmem>>, vector<1x16xi32>,
        %get3A_1009 = vector.shape_cast %get3A_1008 : vector<1x16xi32> to vector<16xi32>
        %eq3A_1010 = arith.constant -1 : i32
        %eq3A_1011 = vector.broadcast %eq3A_1010 : i32 to vector<16xi32>
        %eq3A_1012 = arith.cmpi eq, %get3A_1009, %eq3A_1011 : vector<16xi32>
        %jit3A_1013 = arith.constant 48 : i32
        %broadcast_in_dim3A_1014 = vector.broadcast %jit3A_1013 : i32 to vector<16xi32>
        %select_n3A_1015 = arith.select %eq3A_1012, %broadcast_in_dim3A_1014, %get3A_1009 : vector<16xi1>, vector<16xi32>
        %mul3A_1016 = arith.constant 2 : i32
        %mul3A_1017 = arith.muli %mul3A_1016, %add3A_689 : i32
        %add3A_1018 = arith.constant 1 : i32
        %add3A_1019 = arith.addi %mul3A_1017, %add3A_1018 : i32
        %swap3A_1020 = arith.index_cast %add3A_1019 : i32 to index
        %swap3A_1021 = arith.constant 64 : index
        %swap3A_1022 = tpu.vector_load %arg7[%swap3A_1020, %swap3A_1021] {strides = array<i32>} : memref<200x128xi32, #tpu.memory_space<vmem>>, vector<1x16xi32>,
        %swap3A_1023 = vector.shape_cast %swap3A_1022 : vector<1x16xi32> to vector<16xi32>
        %swap3A_1024 = vector.shape_cast %select_n3A_1015 : vector<16xi32> to vector<1x16xi32>
        tpu.vector_store %arg7[%swap3A_1020, %swap3A_1021], %swap3A_1024 {strides = array<i32>} : memref<200x128xi32, #tpu.memory_space<vmem>>, vector<1x16xi32>,
        %mul3A_1025 = arith.constant 2 : i32
        %mul3A_1026 = arith.muli %mul3A_1025, %add3A_689 : i32
        %add3A_1027 = arith.constant 1 : i32
        %add3A_1028 = arith.addi %mul3A_1026, %add3A_1027 : i32
        %get3A_1029 = arith.index_cast %add3A_1028 : i32 to index
        %get3A_1030 = arith.constant 80 : index
        %get3A_1031 = tpu.vector_load %arg7[%get3A_1029, %get3A_1030] {strides = array<i32>} : memref<200x128xi32, #tpu.memory_space<vmem>>, vector<1x16xi32>,
        %get3A_1032 = vector.shape_cast %get3A_1031 : vector<1x16xi32> to vector<16xi32>
        %eq3A_1033 = arith.constant -1 : i32
        %eq3A_1034 = vector.broadcast %eq3A_1033 : i32 to vector<16xi32>
        %eq3A_1035 = arith.cmpi eq, %get3A_1032, %eq3A_1034 : vector<16xi32>
        %jit3A_1036 = arith.constant 48 : i32
        %broadcast_in_dim3A_1037 = vector.broadcast %jit3A_1036 : i32 to vector<16xi32>
        %select_n3A_1038 = arith.select %eq3A_1035, %broadcast_in_dim3A_1037, %get3A_1032 : vector<16xi1>, vector<16xi32>
        %mul3A_1039 = arith.constant 2 : i32
        %mul3A_1040 = arith.muli %mul3A_1039, %add3A_689 : i32
        %add3A_1041 = arith.constant 1 : i32
        %add3A_1042 = arith.addi %mul3A_1040, %add3A_1041 : i32
        %swap3A_1043 = arith.index_cast %add3A_1042 : i32 to index
        %swap3A_1044 = arith.constant 80 : index
        %swap3A_1045 = tpu.vector_load %arg7[%swap3A_1043, %swap3A_1044] {strides = array<i32>} : memref<200x128xi32, #tpu.memory_space<vmem>>, vector<1x16xi32>,
        %swap3A_1046 = vector.shape_cast %swap3A_1045 : vector<1x16xi32> to vector<16xi32>
        %swap3A_1047 = vector.shape_cast %select_n3A_1038 : vector<16xi32> to vector<1x16xi32>
        tpu.vector_store %arg7[%swap3A_1043, %swap3A_1044], %swap3A_1047 {strides = array<i32>} : memref<200x128xi32, #tpu.memory_space<vmem>>, vector<1x16xi32>,
        %mul3A_1048 = arith.constant 2 : i32
        %mul3A_1049 = arith.muli %mul3A_1048, %add3A_689 : i32
        %add3A_1050 = arith.constant 1 : i32
        %add3A_1051 = arith.addi %mul3A_1049, %add3A_1050 : i32
        %get3A_1052 = arith.index_cast %add3A_1051 : i32 to index
        %get3A_1053 = arith.constant 96 : index
        %get3A_1054 = tpu.vector_load %arg7[%get3A_1052, %get3A_1053] {strides = array<i32>} : memref<200x128xi32, #tpu.memory_space<vmem>>, vector<1x16xi32>,
        %get3A_1055 = vector.shape_cast %get3A_1054 : vector<1x16xi32> to vector<16xi32>
        %eq3A_1056 = arith.constant -1 : i32
        %eq3A_1057 = vector.broadcast %eq3A_1056 : i32 to vector<16xi32>
        %eq3A_1058 = arith.cmpi eq, %get3A_1055, %eq3A_1057 : vector<16xi32>
        %jit3A_1059 = arith.constant 48 : i32
        %broadcast_in_dim3A_1060 = vector.broadcast %jit3A_1059 : i32 to vector<16xi32>
        %select_n3A_1061 = arith.select %eq3A_1058, %broadcast_in_dim3A_1060, %get3A_1055 : vector<16xi1>, vector<16xi32>
        %mul3A_1062 = arith.constant 2 : i32
        %mul3A_1063 = arith.muli %mul3A_1062, %add3A_689 : i32
        %add3A_1064 = arith.constant 1 : i32
        %add3A_1065 = arith.addi %mul3A_1063, %add3A_1064 : i32
        %swap3A_1066 = arith.index_cast %add3A_1065 : i32 to index
        %swap3A_1067 = arith.constant 96 : index
        %swap3A_1068 = tpu.vector_load %arg7[%swap3A_1066, %swap3A_1067] {strides = array<i32>} : memref<200x128xi32, #tpu.memory_space<vmem>>, vector<1x16xi32>,
        %swap3A_1069 = vector.shape_cast %swap3A_1068 : vector<1x16xi32> to vector<16xi32>
        %swap3A_1070 = vector.shape_cast %select_n3A_1061 : vector<16xi32> to vector<1x16xi32>
        tpu.vector_store %arg7[%swap3A_1066, %swap3A_1067], %swap3A_1070 {strides = array<i32>} : memref<200x128xi32, #tpu.memory_space<vmem>>, vector<1x16xi32>,
        %mul3A_1071 = arith.constant 2 : i32
        %mul3A_1072 = arith.muli %mul3A_1071, %add3A_689 : i32
        %add3A_1073 = arith.constant 1 : i32
        %add3A_1074 = arith.addi %mul3A_1072, %add3A_1073 : i32
        %get3A_1075 = arith.index_cast %add3A_1074 : i32 to index
        %get3A_1076 = arith.constant 112 : index
        %get3A_1077 = tpu.vector_load %arg7[%get3A_1075, %get3A_1076] {strides = array<i32>} : memref<200x128xi32, #tpu.memory_space<vmem>>, vector<1x16xi32>,
        %get3A_1078 = vector.shape_cast %get3A_1077 : vector<1x16xi32> to vector<16xi32>
        %eq3A_1079 = arith.constant -1 : i32
        %eq3A_1080 = vector.broadcast %eq3A_1079 : i32 to vector<16xi32>
        %eq3A_1081 = arith.cmpi eq, %get3A_1078, %eq3A_1080 : vector<16xi32>
        %jit3A_1082 = arith.constant 48 : i32
        %broadcast_in_dim3A_1083 = vector.broadcast %jit3A_1082 : i32 to vector<16xi32>
        %select_n3A_1084 = arith.select %eq3A_1081, %broadcast_in_dim3A_1083, %get3A_1078 : vector<16xi1>, vector<16xi32>
        %mul3A_1085 = arith.constant 2 : i32
        %mul3A_1086 = arith.muli %mul3A_1085, %add3A_689 : i32
        %add3A_1087 = arith.constant 1 : i32
        %add3A_1088 = arith.addi %mul3A_1086, %add3A_1087 : i32
        %swap3A_1089 = arith.index_cast %add3A_1088 : i32 to index
        %swap3A_1090 = arith.constant 112 : index
        %swap3A_1091 = tpu.vector_load %arg7[%swap3A_1089, %swap3A_1090] {strides = array<i32>} : memref<200x128xi32, #tpu.memory_space<vmem>>, vector<1x16xi32>,
        %swap3A_1092 = vector.shape_cast %swap3A_1091 : vector<1x16xi32> to vector<16xi32>
        %swap3A_1093 = vector.shape_cast %select_n3A_1084 : vector<16xi32> to vector<1x16xi32>
        tpu.vector_store %arg7[%swap3A_1089, %swap3A_1090], %swap3A_1093 {strides = array<i32>} : memref<200x128xi32, #tpu.memory_space<vmem>>, vector<1x16xi32>,
        %mul3A_1094 = arith.constant 2 : i32
        %mul3A_1095 = arith.muli %mul3A_1094, %add3A_689 : i32
        %add3A_1096 = arith.constant 1 : i32
        %add3A_1097 = arith.addi %mul3A_1095, %add3A_1096 : i32
        %dma_start3A_1098 = arith.constant 0 : i32
        %dma_start3A_1099 = arith.constant 0 : i32
        %dma_start3A_1100 = arith.constant 128 : i32
        %dma_start3A_1101 = arith.constant 0 : i32
        %dma_start3A_1102 = tpu.memref_slice %arg8[%dma_start3A_1098, %dma_start3A_1100, %dma_start3A_1101] : memref<3x256x128xf32, #tpu.memory_space<vmem>> -> memref<1x128x128xf32, #tpu.memory_space<vmem>>
        %dma_start3A_1103 = tpu.memref_squeeze %dma_start3A_1102 : memref<1x128x128xf32, #tpu.memory_space<vmem>> -> memref<128x128xf32, #tpu.memory_space<vmem>>
        %dma_start3A_1104 = arith.constant 0 : i32
        %dma_start3A_1105 = tpu.memref_slice %arg7[%add3A_1097, %dma_start3A_1104] : memref<200x128xi32, #tpu.memory_space<vmem>> -> memref<1x128xi32, #tpu.memory_space<vmem>>
        %dma_start3A_1106 = tpu.memref_squeeze %dma_start3A_1105 : memref<1x128xi32, #tpu.memory_space<vmem>> -> memref<128xi32, #tpu.memory_space<vmem>>
        %dma_start3A_1107 = arith.constant 0 : i32
        %dma_start3A_1108 = arith.constant 0 : i32
        %dma_start3A_1109 = tpu.memref_slice %arg6[%dma_start3A_1107, %dma_start3A_1108] : memref<49x128xf32, #tpu.memory_space<vmem_shared>> -> memref<49x128xf32, #tpu.memory_space<vmem_shared>>
        %dma_start3A_1110 = tpu.memref_slice %arg10[%dma_start3A_1099] : memref<3x!tpu.dma_semaphore, #tpu.memory_space<semaphore_mem>> -> memref<1x!tpu.dma_semaphore, #tpu.memory_space<semaphore_mem>>
        %dma_start3A_1111 = tpu.memref_squeeze %dma_start3A_1110 : memref<1x!tpu.dma_semaphore, #tpu.memory_space<semaphore_mem>> -> memref<!tpu.dma_semaphore, #tpu.memory_space<semaphore_mem>>
        tpu.enqueue_indirect_dma source(%dma_start3A_1109 : memref<49x128xf32, #tpu.memory_space<vmem_shared>>) target(%dma_start3A_1103 : memref<128x128xf32, #tpu.memory_space<vmem>>) offsets(%dma_start3A_1106 : memref<128xi32, #tpu.memory_space<vmem>>) semaphore(%dma_start3A_1111 : memref<!tpu.dma_semaphore, #tpu.memory_space<semaphore_mem>>) {add = true}
      } else {
      }
      %add3A_681 = arith.constant 2 : i32
      %add3A_682 = arith.addi %add3A_618, %add3A_681 : i32
      %lt3A_683 = arith.constant 100 : i32
      %lt3A_684 = arith.cmpi slt, %add3A_682, %lt3A_683 : i32
      %convert_element_type3A_685 = arith.extui %lt3A_684 : i1 to i32
      %cond3A_686 = arith.constant 0 : i32
      %cond3A_687 = arith.cmpi ne, %convert_element_type3A_685, %cond3A_686 : i32
      scf.if %cond3A_687 {
        %ge3A = arith.constant 1 : i32
        %ge3A_688 = arith.cmpi sge, %add3A_618, %ge3A : i32
        %convert_element_type3A_689 = arith.extui %ge3A_688 : i1 to i32
        %cond3A_690 = arith.constant 0 : i32
        %cond3A_691 = arith.cmpi ne, %convert_element_type3A_689, %cond3A_690 : i32
        scf.if %cond3A_691 {
          %dma_wait3A_713 = arith.constant 1 : i32
          %dma_wait3A_714 = arith.constant 1 : i32
          %dma_wait3A_715 = arith.constant 0 : i32
          %dma_wait3A_716 = arith.constant 0 : i32
          %dma_wait3A_717 = tpu.memref_slice %arg8[%dma_wait3A_713, %dma_wait3A_715, %dma_wait3A_716] : memref<3x256x128xf32, #tpu.memory_space<vmem>> -> memref<1x256x128xf32, #tpu.memory_space<vmem>>
          %dma_wait3A_718 = tpu.memref_squeeze %dma_wait3A_717 : memref<1x256x128xf32, #tpu.memory_space<vmem>> -> memref<256x128xf32, #tpu.memory_space<vmem>>
          %dma_wait3A_719 = arith.constant 0 : i32
          %dma_wait3A_720 = arith.constant 0 : i32
          %dma_wait3A_721 = tpu.memref_slice %arg5[%dma_wait3A_719, %dma_wait3A_720] : memref<819200x128xf32, #tpu.memory_space<hbm>> -> memref<256x128xf32, #tpu.memory_space<hbm>>
          %dma_wait3A_722 = tpu.memref_slice %arg11[%dma_wait3A_714] : memref<3x!tpu.dma_semaphore, #tpu.memory_space<semaphore_mem>> -> memref<1x!tpu.dma_semaphore, #tpu.memory_space<semaphore_mem>>
          %dma_wait3A_723 = tpu.memref_squeeze %dma_wait3A_722 : memref<1x!tpu.dma_semaphore, #tpu.memory_space<semaphore_mem>> -> memref<!tpu.dma_semaphore, #tpu.memory_space<semaphore_mem>>
          %dma_wait3A_724 = arith.constant 0 : i32
          %dma_wait3A_725 = arith.constant 0 : i32
          %dma_wait3A_726 = tpu.memref_slice %arg5[%dma_wait3A_724, %dma_wait3A_725] : memref<819200x128xf32, #tpu.memory_space<hbm>> -> memref<256x128xf32, #tpu.memory_space<hbm>>
          %dma_wait3A_727 = arith.constant 0 : i32
          %dma_wait3A_728 = arith.constant 0 : i32
          %dma_wait3A_729 = tpu.memref_slice %arg8[%dma_wait3A_713, %dma_wait3A_727, %dma_wait3A_728] : memref<3x256x128xf32, #tpu.memory_space<vmem>> -> memref<1x256x128xf32, #tpu.memory_space<vmem>>
          %dma_wait3A_730 = tpu.memref_squeeze %dma_wait3A_729 : memref<1x256x128xf32, #tpu.memory_space<vmem>> -> memref<256x128xf32, #tpu.memory_space<vmem>>
          tpu.wait_dma2 semaphore(%dma_wait3A_723 : memref<!tpu.dma_semaphore, #tpu.memory_space<semaphore_mem>>) src(%dma_wait3A_730 : memref<256x128xf32, #tpu.memory_space<vmem>>) dst(%dma_wait3A_726 : memref<256x128xf32, #tpu.memory_space<hbm>>)
        } else {
        }
        %add3A_692 = arith.constant 2 : i32
        %add3A_693 = arith.addi %add3A_618, %add3A_692 : i32
        %add3A_694 = arith.addi %mul3A_2, %add3A_693 : i32
        %mul3A_695 = arith.constant 256 : i32
        %mul3A_696 = arith.muli %add3A_694, %mul3A_695 : i32
        %dma_start3A_697 = arith.constant 1 : i32
        %dma_start3A_698 = arith.constant 1 : i32
        %dma_start3A_699 = arith.constant 0 : i32
        %dma_start3A_700 = arith.constant 0 : i32
        %dma_start3A_701 = tpu.memref_slice %arg8[%dma_start3A_697, %dma_start3A_699, %dma_start3A_700] : memref<3x256x128xf32, #tpu.memory_space<vmem>> -> memref<1x256x128xf32, #tpu.memory_space<vmem>>
        %dma_start3A_702 = tpu.memref_squeeze %dma_start3A_701 : memref<1x256x128xf32, #tpu.memory_space<vmem>> -> memref<256x128xf32, #tpu.memory_space<vmem>>
        %dma_start3A_703 = arith.constant 0 : i32
        %dma_start3A_704 = tpu.memref_slice %arg2[%mul3A_696, %dma_start3A_703] : memref<819200x128xf32, #tpu.memory_space<hbm>> -> memref<256x128xf32, #tpu.memory_space<hbm>>
        %dma_start3A_705 = tpu.memref_slice %arg9[%dma_start3A_698] : memref<3x!tpu.dma_semaphore, #tpu.memory_space<semaphore_mem>> -> memref<1x!tpu.dma_semaphore, #tpu.memory_space<semaphore_mem>>
        %dma_start3A_706 = tpu.memref_squeeze %dma_start3A_705 : memref<1x!tpu.dma_semaphore, #tpu.memory_space<semaphore_mem>> -> memref<!tpu.dma_semaphore, #tpu.memory_space<semaphore_mem>>
        %dma_start3A_707 = arith.constant 0 : i32
        %dma_start3A_708 = arith.constant 0 : i32
        %dma_start3A_709 = tpu.memref_slice %arg8[%dma_start3A_697, %dma_start3A_707, %dma_start3A_708] : memref<3x256x128xf32, #tpu.memory_space<vmem>> -> memref<1x256x128xf32, #tpu.memory_space<vmem>>
        %dma_start3A_710 = tpu.memref_squeeze %dma_start3A_709 : memref<1x256x128xf32, #tpu.memory_space<vmem>> -> memref<256x128xf32, #tpu.memory_space<vmem>>
        %dma_start3A_711 = arith.constant 0 : i32
        %dma_start3A_712 = tpu.memref_slice %arg2[%mul3A_696, %dma_start3A_711] : memref<819200x128xf32, #tpu.memory_space<hbm>> -> memref<256x128xf32, #tpu.memory_space<hbm>>
        tpu.enqueue_dma source(%dma_start3A_712 : memref<256x128xf32, #tpu.memory_space<hbm>>) target(%dma_start3A_710 : memref<256x128xf32, #tpu.memory_space<vmem>>) target_semaphore(%dma_start3A_706 : memref<!tpu.dma_semaphore, #tpu.memory_space<semaphore_mem>>)
      } else {
      }
    }
    %scan3A_364 = arith.constant 33 : i32
    %dma_wait3A_365 = arith.constant 198 : i32
    %dma_wait3A_366 = arith.constant 0 : i32
    %dma_wait3A_367 = arith.constant 0 : i32
    %dma_wait3A_368 = arith.constant 0 : i32
    %dma_wait3A_369 = arith.constant 0 : i32
    %dma_wait3A_370 = tpu.memref_slice %arg8[%dma_wait3A_366, %dma_wait3A_368, %dma_wait3A_369] : memref<3x256x128xf32, #tpu.memory_space<vmem>> -> memref<1x128x128xf32, #tpu.memory_space<vmem>>
    %dma_wait3A_371 = tpu.memref_squeeze %dma_wait3A_370 : memref<1x128x128xf32, #tpu.memory_space<vmem>> -> memref<128x128xf32, #tpu.memory_space<vmem>>
    %dma_wait3A_372 = arith.constant 0 : i32
    %dma_wait3A_373 = tpu.memref_slice %arg7[%dma_wait3A_365, %dma_wait3A_372] : memref<200x128xi32, #tpu.memory_space<vmem>> -> memref<1x128xi32, #tpu.memory_space<vmem>>
    %dma_wait3A_374 = tpu.memref_squeeze %dma_wait3A_373 : memref<1x128xi32, #tpu.memory_space<vmem>> -> memref<128xi32, #tpu.memory_space<vmem>>
    %dma_wait3A_375 = arith.constant 0 : i32
    %dma_wait3A_376 = arith.constant 0 : i32
    %dma_wait3A_377 = tpu.memref_slice %arg6[%dma_wait3A_375, %dma_wait3A_376] : memref<49x128xf32, #tpu.memory_space<vmem_shared>> -> memref<49x128xf32, #tpu.memory_space<vmem_shared>>
    %dma_wait3A_378 = tpu.memref_slice %arg10[%dma_wait3A_367] : memref<3x!tpu.dma_semaphore, #tpu.memory_space<semaphore_mem>> -> memref<1x!tpu.dma_semaphore, #tpu.memory_space<semaphore_mem>>
    %dma_wait3A_379 = tpu.memref_squeeze %dma_wait3A_378 : memref<1x!tpu.dma_semaphore, #tpu.memory_space<semaphore_mem>> -> memref<!tpu.dma_semaphore, #tpu.memory_space<semaphore_mem>>
    tpu.wait_indirect_dma semaphore(%dma_wait3A_379 : memref<!tpu.dma_semaphore, #tpu.memory_space<semaphore_mem>>) src(%dma_wait3A_377 : memref<49x128xf32, #tpu.memory_space<vmem_shared>>) dst(%dma_wait3A_371 : memref<128x128xf32, #tpu.memory_space<vmem>>)
    %dma_wait3A_380 = arith.constant 199 : i32
    %dma_wait3A_381 = arith.constant 0 : i32
    %dma_wait3A_382 = arith.constant 0 : i32
    %dma_wait3A_383 = arith.constant 128 : i32
    %dma_wait3A_384 = arith.constant 0 : i32
    %dma_wait3A_385 = tpu.memref_slice %arg8[%dma_wait3A_381, %dma_wait3A_383, %dma_wait3A_384] : memref<3x256x128xf32, #tpu.memory_space<vmem>> -> memref<1x128x128xf32, #tpu.memory_space<vmem>>
    %dma_wait3A_386 = tpu.memref_squeeze %dma_wait3A_385 : memref<1x128x128xf32, #tpu.memory_space<vmem>> -> memref<128x128xf32, #tpu.memory_space<vmem>>
    %dma_wait3A_387 = arith.constant 0 : i32
    %dma_wait3A_388 = tpu.memref_slice %arg7[%dma_wait3A_380, %dma_wait3A_387] : memref<200x128xi32, #tpu.memory_space<vmem>> -> memref<1x128xi32, #tpu.memory_space<vmem>>
    %dma_wait3A_389 = tpu.memref_squeeze %dma_wait3A_388 : memref<1x128xi32, #tpu.memory_space<vmem>> -> memref<128xi32, #tpu.memory_space<vmem>>
    %dma_wait3A_390 = arith.constant 0 : i32
    %dma_wait3A_391 = arith.constant 0 : i32
    %dma_wait3A_392 = tpu.memref_slice %arg6[%dma_wait3A_390, %dma_wait3A_391] : memref<49x128xf32, #tpu.memory_space<vmem_shared>> -> memref<49x128xf32, #tpu.memory_space<vmem_shared>>
    %dma_wait3A_393 = tpu.memref_slice %arg10[%dma_wait3A_382] : memref<3x!tpu.dma_semaphore, #tpu.memory_space<semaphore_mem>> -> memref<1x!tpu.dma_semaphore, #tpu.memory_space<semaphore_mem>>
    %dma_wait3A_394 = tpu.memref_squeeze %dma_wait3A_393 : memref<1x!tpu.dma_semaphore, #tpu.memory_space<semaphore_mem>> -> memref<!tpu.dma_semaphore, #tpu.memory_space<semaphore_mem>>
    tpu.wait_indirect_dma semaphore(%dma_wait3A_394 : memref<!tpu.dma_semaphore, #tpu.memory_space<semaphore_mem>>) src(%dma_wait3A_392 : memref<49x128xf32, #tpu.memory_space<vmem_shared>>) dst(%dma_wait3A_386 : memref<128x128xf32, #tpu.memory_space<vmem>>)
    %add3A_395 = arith.constant 99 : i32
    %add3A_396 = arith.addi %mul3A_2, %add3A_395 : i32
    %mul3A_397 = arith.constant 256 : i32
    %mul3A_398 = arith.muli %add3A_396, %mul3A_397 : i32
    %dma_start3A_399 = arith.constant 0 : i32
    %dma_start3A_400 = arith.constant 0 : i32
    %dma_start3A_401 = arith.constant 0 : i32
    %dma_start3A_402 = arith.constant 0 : i32
    %dma_start3A_403 = tpu.memref_slice %arg8[%dma_start3A_399, %dma_start3A_401, %dma_start3A_402] : memref<3x256x128xf32, #tpu.memory_space<vmem>> -> memref<1x256x128xf32, #tpu.memory_space<vmem>>
    %dma_start3A_404 = tpu.memref_squeeze %dma_start3A_403 : memref<1x256x128xf32, #tpu.memory_space<vmem>> -> memref<256x128xf32, #tpu.memory_space<vmem>>
    %dma_start3A_405 = arith.constant 0 : i32
    %dma_start3A_406 = tpu.memref_slice %arg5[%mul3A_398, %dma_start3A_405] : memref<819200x128xf32, #tpu.memory_space<hbm>> -> memref<256x128xf32, #tpu.memory_space<hbm>>
    %dma_start3A_407 = tpu.memref_slice %arg11[%dma_start3A_400] : memref<3x!tpu.dma_semaphore, #tpu.memory_space<semaphore_mem>> -> memref<1x!tpu.dma_semaphore, #tpu.memory_space<semaphore_mem>>
    %dma_start3A_408 = tpu.memref_squeeze %dma_start3A_407 : memref<1x!tpu.dma_semaphore, #tpu.memory_space<semaphore_mem>> -> memref<!tpu.dma_semaphore, #tpu.memory_space<semaphore_mem>>
    %dma_start3A_409 = arith.constant 0 : i32
    %dma_start3A_410 = tpu.memref_slice %arg5[%mul3A_398, %dma_start3A_409] : memref<819200x128xf32, #tpu.memory_space<hbm>> -> memref<256x128xf32, #tpu.memory_space<hbm>>
    %dma_start3A_411 = arith.constant 0 : i32
    %dma_start3A_412 = arith.constant 0 : i32
    %dma_start3A_413 = tpu.memref_slice %arg8[%dma_start3A_399, %dma_start3A_411, %dma_start3A_412] : memref<3x256x128xf32, #tpu.memory_space<vmem>> -> memref<1x256x128xf32, #tpu.memory_space<vmem>>
    %dma_start3A_414 = tpu.memref_squeeze %dma_start3A_413 : memref<1x256x128xf32, #tpu.memory_space<vmem>> -> memref<256x128xf32, #tpu.memory_space<vmem>>
    tpu.enqueue_dma source(%dma_start3A_414 : memref<256x128xf32, #tpu.memory_space<vmem>>) target(%dma_start3A_410 : memref<256x128xf32, #tpu.memory_space<hbm>>) target_semaphore(%dma_start3A_408 : memref<!tpu.dma_semaphore, #tpu.memory_space<semaphore_mem>>)
    %dma_wait3A_415 = arith.constant 0 : i32
    %dma_wait3A_416 = arith.constant 0 : i32
    %dma_wait3A_417 = arith.constant 0 : i32
    %dma_wait3A_418 = arith.constant 0 : i32
    %dma_wait3A_419 = tpu.memref_slice %arg8[%dma_wait3A_415, %dma_wait3A_417, %dma_wait3A_418] : memref<3x256x128xf32, #tpu.memory_space<vmem>> -> memref<1x256x128xf32, #tpu.memory_space<vmem>>
    %dma_wait3A_420 = tpu.memref_squeeze %dma_wait3A_419 : memref<1x256x128xf32, #tpu.memory_space<vmem>> -> memref<256x128xf32, #tpu.memory_space<vmem>>
    %dma_wait3A_421 = arith.constant 0 : i32
    %dma_wait3A_422 = arith.constant 0 : i32
    %dma_wait3A_423 = tpu.memref_slice %arg5[%dma_wait3A_421, %dma_wait3A_422] : memref<819200x128xf32, #tpu.memory_space<hbm>> -> memref<256x128xf32, #tpu.memory_space<hbm>>
    %dma_wait3A_424 = tpu.memref_slice %arg11[%dma_wait3A_416] : memref<3x!tpu.dma_semaphore, #tpu.memory_space<semaphore_mem>> -> memref<1x!tpu.dma_semaphore, #tpu.memory_space<semaphore_mem>>
    %dma_wait3A_425 = tpu.memref_squeeze %dma_wait3A_424 : memref<1x!tpu.dma_semaphore, #tpu.memory_space<semaphore_mem>> -> memref<!tpu.dma_semaphore, #tpu.memory_space<semaphore_mem>>
    %dma_wait3A_426 = arith.constant 0 : i32
    %dma_wait3A_427 = arith.constant 0 : i32
    %dma_wait3A_428 = tpu.memref_slice %arg5[%dma_wait3A_426, %dma_wait3A_427] : memref<819200x128xf32, #tpu.memory_space<hbm>> -> memref<256x128xf32, #tpu.memory_space<hbm>>
    %dma_wait3A_429 = arith.constant 0 : i32
    %dma_wait3A_430 = arith.constant 0 : i32
    %dma_wait3A_431 = tpu.memref_slice %arg8[%dma_wait3A_415, %dma_wait3A_429, %dma_wait3A_430] : memref<3x256x128xf32, #tpu.memory_space<vmem>> -> memref<1x256x128xf32, #tpu.memory_space<vmem>>
    %dma_wait3A_432 = tpu.memref_squeeze %dma_wait3A_431 : memref<1x256x128xf32, #tpu.memory_space<vmem>> -> memref<256x128xf32, #tpu.memory_space<vmem>>
    tpu.wait_dma2 semaphore(%dma_wait3A_425 : memref<!tpu.dma_semaphore, #tpu.memory_space<semaphore_mem>>) src(%dma_wait3A_432 : memref<256x128xf32, #tpu.memory_space<vmem>>) dst(%dma_wait3A_428 : memref<256x128xf32, #tpu.memory_space<hbm>>)
    %dma_wait3A_433 = arith.constant 1 : i32
    %dma_wait3A_434 = arith.constant 1 : i32
    %dma_wait3A_435 = arith.constant 0 : i32
    %dma_wait3A_436 = arith.constant 0 : i32
    %dma_wait3A_437 = tpu.memref_slice %arg8[%dma_wait3A_433, %dma_wait3A_435, %dma_wait3A_436] : memref<3x256x128xf32, #tpu.memory_space<vmem>> -> memref<1x256x128xf32, #tpu.memory_space<vmem>>
    %dma_wait3A_438 = tpu.memref_squeeze %dma_wait3A_437 : memref<1x256x128xf32, #tpu.memory_space<vmem>> -> memref<256x128xf32, #tpu.memory_space<vmem>>
    %dma_wait3A_439 = arith.constant 0 : i32
    %dma_wait3A_440 = arith.constant 0 : i32
    %dma_wait3A_441 = tpu.memref_slice %arg5[%dma_wait3A_439, %dma_wait3A_440] : memref<819200x128xf32, #tpu.memory_space<hbm>> -> memref<256x128xf32, #tpu.memory_space<hbm>>
    %dma_wait3A_442 = tpu.memref_slice %arg11[%dma_wait3A_434] : memref<3x!tpu.dma_semaphore, #tpu.memory_space<semaphore_mem>> -> memref<1x!tpu.dma_semaphore, #tpu.memory_space<semaphore_mem>>
    %dma_wait3A_443 = tpu.memref_squeeze %dma_wait3A_442 : memref<1x!tpu.dma_semaphore, #tpu.memory_space<semaphore_mem>> -> memref<!tpu.dma_semaphore, #tpu.memory_space<semaphore_mem>>
    %dma_wait3A_444 = arith.constant 0 : i32
    %dma_wait3A_445 = arith.constant 0 : i32
    %dma_wait3A_446 = tpu.memref_slice %arg5[%dma_wait3A_444, %dma_wait3A_445] : memref<819200x128xf32, #tpu.memory_space<hbm>> -> memref<256x128xf32, #tpu.memory_space<hbm>>
    %dma_wait3A_447 = arith.constant 0 : i32
    %dma_wait3A_448 = arith.constant 0 : i32
    %dma_wait3A_449 = tpu.memref_slice %arg8[%dma_wait3A_433, %dma_wait3A_447, %dma_wait3A_448] : memref<3x256x128xf32, #tpu.memory_space<vmem>> -> memref<1x256x128xf32, #tpu.memory_space<vmem>>
    %dma_wait3A_450 = tpu.memref_squeeze %dma_wait3A_449 : memref<1x256x128xf32, #tpu.memory_space<vmem>> -> memref<256x128xf32, #tpu.memory_space<vmem>>
    tpu.wait_dma2 semaphore(%dma_wait3A_443 : memref<!tpu.dma_semaphore, #tpu.memory_space<semaphore_mem>>) src(%dma_wait3A_450 : memref<256x128xf32, #tpu.memory_space<vmem>>) dst(%dma_wait3A_446 : memref<256x128xf32, #tpu.memory_space<hbm>>)
    %dma_wait3A_451 = arith.constant 2 : i32
    %dma_wait3A_452 = arith.constant 2 : i32
    %dma_wait3A_453 = arith.constant 0 : i32
    %dma_wait3A_454 = arith.constant 0 : i32
    %dma_wait3A_455 = tpu.memref_slice %arg8[%dma_wait3A_451, %dma_wait3A_453, %dma_wait3A_454] : memref<3x256x128xf32, #tpu.memory_space<vmem>> -> memref<1x256x128xf32, #tpu.memory_space<vmem>>
    %dma_wait3A_456 = tpu.memref_squeeze %dma_wait3A_455 : memref<1x256x128xf32, #tpu.memory_space<vmem>> -> memref<256x128xf32, #tpu.memory_space<vmem>>
    %dma_wait3A_457 = arith.constant 0 : i32
    %dma_wait3A_458 = arith.constant 0 : i32
    %dma_wait3A_459 = tpu.memref_slice %arg5[%dma_wait3A_457, %dma_wait3A_458] : memref<819200x128xf32, #tpu.memory_space<hbm>> -> memref<256x128xf32, #tpu.memory_space<hbm>>
    %dma_wait3A_460 = tpu.memref_slice %arg11[%dma_wait3A_452] : memref<3x!tpu.dma_semaphore, #tpu.memory_space<semaphore_mem>> -> memref<1x!tpu.dma_semaphore, #tpu.memory_space<semaphore_mem>>
    %dma_wait3A_461 = tpu.memref_squeeze %dma_wait3A_460 : memref<1x!tpu.dma_semaphore, #tpu.memory_space<semaphore_mem>> -> memref<!tpu.dma_semaphore, #tpu.memory_space<semaphore_mem>>
    %dma_wait3A_462 = arith.constant 0 : i32
    %dma_wait3A_463 = arith.constant 0 : i32
    %dma_wait3A_464 = tpu.memref_slice %arg5[%dma_wait3A_462, %dma_wait3A_463] : memref<819200x128xf32, #tpu.memory_space<hbm>> -> memref<256x128xf32, #tpu.memory_space<hbm>>
    %dma_wait3A_465 = arith.constant 0 : i32
    %dma_wait3A_466 = arith.constant 0 : i32
    %dma_wait3A_467 = tpu.memref_slice %arg8[%dma_wait3A_451, %dma_wait3A_465, %dma_wait3A_466] : memref<3x256x128xf32, #tpu.memory_space<vmem>> -> memref<1x256x128xf32, #tpu.memory_space<vmem>>
    %dma_wait3A_468 = tpu.memref_squeeze %dma_wait3A_467 : memref<1x256x128xf32, #tpu.memory_space<vmem>> -> memref<256x128xf32, #tpu.memory_space<vmem>>
    tpu.wait_dma2 semaphore(%dma_wait3A_461 : memref<!tpu.dma_semaphore, #tpu.memory_space<semaphore_mem>>) src(%dma_wait3A_468 : memref<256x128xf32, #tpu.memory_space<vmem>>) dst(%dma_wait3A_464 : memref<256x128xf32, #tpu.memory_space<hbm>>)
    return
  }
}

</mosaic_0001>

<sc_bundles>
// kernel: kernel.3.cloned.1.call-start
scs
__scs_entry_jumppad:
0x0: {  	(pc) =	sbr.rel $0x88, $3  }
0x1: {  	(tag) =	ssettag $0x0;
	lr =	simm.s32 $0x1  }
0x2: {  	[smem:$0x3F9E] =	sst lr;
	_ =	strace $0xD0000000  }
0x3: {  	_ = 	snop  }
0x4: {  	_ = 	snop  }
0x5: {  	_ = 	snop  }
0x6: {  	_ = 	snop  }
0x7: {  	_ = 	snop  }
__scs_overlays_trampoline_lowered:
0x8: {  	[smem:$0x3FAD] =	sst s0  }
0x9: {  	[smem:$0x3FAE] =	sst s1  }
0xa: {  	[smem:$0x3FAF] =	sst s2  }
0xb: {  	[smem:$0x3FB0] =	sst s3  }
0xc: {  	[smem:$0x3FB1] =	sst s4  }
0xd: {  	[smem:$0x3FB2] =	sst s5  }
0xe: {  	[smem:$0x3FB3] =	sst s6  }
0xf: {  	[smem:$0x3FB4] =	sst s7  }
0x10: {  	[smem:$0x3FB5] =	sst s8  }
0x11: {  	[smem:$0x3FB6] =	sst s9;
	s0 =	simm.s32 @!p0 $0x0  }
0x12: {  	s1 =	sld [smem:$0x3F9C];
	s0 =	simm.s32 @p0 $0x1  }
0x13: {  	[smem:$0x3FB7] =	sst s0;
	s0 =	simm.s32 @!p1 $0x0  }
0x14: {  	s2 =	sld [smem:$0x3F9B];
	s0 =	simm.s32 @p1 $0x1  }
0x15: {  	[smem:$0x3FB8] =	sst s0;
	s0 =	simm.s32 @!p2 $0x0  }
0x16: {  	s3 =	sld [smem:$0x3FDB];
	s0 =	simm.s32 @p2 $0x1  }
0x17: {  	s4 =	simm.s32 $0x1BF5;
	[smem:$0x3FBA] =	sst s0  }
0x18: {  	s0 =	sld [smem:$0x3F9D];
	_ =	swait.ge [sflag:s4], $0x0  }
0x19: {  	s7 =	sld [smem:$0x3F9E]  }
0x1a: {  	s8 =	sadd.s32 $0xFFFFE003, lr  }
0x1b: {  	s9 =	sadd.s32 $0xFFFFFEF7, lr;
	s5 =	simm.s32 $0xFFFFFFFF;
	p2 =	slt.u32 s8, $0xFFFFF086  }
0x1c: {  	p1 =	slt.u32 s9, $0xF7A;
	s5 =	simm.s32 @!p2 $0x0  }
0x1d: {  	s5 =	simm.s32 @p1 $0x1;
	p0 =	seq.s32 s7, s2  }
0x1e: {  	s7 =	smul.u32 @!p0 $0xF7A, s2;
	p2 =	seq.s32 @!p0 s5, $0x0  }
0x1f: {  	s9 =	smul.u32 $0xF7A, s1;
	s8 =	simm.s32 @!p0 $0x1BF5;
	p2 =	por !p2, p0  }
0x20: {  	[sflag:s8] =	ssyncset.s32 @!p0 $0xFFFFF086;
	s6 =	sadd.s32 @!p0 s3, s7;
	s7 =	simm.s32 @!p0 $0x108  }
0x21: {  	s3 =	sadd.s32 s3, s9;
	s6 =	sadd.s32 @!p0 $0x88, s6;
	s7 =	simm.s32 @p2 $0x1082  }
0x22: {  	[simem:s7], [sflag:s8] =	dma.local @!p0 [hbm:s6], $0xF7A  }
0x23: {  	s9 =	sor.u32 $0xD0000000, s2;
	s6 =	simm.s32 $0x108;
	_ =	swait.ge @!p0 [sflag:s8], $0x0  }
0x24: {  	s3 =	sadd.s32 $0x88, s3;
	s6 =	simm.s32 @!p1 $0x1082;
	[sflag:s4] =	ssyncset.s32 $0xFFFFF086  }
0x25: {  	[simem:s6], [sflag:s4] =	dma.local [hbm:s3], $0xF7A  }
0x26: {  	[smem:$0x3F9E] =	sst s1;
	(tag) =	ssettag s2;
	_ =	strace s9  }
0x27: {  	s1 =	sld [smem:$0x3FAE]  }
0x28: {  	s2 =	sld [smem:$0x3FAF]  }
0x29: {  	s4 =	sld [smem:$0x3FB1]  }
0x2a: {  	p0 =	seq.s32 s5, $0x0;
	s5 =	sld [smem:$0x3FB2]  }
0x2b: {  	s6 =	sld [smem:$0x3FB3]  }
0x2c: {  	s7 =	sld [smem:$0x3FB4]  }
0x2d: {  	s3 =	simm.s32 $0x108;
	s8 =	sld [smem:$0x3FB5]  }
0x2e: {  	s3 =	simm.s32 @!p0 $0x1082;
	s9 =	sld [smem:$0x3FB6]  }
0x2f: {  	lr =	sadd.s32 s0, s3;
	s0 =	sld [smem:$0x3FAD]  }
0x30: {  	s3 =	sld [smem:$0x3FB0]  }
0x31: {  	[smem:$0x3FB9] =	sst s10  }
0x32: {  	s10 =	sld [smem:$0x3FB7];
	_ =	sdelay $0x3  }
0x33: {  	p0 =	seq.s32 s10, $0x1;
	s10 =	sld [smem:$0x3FB9];
	_ =	sdelay $0x3  }
0x34: {  	[smem:$0x3FB9] =	sst s10  }
0x35: {  	s10 =	sld [smem:$0x3FB8];
	_ =	sdelay $0x3  }
0x36: {  	p1 =	seq.s32 s10, $0x1;
	s10 =	sld [smem:$0x3FB9];
	_ =	sdelay $0x3  }
0x37: {  	[smem:$0x3FB9] =	sst s10  }
0x38: {  	s10 =	sld [smem:$0x3FBA]  }
0x39: {  	_ = 	snop;
	(pc) =	sbr.ind lr, $3  }
0x3a: {  	_ = 	snop  }
0x3b: {  	_ = 	snop  }
0x3c: {  	p2 =	seq.s32 s10, $0x1;
	s10 =	sld [smem:$0x3FB9]  }
0x3d: {  	_ =	shalt  }
0x3e: {  	_ =	shalt  }
0x3f: {  	_ =	shalt  }
0x40: {  	_ =	shalt  }
0x41: {  	_ =	shalt  }
0x42: {  	_ =	shalt  }
0x43: {  	_ =	shalt  }
0x44: {  	_ =	shalt  }
0x45: {  	_ =	shalt  }
0x46: {  	_ =	shalt  }
0x47: {  	_ =	shalt  }
0x48: {  	_ =	shalt  }
0x49: {  	_ =	shalt  }
0x4a: {  	_ =	shalt  }
0x4b: {  	_ =	shalt  }
0x4c: {  	_ =	shalt  }
0x4d: {  	_ =	shalt  }
0x4e: {  	_ =	shalt  }
0x4f: {  	_ =	shalt  }
0x50: {  	_ =	shalt  }
0x51: {  	_ =	shalt  }
0x52: {  	_ =	shalt  }
0x53: {  	_ =	shalt  }
0x54: {  	_ =	shalt  }
0x55: {  	_ =	shalt  }
0x56: {  	_ =	shalt  }
0x57: {  	_ =	shalt  }
0x58: {  	_ =	shalt  }
0x59: {  	_ =	shalt  }
0x5a: {  	_ =	shalt  }
0x5b: {  	_ =	shalt  }
0x5c: {  	_ =	shalt  }
0x5d: {  	_ =	shalt  }
0x5e: {  	_ =	shalt  }
0x5f: {  	_ =	shalt  }
0x60: {  	_ =	shalt  }
0x61: {  	_ =	shalt  }
0x62: {  	_ =	shalt  }
0x63: {  	_ =	shalt  }
0x64: {  	_ =	shalt  }
0x65: {  	_ =	shalt  }
0x66: {  	_ =	shalt  }
0x67: {  	_ =	shalt  }
0x68: {  	_ =	shalt  }
0x69: {  	_ =	shalt  }
0x6a: {  	_ =	shalt  }
0x6b: {  	_ =	shalt  }
0x6c: {  	_ =	shalt  }
0x6d: {  	_ =	shalt  }
0x6e: {  	_ =	shalt  }
0x6f: {  	_ =	shalt  }
0x70: {  	_ =	shalt  }
0x71: {  	_ =	shalt  }
0x72: {  	_ =	shalt  }
0x73: {  	_ =	shalt  }
0x74: {  	_ =	shalt  }
0x75: {  	_ =	shalt  }
0x76: {  	_ =	shalt  }
0x77: {  	_ =	shalt  }
0x78: {  	_ =	shalt  }
0x79: {  	_ =	shalt  }
0x7a: {  	_ =	shalt  }
0x7b: {  	_ =	shalt  }
0x7c: {  	_ =	shalt  }
0x7d: {  	_ =	shalt  }
0x7e: {  	_ =	shalt  }
0x7f: {  	_ =	shalt  }
0x80: {  	_ =	shalt  }
0x81: {  	_ =	shalt  }
0x82: {  	_ =	shalt  }
0x83: {  	_ =	shalt  }
0x84: {  	_ =	shalt  }
0x85: {  	_ =	shalt  }
0x86: {  	_ =	shalt  }
0x87: {  	_ =	shalt  }
.Lfunc_end0:
.L_simem_size_0:
called_computation_lowered:
.L_overlay_start_0:
0x88: {  	s2 =	sld [smem:$0x3FD9]  }
0x89: {  	s3 =	sld [smem:$0x3FFE];
	_ =	sdelay $0x1  }
0x8a: {  	s1 =	srdreg.scid  }
0x8b: {  	s0 =	sand.u32 $0x1, s1  }
0x8c: {  	s17 =	sshll.u32 s0, $0xA;
	s2 =	sadd.s32 s3, s2  }
0x8d: {  	s2 =	sadd.s32 s2, s17  }
0x8e: {  	[smem:$0x3FC5] =	sst s2  }
0x8f: {  	_ = 	snop  }
0x90: {  	s2 =	sld [smem:$0x3FC9]  }
0x91: {  	s18 =	sld [smem:$0x3FC7]  }
0x92: {  	s4 =	sld [smem:$0x3FD0];
	(tm) =	ssettm $0x1  }
0x93: {  	s5 =	sld [smem:$0x3FFB];
	_ =	sdelay $0x3  }
0x94: {  	_ =	strace s5  }
0x95: {  	s5 =	sld [smem:$0x3FFC];
	_ =	sdelay $0x3  }
0x96: {  	_ =	strace s5  }
0x97: {  	s5 =	sld [smem:$0x3FFD];
	_ =	sdelay $0x3  }
0x98: {  	_ =	strace s5  }
0x99: {  	_ =	strace $0x8FFFFFFF  }
0x9a: {  	s19 =	sld [smem:$0x3FDB];
	_ =	sdelay $0x1  }
0x9b: {  	s6 =	simm.s32 $_scs_section_size  }
0x9c: {  	s7 =	simm.s32 $_size__tile_overlayer_lowered;
	s8 =	simm.s32 $_tile_overlayer_lowered  }
0x9d: {  	s22 =	simm.s32 $0x1BFF;
	s21 =	sshll.u32 s8, $0x1;
	s5 =	sadd.s32 s6, s19  }
0x9e: {  	s9 =	simm.s32 $0x0;
	s20 =	sshll.u32 s7, $0x1;
	s7 =	sadd.s32 s21, s5  }
0x9f: {  	[timem:s9], [sflag:s22] =	dma.local [hbm:s7], s20  }
0xa0: {  	_ =	swait.ge [sflag:s22], s20  }
0xa1: {  	s6 =	ssub.s32 $0x0, s20;
	[sflag:s22] =	ssyncset.done $0x0  }
0xa2: {  	[sflag:s22] =	ssyncadd.s32 s6;
	_ =	sdelay $0x1  }
0xa3: {  	s23 =	simm.s32 $0x1B8B  }
0xa4: {  	_ =	swait.ge [sflag:s23], $0x1  }
0xa5: {  	[sflag:s23] =	ssyncset.done $0x0  }
0xa6: {  	s25 =	simm.s32 $0x1B8E;
	s24 =	sld [smem:$0x3FFE];
	[sflag:s23] =	ssyncadd.s32 $0xFFFFFFFF  }
0xa7: {  	s26 =	simm.s32 $execute0_lowered;
	[smem:$0x3FD2] =	sst s25  }
0xa8: {  	s7 =	sshll.u32 s26, $0x1;
	_ =	strace $0x80000046;
	[dreg:$0x1] =	wrdreg $0xFFFFFFFF  }
0xa9: {  	s28 =	simm.s32 $_size_execute0_lowered;
	s5 =	sadd.s32 s5, s7;
	[dreg:$0x0] =	wrdreg $0x0  }
0xaa: {  	s7 =	sshll.u32 s28, $0x1;
	[dreg:$0x2] =	wrdreg s5  }
0xab: {  	[dreg:$0x3] =	wrdreg s7  }
0xac: {  	[dreg:$0x4] =	wrdreg $0xC0  }
0xad: {  	_ =	task [dreg:s9], $0x5FFFF  }
0xae: {  	[dreg:$0x1] =	wrdreg $0xFFFFFFFF  }
0xaf: {  	[dreg:$0x0] =	wrdreg $0x60  }
0xb0: {  	[dreg:$0x2] =	wrdreg s2  }
0xb1: {  	[dreg:$0x3] =	wrdreg s24  }
0xb2: {  	[dreg:$0x4] =	wrdreg s18  }
0xb3: {  	[dreg:$0x5] =	wrdreg s4  }
0xb4: {  	[dreg:$0x6] =	wrdreg $0x0  }
0xb5: {  	[dreg:$0x7] =	wrdreg $0x9  }
0xb6: {  	_ =	task.clear_ibuf [dreg:s9], $0x8FFFF;
	_ =	strace $0x90000046  }
0xb7: {  	s29 =	simm.s32 $0x9;
	_ =	strace $0x80000048  }
0xb8: {  	_ =	swait.ge [sflag:s29], $0x1  }
0xb9: {  	[sflag:s29] =	ssyncadd.s32 $0xFFFFFFFF  }
0xba: {  	_ =	strace $0x90000048  }
0xbb: {  	_ =	sfence  }
0xbc: {  	s30 =	sld [smem:$0x0];
	_ =	sdelay $0x2  }
0xbd: {  	s31 =	sshll.u32 s1, $0xD;
	s1 =	sshrl.u32 s1, $0x2  }
0xbe: {  	s3 =	sand.u32 $0x4000, s31;
	s1 =	sadd.s32 s1, s30  }
0xbf: {  	s0 =	sor.u32 s3, s0;
	s1 =	sshll.u32 s1, $0x11  }
0xc0: {  	s0 =	sor.u32 s1, s0  }
0xc1: {  	s0 =	sadd.s32 $0x8F2B, s0  }
0xc2: {  	[sflag:s0] =	ssyncadd.remote.s32 $0x1  }
0xc3: {  	_ =	sfence.sel $0xFFFF  }
0xc4: {  	[dreg:$0x0] =	wrdreg $0xFFFFFFFF;
	(pc) =	sbr.abs _section_cstart, $3  }
0xc5: {  	[dreg:$0x1] =	wrdreg $0xFFFFFFFF  }
0xc6: {  	_ =	task.clear_ibuf [dreg:s9], $0x2FFFF;
	_ =	strace $0x9FFFFFFF  }
0xc7: {  	(tm) =	ssettm $0x7FFFFFFF  }
tec
execute0_lowered:
.L_overlay_start_1:
0x0: {  	(tag) =	ssettag $0x1  }
0x1: {  	s0 =	rddreg [dreg:$0x0]  }
0x2: {  	s1 =	rddreg [dreg:$0x1];
	s2 =	srdreg.scid  }
0x3: {  	s4 =	stileid.u32;
	s7 =	rddreg [dreg:$0x3];
	s3 =	simm.s32 $0x0  }
0x4: {  	s15 =	simm.s32 $0xA;
	s28 =	simm.s32 $0x3;
	s11 =	smul.u32 $0xC8, s4  }
0x5: {  	s29 =	simm.s32 $0x1A588;
	s6 =	sand.u32 $0x1, s2;
	s23 =	smul.u32 $0xC8000, s4  }
0x6: {  	s30 =	simm.s32 $0x7;
	s16 =	sshll.u32 s4, $0x1;
	s12 =	smul.u32 $0x64, s6  }
0x7: {  	s2 =	rddreg [dreg:$0x4];
	s5 =	sor.u32 s6, s16;
	s24 =	smul.u32 $0x64000, s6  }
0x8: {  	s31 =	simm.s32 $0x6;
	[smem:$0x7FF] =	sst s3;
	s8 =	smul.u32 $0xC80, s5  }
0x9: {  	p0 =	sne.s32 s4, $0x0;
	_ =	strace $0x80000047;
	s9 =	smul.u32 $0x64000, s5  }
0xa: {  	s17 =	ssub.s32 $0x2, s6;
	s16 =	simm.s32 $0x6588;
	s10 =	smul.u32 $0x320000, s5  }
0xb: {  	s18 =	sshrl.u32 s17, $0x1;
	s26 =	sadd.s32 s23, s7;
	s23 =	simm.s32 $0x2  }
0xc: {  	s13 =	ssub.s32 s17, s18;
	s21 =	sadd.s32 s12, s11;
	s11 =	sadd.s32 s24, s26  }
0xd: {  	s17 =	simm.s32 $0xE588;
	s18 =	simm.s32 $0x1;
	s24 =	simm.s32 $0x12588  }
0xe: {  	s26 =	simm.s32 $0x5;
	s1 =	sadd.s32 s8, s1;
	s19 =	sadd.s32 s0, s9  }
0xf: {  	s20 =	sshrl.u32 s10, $0x3;
	s22 =	sshll.u32 s21, $0xC;
	s25 =	smax.u32 s13, $0x1  }
0x10: {  	s13 =	sshrl.u32 @!p0 s2, $0x3;
	s21 =	simm.s32 $0xA588;
	[dreg:$0x7] =	wrdreg s19  }
0x11: {  	s1 =	sadd.s32 $0x400, s1;
	s8 =	sadd.s32 s22, s0;
	[dreg:$0xa] =	wrdreg s25  }
.Ltmp0:
0x12: {  	s12 =	sadd.s32 s22, s7;
	s22 =	simm.s32 $0x4;
	(pc) =	sbr.rel .LBB2_1-.Ltmp0, $4  }
0x13: {  	s25 =	simm.s32 $0x16588;
	[dreg:$0x6] =	wrdreg s1;
	s1 =	sadd.s32 $0x1000, s19  }
0x14: {  	s0 =	simm.s32 $0x9;
	[dreg:$0x8] =	wrdreg s1;
	s1 =	sadd.s32 s7, s20  }
0x15: {  	s10 =	sadd.s32 $0x4000, s8;
	s19 =	simm.s32 $0x80;
	s1 =	sadd.s32 $0x63000, s1  }
0x16: {  	s20 =	simm.s32 $0x0;
	[dreg:$0x9] =	wrdreg s1;
	s1 =	simm.s32 $0x8  }
.LBB2_4:
0x17: {  	_ =	swait.ge [sflag:s22], $0x4000  }
0x18: {  	[sflag:s22] =	ssyncset.done $0x0  }
0x19: {  	[sflag:s22] =	ssyncadd.s32 $0xFFFFC000  }
0x1a: {  	_ =	swait.ge [sflag:s22], $0x4000  }
0x1b: {  	[sflag:s22] =	ssyncset.done $0x0  }
0x1c: {  	s4 =	rddreg [dreg:$0x9];
	[sflag:s22] =	ssyncadd.s32 $0xFFFFC000  }
0x1d: {  	[hbm4b:s4+s3] =	stream.linear.scatter [tilespmem:s16], [sflag:$0x7], $0x8000, $0x38;
	[tilespmem:$0x1E588] =	vst v63  }
0x1e: {  	_ =	swait.ge [sflag:s30], $0x8000  }
0x1f: {  	[sflag:s30] =	ssyncset.done $0x0  }
0x20: {  	[sflag:s30] =	ssyncadd.s32 $0xFFFF8000  }
0x21: {  	_ =	swait.ge [sflag:s1], $0x8000  }
0x22: {  	[sflag:s1] =	ssyncset.done $0x0  }
0x23: {  	[sflag:s1] =	ssyncadd.s32 $0xFFFF8000  }
0x24: {  	_ =	swait.ge [sflag:s0], $0x8000  }
0x25: {  	s20 =	sadd.s32 $0x1, s20;
	s14 =	rddreg [dreg:$0xa]  }
0x26: {  	p1 =	sne.s32 s20, s14  }
.Ltmp1:
0x27: {  	_ = 	snop;
	(pc) =	sbr.rel @!p1 .LBB2_5-.Ltmp1, $3  }
0x28: {  	_ =	sdelay $0x1  }
0x29: {  	[sflag:s0] =	ssyncset.done $0x0  }
0x2a: {  	[sflag:s0] =	ssyncadd.s32 $0xFFFF8000  }
.LBB2_1:
0x2b: {  	s4 =	simm.s32 @!p0 $0x1C0A;
	s5 =	rddreg [dreg:$0x2]  }
0x2c: {  	[spmem:s13], [sflag:s4] =	dma.local @!p0 [hbm:s5], $0x310  }
0x2d: {  	s4 =	simm.s32 @!p0 $0xA  }
0x2e: {  	_ =	swait.ge @!p0 [sflag:s4], $0x310  }
0x2f: {  	[sflag:s4] =	ssyncset.done @!p0 $0x0  }
0x30: {  	[sflag:s4] =	ssyncadd.s32 @!p0 $0xFFFFFCF0  }
0x31: {  	[bflag:$0x0] =	sbarrier.arrive $0xFFFF  }
0x32: {  	s6 =	simm.s32 $0x188;
	s5 =	rddreg [dreg:$0x6]  }
0x33: {  	[tilespmem:s6], [sflag:$0xA] =	stream.linear.gather [hbm4b:s5+s3], $0x6400, $0x38;
	[tilespmem:$0x1E588] =	vst v63  }
0x34: {  	_ =	swait.ge [sflag:s15], $0x6400  }
0x35: {  	[sflag:s15] =	ssyncset.done $0x0  }
0x36: {  	s7 =	rddreg [dreg:$0x7];
	[sflag:s15] =	ssyncadd.s32 $0xFFFF9C00  }
0x37: {  	[tilespmem:s16], [sflag:$0x1] =	stream.linear.gather [hbm4b:s7+s3], $0x8000, $0x38;
	[tilespmem:$0x1E588] =	vst v63  }
0x38: {  	s9 =	rddreg [dreg:$0x8]  }
0x39: {  	[tilespmem:s17], [sflag:$0x2] =	stream.linear.gather [hbm4b:s9+s3], $0x8000, $0x38;
	[tilespmem:$0x1E588] =	vst v63  }
0x3a: {  	_ =	swait.ge [sflag:s18], $0x8000  }
0x3b: {  	[sflag:s18] =	ssyncset.done $0x0  }
0x3c: {  	[sflag:s18] =	ssyncadd.s32 $0xFFFF8000  }
0x3d: {  	v0 =	vld [tilespmem:$0x188]  }
0x3e: {  	v1 =	vld [tilespmem:$0x198]  }
0x3f: {  	v2 =	vld [tilespmem:$0x1A8]  }
0x40: {  	v3 =	vld [tilespmem:$0x1B8]  }
0x41: {  	v4 =	vld [tilespmem:$0x1C8]  }
0x42: {  	v5 =	vld [tilespmem:$0x1D8];
	vm0 =	veq.s32 v0, $0xFFFFFFFF  }
0x43: {  	v6 =	vld [tilespmem:$0x1E8];
	vm13 =	veq.s32 v1, $0xFFFFFFFF;
	v0 =	vsel vm0, $0x30, v0  }
0x44: {  	v42 =	vld [tilespmem:$0x1F8];
	vm14 =	veq.s32 v2, $0xFFFFFFFF;
	v41 =	vsel vm13, $0x30, v1;
	[tilespmem:$0x188] =	vst v0  }
0x45: {  	vm15 =	veq.s32 v3, $0xFFFFFFFF;
	v43 =	vsel vm14, $0x30, v2;
	[tilespmem:$0x198] =	vst v41  }
0x46: {  	vm4 =	veq.s32 v4, $0xFFFFFFFF;
	v44 =	vsel vm15, $0x30, v3;
	[tilespmem:$0x1A8] =	vst v43  }
0x47: {  	vm5 =	veq.s32 v5, $0xFFFFFFFF;
	v45 =	vsel vm4, $0x30, v4;
	[tilespmem:$0x1B8] =	vst v44  }
0x48: {  	vm6 =	veq.s32 v6, $0xFFFFFFFF;
	v46 =	vsel vm5, $0x30, v5;
	[tilespmem:$0x1C8] =	vst v45  }
0x49: {  	vm7 =	veq.s32 v42, $0xFFFFFFFF;
	v47 =	vsel vm6, $0x30, v6;
	[tilespmem:$0x1D8] =	vst v46  }
0x4a: {  	v48 =	vsel vm7, $0x30, v42;
	[tilespmem:$0x1E8] =	vst v47  }
0x4b: {  	[tilespmem:$0x1F8] =	vst v48  }
0x4c: {  	[tilespmem:s16], [sflag:$0x4] =	stream.indirect.gather.add.f32 [spmem:s2], $0x80, s6, s19, $0xb8;
	[tilespmem:$0x1E588] =	vst v63  }
0x4d: {  	v49 =	vld [tilespmem:$0x208]  }
0x4e: {  	v50 =	vld [tilespmem:$0x218]  }
0x4f: {  	v51 =	vld [tilespmem:$0x228]  }
0x50: {  	v52 =	vld [tilespmem:$0x238]  }
0x51: {  	v53 =	vld [tilespmem:$0x248]  }
0x52: {  	v54 =	vld [tilespmem:$0x258];
	vm8 =	veq.s32 v49, $0xFFFFFFFF  }
0x53: {  	v55 =	vld [tilespmem:$0x268];
	vm9 =	veq.s32 v50, $0xFFFFFFFF;
	v0 =	vsel vm8, $0x30, v49  }
0x54: {  	v57 =	vld [tilespmem:$0x278];
	vm10 =	veq.s32 v51, $0xFFFFFFFF;
	v56 =	vsel vm9, $0x30, v50;
	[tilespmem:$0x208] =	vst v0  }
0x55: {  	vm11 =	veq.s32 v52, $0xFFFFFFFF;
	v58 =	vsel vm10, $0x30, v51;
	[tilespmem:$0x218] =	vst v56  }
0x56: {  	vm12 =	veq.s32 v53, $0xFFFFFFFF;
	v59 =	vsel vm11, $0x30, v52;
	[tilespmem:$0x228] =	vst v58  }
0x57: {  	vm13 =	veq.s32 v54, $0xFFFFFFFF;
	v60 =	vsel vm12, $0x30, v53;
	[tilespmem:$0x238] =	vst v59  }
0x58: {  	vm14 =	veq.s32 v55, $0xFFFFFFFF;
	v61 =	vsel vm13, $0x30, v54;
	[tilespmem:$0x248] =	vst v60  }
0x59: {  	vm15 =	veq.s32 v57, $0xFFFFFFFF;
	v62 =	vsel vm14, $0x30, v55;
	[tilespmem:$0x258] =	vst v61  }
0x5a: {  	v63 =	vsel vm15, $0x30, v57;
	[tilespmem:$0x268] =	vst v62  }
0x5b: {  	s14 =	simm.s32 $0x208;
	s4 =	simm.s32 $0x0;
	s6 =	simm.s32 $0x0;
	[tilespmem:$0x278] =	vst v63  }
0x5c: {  	[tilespmem:s21], [sflag:$0x4] =	stream.indirect.gather.add.f32 [spmem:s2], $0x80, s14, s19, $0xb8;
	[tilespmem:$0x1E588] =	vst v63  }
.LBB2_2:
0x5d: {  	_ =	swait.ge [sflag:s22], $0x4000  }
0x5e: {  	[sflag:s22] =	ssyncset.done $0x0  }
0x5f: {  	[sflag:s22] =	ssyncadd.s32 $0xFFFFC000  }
0x60: {  	_ =	swait.ge [sflag:s22], $0x4000  }
0x61: {  	[sflag:s22] =	ssyncset.done $0x0  }
0x62: {  	s7 =	sadd.s32 s6, s11;
	[sflag:s22] =	ssyncadd.s32 $0xFFFFC000  }
0x63: {  	[hbm4b:s7+s3] =	stream.linear.scatter [tilespmem:s16], [sflag:$0x7], $0x8000, $0x38;
	[tilespmem:$0x1E588] =	vst v63  }
0x64: {  	_ =	swait.ge [sflag:s23], $0x8000  }
0x65: {  	[sflag:s23] =	ssyncset.done $0x0  }
0x66: {  	s7 =	sshra.s32 s4, $0x2;
	[sflag:s23] =	ssyncadd.s32 $0xFFFF8000  }
0x67: {  	v0 =	vld [tilespmem:s7+$0x288]  }
0x68: {  	v1 =	vld [tilespmem:s7+$0x298]  }
0x69: {  	v2 =	vld [tilespmem:s7+$0x2A8]  }
0x6a: {  	v3 =	vld [tilespmem:s7+$0x2B8]  }
0x6b: {  	v4 =	vld [tilespmem:s7+$0x2C8]  }
0x6c: {  	v5 =	vld [tilespmem:s7+$0x2D8];
	vm0 =	veq.s32 v0, $0xFFFFFFFF  }
0x6d: {  	v6 =	vld [tilespmem:s7+$0x2E8];
	vm5 =	veq.s32 v1, $0xFFFFFFFF;
	v0 =	vsel vm0, $0x30, v0  }
0x6e: {  	v37 =	vld [tilespmem:s7+$0x2F8];
	vm6 =	veq.s32 v2, $0xFFFFFFFF;
	v36 =	vsel vm5, $0x30, v1;
	[tilespmem:s7+$0x288] =	vst v0  }
0x6f: {  	vm7 =	veq.s32 v3, $0xFFFFFFFF;
	v38 =	vsel vm6, $0x30, v2;
	[tilespmem:s7+$0x298] =	vst v36  }
0x70: {  	vm8 =	veq.s32 v4, $0xFFFFFFFF;
	v39 =	vsel vm7, $0x30, v3;
	[tilespmem:s7+$0x2A8] =	vst v38  }
0x71: {  	vm9 =	veq.s32 v5, $0xFFFFFFFF;
	v40 =	vsel vm8, $0x30, v4;
	[tilespmem:s7+$0x2B8] =	vst v39  }
0x72: {  	vm10 =	veq.s32 v6, $0xFFFFFFFF;
	v41 =	vsel vm9, $0x30, v5;
	[tilespmem:s7+$0x2C8] =	vst v40  }
0x73: {  	vm11 =	veq.s32 v37, $0xFFFFFFFF;
	v42 =	vsel vm10, $0x30, v6;
	[tilespmem:s7+$0x2D8] =	vst v41  }
0x74: {  	v43 =	vsel vm11, $0x30, v37;
	[tilespmem:s7+$0x2E8] =	vst v42  }
0x75: {  	s9 =	sadd.s32 $0x288, s7;
	[tilespmem:s7+$0x2F8] =	vst v43  }
0x76: {  	[tilespmem:s17], [sflag:$0x5] =	stream.indirect.gather.add.f32 [spmem:s2], $0x80, s9, s19, $0xb8;
	[tilespmem:$0x1E588] =	vst v63  }
0x77: {  	v44 =	vld [tilespmem:s7+$0x308]  }
0x78: {  	v45 =	vld [tilespmem:s7+$0x318]  }
0x79: {  	v46 =	vld [tilespmem:s7+$0x328]  }
0x7a: {  	v47 =	vld [tilespmem:s7+$0x338]  }
0x7b: {  	v48 =	vld [tilespmem:s7+$0x348]  }
0x7c: {  	v49 =	vld [tilespmem:s7+$0x358];
	vm12 =	veq.s32 v44, $0xFFFFFFFF  }
0x7d: {  	v50 =	vld [tilespmem:s7+$0x368];
	vm13 =	veq.s32 v45, $0xFFFFFFFF;
	v0 =	vsel vm12, $0x30, v44  }
0x7e: {  	v52 =	vld [tilespmem:s7+$0x378];
	vm14 =	veq.s32 v46, $0xFFFFFFFF;
	v51 =	vsel vm13, $0x30, v45;
	[tilespmem:s7+$0x308] =	vst v0  }
0x7f: {  	vm15 =	veq.s32 v47, $0xFFFFFFFF;
	v53 =	vsel vm14, $0x30, v46;
	[tilespmem:s7+$0x318] =	vst v51  }
0x80: {  	vm4 =	veq.s32 v48, $0xFFFFFFFF;
	v54 =	vsel vm15, $0x30, v47;
	[tilespmem:s7+$0x328] =	vst v53  }
0x81: {  	vm5 =	veq.s32 v49, $0xFFFFFFFF;
	v55 =	vsel vm4, $0x30, v48;
	[tilespmem:s7+$0x338] =	vst v54  }
0x82: {  	vm6 =	veq.s32 v50, $0xFFFFFFFF;
	v56 =	vsel vm5, $0x30, v49;
	[tilespmem:s7+$0x348] =	vst v55  }
0x83: {  	vm7 =	veq.s32 v52, $0xFFFFFFFF;
	v57 =	vsel vm6, $0x30, v50;
	[tilespmem:s7+$0x358] =	vst v56  }
0x84: {  	v58 =	vsel vm7, $0x30, v52;
	[tilespmem:s7+$0x368] =	vst v57  }
0x85: {  	p1 =	seq.s32 s4, $0x0;
	s14 =	sadd.s32 $0x308, s7;
	[tilespmem:s7+$0x378] =	vst v58  }
0x86: {  	[tilespmem:s24], [sflag:$0x5] =	stream.indirect.gather.add.f32 [spmem:s2], $0x80, s14, s19, $0xb8;
	[tilespmem:$0x1E588] =	vst v63  }
0x87: {  	s14 =	simm.s32 @!p1 $0x9  }
0x88: {  	_ =	swait.ge @!p1 [sflag:s14], $0x8000  }
0x89: {  	s9 =	sadd.s32 s6, s8;
	[sflag:s14] =	ssyncset.done @!p1 $0x0  }
0x8a: {  	s5 =	sadd.s32 $0x2000, s9;
	[sflag:s14] =	ssyncadd.s32 @!p1 $0xFFFF8000  }
0x8b: {  	[tilespmem:s25], [sflag:$0x3] =	stream.linear.gather [hbm4b:s5+s3], $0x8000, $0x38;
	[tilespmem:$0x1E588] =	vst v63  }
0x8c: {  	_ =	swait.ge [sflag:s26], $0x4000  }
0x8d: {  	[sflag:s26] =	ssyncset.done $0x0  }
0x8e: {  	[sflag:s26] =	ssyncadd.s32 $0xFFFFC000  }
0x8f: {  	_ =	swait.ge [sflag:s26], $0x4000  }
0x90: {  	s14 =	sadd.s32 s6, s12;
	[sflag:s26] =	ssyncset.done $0x0  }
0x91: {  	s5 =	sadd.s32 $0x1000, s14;
	[sflag:s26] =	ssyncadd.s32 $0xFFFFC000  }
0x92: {  	[hbm4b:s5+s3] =	stream.linear.scatter [tilespmem:s17], [sflag:$0x8], $0x8000, $0x38;
	[tilespmem:$0x1E588] =	vst v63  }
0x93: {  	_ =	swait.ge [sflag:s28], $0x8000  }
0x94: {  	[sflag:s28] =	ssyncset.done $0x0  }
0x95: {  	[sflag:s28] =	ssyncadd.s32 $0xFFFF8000  }
0x96: {  	v59 =	vld [tilespmem:s7+$0x388]  }
0x97: {  	v60 =	vld [tilespmem:s7+$0x398]  }
0x98: {  	v61 =	vld [tilespmem:s7+$0x3A8]  }
0x99: {  	v62 =	vld [tilespmem:s7+$0x3B8]  }
0x9a: {  	v63 =	vld [tilespmem:s7+$0x3C8]  }
0x9b: {  	v9 =	vld [tilespmem:s7+$0x3D8];
	vm8 =	veq.s32 v59, $0xFFFFFFFF  }
0x9c: {  	v10 =	vld [tilespmem:s7+$0x3E8];
	vm9 =	veq.s32 v60, $0xFFFFFFFF;
	v0 =	vsel vm8, $0x30, v59  }
0x9d: {  	v12 =	vld [tilespmem:s7+$0x3F8];
	vm10 =	veq.s32 v61, $0xFFFFFFFF;
	v11 =	vsel vm9, $0x30, v60;
	[tilespmem:s7+$0x388] =	vst v0  }
0x9e: {  	vm11 =	veq.s32 v62, $0xFFFFFFFF;
	v13 =	vsel vm10, $0x30, v61;
	[tilespmem:s7+$0x398] =	vst v11  }
0x9f: {  	vm12 =	veq.s32 v63, $0xFFFFFFFF;
	v14 =	vsel vm11, $0x30, v62;
	[tilespmem:s7+$0x3A8] =	vst v13  }
0xa0: {  	vm13 =	veq.s32 v9, $0xFFFFFFFF;
	v15 =	vsel vm12, $0x30, v63;
	[tilespmem:s7+$0x3B8] =	vst v14  }
0xa1: {  	vm14 =	veq.s32 v10, $0xFFFFFFFF;
	v16 =	vsel vm13, $0x30, v9;
	[tilespmem:s7+$0x3C8] =	vst v15  }
0xa2: {  	vm15 =	veq.s32 v12, $0xFFFFFFFF;
	v17 =	vsel vm14, $0x30, v10;
	[tilespmem:s7+$0x3D8] =	vst v16  }
0xa3: {  	v18 =	vsel vm15, $0x30, v12;
	[tilespmem:s7+$0x3E8] =	vst v17  }
0xa4: {  	s5 =	sadd.s32 $0x388, s7;
	[tilespmem:s7+$0x3F8] =	vst v18  }
0xa5: {  	[tilespmem:s25], [sflag:$0x6] =	stream.indirect.gather.add.f32 [spmem:s2], $0x80, s5, s19, $0xb8;
	[tilespmem:$0x1E588] =	vst v63  }
0xa6: {  	v19 =	vld [tilespmem:s7+$0x408]  }
0xa7: {  	v20 =	vld [tilespmem:s7+$0x418]  }
0xa8: {  	v21 =	vld [tilespmem:s7+$0x428]  }
0xa9: {  	v22 =	vld [tilespmem:s7+$0x438]  }
0xaa: {  	v23 =	vld [tilespmem:s7+$0x448]  }
0xab: {  	v24 =	vld [tilespmem:s7+$0x458];
	vm4 =	veq.s32 v19, $0xFFFFFFFF  }
0xac: {  	v25 =	vld [tilespmem:s7+$0x468];
	vm5 =	veq.s32 v20, $0xFFFFFFFF;
	v0 =	vsel vm4, $0x30, v19  }
0xad: {  	v27 =	vld [tilespmem:s7+$0x478];
	vm6 =	veq.s32 v21, $0xFFFFFFFF;
	v26 =	vsel vm5, $0x30, v20;
	[tilespmem:s7+$0x408] =	vst v0  }
0xae: {  	vm7 =	veq.s32 v22, $0xFFFFFFFF;
	v28 =	vsel vm6, $0x30, v21;
	[tilespmem:s7+$0x418] =	vst v26  }
0xaf: {  	vm8 =	veq.s32 v23, $0xFFFFFFFF;
	v29 =	vsel vm7, $0x30, v22;
	[tilespmem:s7+$0x428] =	vst v28  }
0xb0: {  	vm9 =	veq.s32 v24, $0xFFFFFFFF;
	v30 =	vsel vm8, $0x30, v23;
	[tilespmem:s7+$0x438] =	vst v29  }
0xb1: {  	vm10 =	veq.s32 v25, $0xFFFFFFFF;
	v31 =	vsel vm9, $0x30, v24;
	[tilespmem:s7+$0x448] =	vst v30  }
0xb2: {  	vm11 =	veq.s32 v27, $0xFFFFFFFF;
	v32 =	vsel vm10, $0x30, v25;
	[tilespmem:s7+$0x458] =	vst v31  }
0xb3: {  	v33 =	vsel vm11, $0x30, v27;
	[tilespmem:s7+$0x468] =	vst v32  }
0xb4: {  	s5 =	sadd.s32 $0x408, s7;
	[tilespmem:s7+$0x478] =	vst v33  }
0xb5: {  	[tilespmem:s29], [sflag:$0x6] =	stream.indirect.gather.add.f32 [spmem:s2], $0x80, s5, s19, $0xb8;
	[tilespmem:$0x1E588] =	vst v63  }
0xb6: {  	_ =	swait.ge [sflag:s30], $0x8000  }
0xb7: {  	[sflag:s30] =	ssyncset.done $0x0  }
0xb8: {  	s9 =	sadd.s32 $0x3000, s9;
	[sflag:s30] =	ssyncadd.s32 $0xFFFF8000  }
0xb9: {  	[tilespmem:s16], [sflag:$0x1] =	stream.linear.gather [hbm4b:s9+s3], $0x8000, $0x38;
	[tilespmem:$0x1E588] =	vst v63  }
0xba: {  	_ =	swait.ge [sflag:s31], $0x4000  }
0xbb: {  	[sflag:s31] =	ssyncset.done $0x0  }
0xbc: {  	[sflag:s31] =	ssyncadd.s32 $0xFFFFC000  }
0xbd: {  	_ =	swait.ge [sflag:s31], $0x4000  }
0xbe: {  	[sflag:s31] =	ssyncset.done $0x0  }
0xbf: {  	s14 =	sadd.s32 $0x2000, s14;
	[sflag:s31] =	ssyncadd.s32 $0xFFFFC000  }
0xc0: {  	[hbm4b:s14+s3] =	stream.linear.scatter [tilespmem:s25], [sflag:$0x9], $0x8000, $0x38;
	[tilespmem:$0x1E588] =	vst v63  }
0xc1: {  	_ =	swait.ge [sflag:s18], $0x8000  }
0xc2: {  	[sflag:s18] =	ssyncset.done $0x0  }
0xc3: {  	[sflag:s18] =	ssyncadd.s32 $0xFFFF8000  }
0xc4: {  	v34 =	vld [tilespmem:s7+$0x488]  }
0xc5: {  	v35 =	vld [tilespmem:s7+$0x498]  }
0xc6: {  	v36 =	vld [tilespmem:s7+$0x4A8]  }
0xc7: {  	v37 =	vld [tilespmem:s7+$0x4B8]  }
0xc8: {  	v38 =	vld [tilespmem:s7+$0x4C8]  }
0xc9: {  	v39 =	vld [tilespmem:s7+$0x4D8];
	vm12 =	veq.s32 v34, $0xFFFFFFFF  }
0xca: {  	v40 =	vld [tilespmem:s7+$0x4E8];
	vm13 =	veq.s32 v35, $0xFFFFFFFF;
	v0 =	vsel vm12, $0x30, v34  }
0xcb: {  	v42 =	vld [tilespmem:s7+$0x4F8];
	vm14 =	veq.s32 v36, $0xFFFFFFFF;
	v41 =	vsel vm13, $0x30, v35;
	[tilespmem:s7+$0x488] =	vst v0  }
0xcc: {  	vm15 =	veq.s32 v37, $0xFFFFFFFF;
	v43 =	vsel vm14, $0x30, v36;
	[tilespmem:s7+$0x498] =	vst v41  }
0xcd: {  	vm4 =	veq.s32 v38, $0xFFFFFFFF;
	v44 =	vsel vm15, $0x30, v37;
	[tilespmem:s7+$0x4A8] =	vst v43  }
0xce: {  	vm5 =	veq.s32 v39, $0xFFFFFFFF;
	v45 =	vsel vm4, $0x30, v38;
	[tilespmem:s7+$0x4B8] =	vst v44  }
0xcf: {  	vm6 =	veq.s32 v40, $0xFFFFFFFF;
	v46 =	vsel vm5, $0x30, v39;
	[tilespmem:s7+$0x4C8] =	vst v45  }
0xd0: {  	vm7 =	veq.s32 v42, $0xFFFFFFFF;
	v47 =	vsel vm6, $0x30, v40;
	[tilespmem:s7+$0x4D8] =	vst v46  }
0xd1: {  	v48 =	vsel vm7, $0x30, v42;
	[tilespmem:s7+$0x4E8] =	vst v47  }
0xd2: {  	s9 =	sadd.s32 $0x488, s7;
	[tilespmem:s7+$0x4F8] =	vst v48  }
0xd3: {  	[tilespmem:s16], [sflag:$0x4] =	stream.indirect.gather.add.f32 [spmem:s2], $0x80, s9, s19, $0xb8;
	[tilespmem:$0x1E588] =	vst v63  }
0xd4: {  	v49 =	vld [tilespmem:s7+$0x508]  }
0xd5: {  	v50 =	vld [tilespmem:s7+$0x518]  }
0xd6: {  	v51 =	vld [tilespmem:s7+$0x528]  }
0xd7: {  	v52 =	vld [tilespmem:s7+$0x538]  }
0xd8: {  	v53 =	vld [tilespmem:s7+$0x548]  }
0xd9: {  	v54 =	vld [tilespmem:s7+$0x558];
	vm8 =	veq.s32 v49, $0xFFFFFFFF  }
0xda: {  	v55 =	vld [tilespmem:s7+$0x568];
	vm9 =	veq.s32 v50, $0xFFFFFFFF;
	v0 =	vsel vm8, $0x30, v49  }
0xdb: {  	v57 =	vld [tilespmem:s7+$0x578];
	vm10 =	veq.s32 v51, $0xFFFFFFFF;
	v56 =	vsel vm9, $0x30, v50;
	[tilespmem:s7+$0x508] =	vst v0  }
0xdc: {  	vm11 =	veq.s32 v52, $0xFFFFFFFF;
	v58 =	vsel vm10, $0x30, v51;
	[tilespmem:s7+$0x518] =	vst v56  }
0xdd: {  	vm12 =	veq.s32 v53, $0xFFFFFFFF;
	v59 =	vsel vm11, $0x30, v52;
	[tilespmem:s7+$0x528] =	vst v58  }
0xde: {  	p1 =	seq.s32 s4, $0x18000;
	vm13 =	veq.s32 v54, $0xFFFFFFFF;
	v60 =	vsel vm12, $0x30, v53;
	[tilespmem:s7+$0x538] =	vst v59  }
.Ltmp2:
0xdf: {  	vm14 =	veq.s32 v55, $0xFFFFFFFF;
	v61 =	vsel vm13, $0x30, v54;
	[tilespmem:s7+$0x548] =	vst v60;
	(pc) =	sbr.rel @p1 .LBB2_4-.Ltmp2, $4  }
0xe0: {  	vm15 =	veq.s32 v57, $0xFFFFFFFF;
	v62 =	vsel vm14, $0x30, v55;
	[tilespmem:s7+$0x558] =	vst v61  }
0xe1: {  	v63 =	vsel vm15, $0x30, v57;
	[tilespmem:s7+$0x568] =	vst v62  }
0xe2: {  	s14 =	sadd.s32 $0x508, s7;
	[tilespmem:s7+$0x578] =	vst v63  }
0xe3: {  	[tilespmem:s21], [sflag:$0x4] =	stream.indirect.gather.add.f32 [spmem:s2], $0x80, s14, s19, $0xb8;
	[tilespmem:$0x1E588] =	vst v63  }
.Ltmp3:
0xe4: {  	(pc) =	sbr.rel .LBB2_2-.Ltmp3, $4  }
0xe5: {  	_ =	swait.ge [sflag:s1], $0x8000  }
0xe6: {  	s5 =	sadd.s32 s6, s10;
	[sflag:s1] =	ssyncset.done $0x0  }
0xe7: {  	s6 =	sadd.s32 $0x3000, s6;
	s4 =	sadd.s32 $0xC00, s4;
	[sflag:s1] =	ssyncadd.s32 $0xFFFF8000  }
0xe8: {  	[tilespmem:s17], [sflag:$0x2] =	stream.linear.gather [hbm4b:s5+s3], $0x8000, $0x38;
	[tilespmem:$0x1E588] =	vst v63  }
.LBB2_5:
0xe9: {  	_ =	sfence.sel $0x180000  }
0xea: {  	[bflag:$0x0] =	sbarrier.arrive $0xFFFF  }
0xeb: {  	_ =	strace $0x90000047  }
0xec: {  	[bflag:$0x2] =	sbarrier.arrive $0xFFFF  }
0xed: {  	s0 =	rddreg [dreg:$0x5]  }
0xee: {  	s0 =	sadd.s32 @!p0 $0x100000, s0  }
0xef: {  	[sflag:s0] =	ssyncadd.tile.s32 @!p0 $0x1;
	_ =	shalt  }
.Lfunc_end2:
_tile_overlayer_lowered:
.L_overlay_start_2:
0xf0: {  	(tag) =	ssettag $0x2  }
0xf1: {  	s0 =	rddreg [dreg:$0x0];
	s2 =	stileid.u32  }
0xf2: {  	s1 =	rddreg [dreg:$0x1];
	p0 =	sne.s32 s2, $0x0  }
0xf3: {  	s3 =	rddreg [dreg:$0x2];
	[bflag:$0x3] =	sbarrier.arrive $0xFFFF;
	s2 =	simm.s32 @!p0 $0x1C0A  }
0xf4: {  	[timem:s3], [sflag:s2] =	dma.local @!p0 [hbm:s0], s1  }
0xf5: {  	s0 =	simm.s32 @!p0 $0xA  }
0xf6: {  	_ =	swait.ge @!p0 [sflag:s0], s1  }
0xf7: {  	s1 =	ssub.s32 @!p0 $0x0, s1;
	[sflag:s0] =	ssyncset.done @!p0 $0x0  }
0xf8: {  	[sflag:s0] =	ssyncadd.s32 @!p0 s1  }
0xf9: {  	[bflag:$0x3] =	sbarrier.arrive $0xFFFF  }
0xfa: {  	_ =	shalt  }

</sc_bundles>
